<compile_context>
chip_gen: v7x
topology: tpu7x:2x2x1
jax: 0.10.2.dev20260603
libtpu: 0.0.44.dev20260713+nightly
codegen_flags: <defaults>
</compile_context>

<pallas_src>
import functools

import jax
import jax.numpy as jnp
from jax import lax
from jax.experimental import pallas as pl
from jax.experimental.pallas import tpu as pltpu
from jax.experimental.pallas import tpu_sc as plsc

N = 10000
E = 320000
D = 128

NC = 2
NS = 16
NW = NC * NS

NPAD = 10240
RT = NPAD // NS
K = 80
EW = E // NW
CW = EW // K
NBUF = 4
GLEAD = 2
SLAG = 2
DG = 5
DB = CW // DG

RB = 2048
NBLK = NPAD // RB
RBO = RB
NBLKO = NBLK


def _make_agg(with_deg):
    def body(*args):
        if with_deg:
            (x_hbm, edge_hbm,
             p_out, degp_out,
             acc_sh, deg_sh, ibuf, rows_v, ones_v,
             gsem, ssem, dsem, isem, zsem) = args
        else:
            (x_hbm, edge_hbm,
             p_out,
             acc_sh, ibuf, rows_v,
             gsem, ssem, isem, zsem) = args
        cid = lax.axis_index("c")
        sid = lax.axis_index("s")
        wid = sid * NC + cid

        pltpu.sync_copy(edge_hbm.at[0, wid, 0], ibuf.at[0, 0])
        pltpu.sync_copy(edge_hbm.at[1, wid, 0], ibuf.at[0, 1])

        def gather_idx(cn):
            return ibuf.at[lax.rem(lax.div(cn, DG), 2), 0, lax.rem(cn, DG)]

        for cn in range(GLEAD):
            pltpu.async_copy(x_hbm.at[gather_idx(cn)], rows_v.at[cn],
                             gsem.at[cn])

        z16 = jnp.zeros((16,), jnp.float32)

        def zfill(i, carry):
            for j in range(D // 16):
                rows_v[NBUF - 1, i, pl.ds(j * 16, 16)] = z16
            return carry

        lax.fori_loop(0, K, zfill, 0)
        if with_deg:
            one16 = jnp.full((16,), 1.0, jnp.float32)
            for j in range(K // 16):
                ones_v[pl.ds(j * 16, 16)] = one16
        zrow = rows_v.at[NBUF - 1]
        for t in range(RT // K):
            pltpu.async_copy(
                zrow, acc_sh.at[pl.ds(sid * RT + t * K, K)], zsem)
        if with_deg:
            for t in range(RT // D):
                pltpu.async_copy(
                    rows_v.at[NBUF - 1, 0],
                    deg_sh.at[pl.ds(sid * RT + t * D, D)], zsem)
        for t in range(RT // K):
            pltpu.make_async_copy(
                zrow, acc_sh.at[pl.ds(sid * RT, K)], zsem).wait()
        if with_deg:
            for t in range(RT // D):
                pltpu.make_async_copy(
                    rows_v.at[NBUF - 1, 0],
                    deg_sh.at[pl.ds(sid * RT, D)], zsem).wait()
        plsc.subcore_barrier()

        def chunk(ci, carry):
            b = lax.rem(ci, NBUF)
            g = lax.div(ci, DG)
            r = lax.rem(ci, DG)
            gb = lax.rem(g, 2)

            nb = lax.rem(ci + GLEAD, NBUF)

            @pl.when(ci >= SLAG)
            def _():
                pltpu.make_async_copy(
                    rows_v.at[0], acc_sh.at[ibuf.at[0, 1, 0]],
                    ssem.at[nb]).wait()
                if with_deg:
                    pltpu.make_async_copy(
                        ones_v, deg_sh.at[ibuf.at[0, 1, 0]],
                        dsem.at[nb]).wait()

            @pl.when(jnp.logical_and(r == 2, g + 1 < DB))
            def _():
                pltpu.async_copy(edge_hbm.at[0, wid, g + 1],
                                 ibuf.at[1 - gb, 0], isem.at[0])
                pltpu.async_copy(edge_hbm.at[1, wid, g + 1],
                                 ibuf.at[1 - gb, 1], isem.at[1])

            @pl.when(jnp.logical_and(r == 3, g + 1 < DB))
            def _():
                pltpu.make_async_copy(edge_hbm.at[0, wid, 0],
                                      ibuf.at[0, 0], isem.at[0]).wait()
                pltpu.make_async_copy(edge_hbm.at[1, wid, 0],
                                      ibuf.at[0, 1], isem.at[1]).wait()

            @pl.when(ci + GLEAD < CW)
            def _():
                pltpu.async_copy(x_hbm.at[gather_idx(ci + GLEAD)],
                                 rows_v.at[nb], gsem.at[nb])

            pltpu.make_async_copy(
                x_hbm.at[gather_idx(ci)], rows_v.at[b], gsem.at[b]).wait()
            didx = ibuf.at[gb, 1, r]
            pltpu.async_copy(rows_v.at[b], acc_sh.at[didx], ssem.at[b],
                             add=True)
            if with_deg:
                pltpu.async_copy(ones_v, deg_sh.at[didx], dsem.at[b],
                                 add=True)
            return carry

        lax.fori_loop(0, CW, chunk, 0)
        for k in range(SLAG):
            slot = (CW - SLAG + k) % NBUF
            pltpu.make_async_copy(
                rows_v.at[0], acc_sh.at[ibuf.at[0, 1, 0]],
                ssem.at[slot]).wait()
            if with_deg:
                pltpu.make_async_copy(
                    ones_v, deg_sh.at[ibuf.at[0, 1, 0]],
                    dsem.at[slot]).wait()
        plsc.subcore_barrier()

        pltpu.sync_copy(acc_sh.at[pl.ds(sid * RT, RT)],
                        p_out.at[cid, pl.ds(sid * RT, RT)])
        if with_deg:
            pltpu.sync_copy(deg_sh.at[pl.ds(sid * RT, RT)],
                            degp_out.at[cid, pl.ds(sid * RT, RT)])

    if with_deg:
        out_type = (jax.ShapeDtypeStruct((NC, NPAD, D), jnp.float32),
                    jax.ShapeDtypeStruct((NC, NPAD), jnp.float32))
    else:
        out_type = jax.ShapeDtypeStruct((NC, NPAD, D), jnp.float32)
    scratch = [pltpu.VMEM_SHARED((NPAD, D), jnp.float32)]
    if with_deg:
        scratch.append(pltpu.VMEM_SHARED((NPAD,), jnp.float32))
    scratch += [
        pltpu.VMEM((2, 2, DG, K), jnp.int32),
        pltpu.VMEM((NBUF, K, D), jnp.float32),
    ]
    if with_deg:
        scratch.append(pltpu.VMEM((K,), jnp.float32))
    scratch += [pltpu.SemaphoreType.DMA((NBUF,)),
                pltpu.SemaphoreType.DMA((NBUF,))]
    if with_deg:
        scratch.append(pltpu.SemaphoreType.DMA((NBUF,)))
    scratch.append(pltpu.SemaphoreType.DMA((2,)))
    scratch.append(pltpu.SemaphoreType.DMA)
    return pl.kernel(
        body,
        out_type=out_type,
        mesh=plsc.VectorSubcoreMesh(core_axis_name="c", subcore_axis_name="s"),
        scratch_types=tuple(scratch),
    )


_sc_agg1 = _make_agg(True)
_sc_agg2 = _make_agg(False)


def _combine_body(p_ref, degp_ref, x1_ref):
    i = pl.program_id(0)
    deg = degp_ref[0, pl.ds(i * RB, RB)] + degp_ref[1, pl.ds(i * RB, RB)]
    rec = 1.0 / jnp.maximum(deg, 1.0)
    x1_ref[...] = (p_ref[0] + p_ref[1]) * rec[:, None]


def _tc_combine(p, degp):
    return pl.pallas_call(
        _combine_body,
        grid=(NBLK,),
        in_specs=[
            pl.BlockSpec((NC, RB, D), lambda i: (0, i, 0)),
            pl.BlockSpec((NC, NPAD), lambda i: (0, 0)),
        ],
        out_specs=pl.BlockSpec((RB, D), lambda i: (i, 0)),
        out_shape=jax.ShapeDtypeStruct((NPAD, D), jnp.float32),
    )(p, degp)


def _final_body(p_ref, degp_ref, x1_ref, out_ref):
    i = pl.program_id(0)
    deg = degp_ref[0, pl.ds(i * RBO, RBO)] + degp_ref[1, pl.ds(i * RBO, RBO)]
    rec = 1.0 / jnp.maximum(deg, 1.0)
    x2 = (p_ref[0] + p_ref[1]) * rec[:, None]
    x1 = x1_ref[...]
    dot = jnp.sum(x1 * x2, axis=1, keepdims=True)
    n1 = jnp.sqrt(jnp.sum(x1 * x1, axis=1, keepdims=True))
    n2 = jnp.sqrt(jnp.sum(x2 * x2, axis=1, keepdims=True))
    w = dot / (jnp.maximum(n1, 1e-8) * jnp.maximum(n2, 1e-8))
    out_ref[...] = w * x2 + (1.0 - w) * x1


def _tc_final(p2, degp, x1):
    return pl.pallas_call(
        _final_body,
        grid=(NBLKO,),
        in_specs=[
            pl.BlockSpec((NC, RBO, D), lambda i: (0, i, 0)),
            pl.BlockSpec((NC, NPAD), lambda i: (0, 0)),
            pl.BlockSpec((RBO, D), lambda i: (i, 0)),
        ],
        out_specs=pl.BlockSpec((RBO, D), lambda i: (i, 0)),
        out_shape=jax.ShapeDtypeStruct((N, D), jnp.float32),
    )(p2, degp, x1)


def kernel(features, edge_index):
    edge5 = edge_index.reshape(2, NW, DB, DG, K)

    p1, degp = _sc_agg1(features, edge5)
    x1 = _tc_combine(p1, degp)
    p2 = _sc_agg2(x1, edge5)
    return _tc_final(p2, degp, x1)

# --- scband reference (transcript-rebuilt; emitter-appended) ---
"""Pipeline reference for scband-graph-gcn-13718125543732 (READ-ONLY COPY).

The authoritative reference and input builder live on the scoring server;
editing this copy changes nothing except your own understanding.
"""

import jax, jax.numpy as jnp
import numpy as np

N_NODES = 10000
N_EDGES = 320000
D_FEAT = 128


def setup_inputs(seed: int = 0) -> dict:
    key = jax.random.key(seed)
    k1, k2 = jax.random.split(key)
    features = jax.random.normal(k1, (N_NODES, D_FEAT), dtype=jnp.float32)
    edge_index = jax.random.randint(k2, (2, N_EDGES), 0, N_NODES, dtype=jnp.int32)
    return {"features": features, "edge_index": edge_index}


def _mean_aggregate(x, src, dst, n_nodes):
    # dgl: copy_u('h','m') then mean('m','h') -> mean of in-neighbor features per dst node
    msg = jnp.take(x, src, axis=0)
    summed = jax.ops.segment_sum(msg, dst, num_segments=n_nodes)
    deg = jax.ops.segment_sum(jnp.ones((src.shape[0],), dtype=x.dtype), dst, num_segments=n_nodes)
    # nodes with zero in-degree get 0 (summed is 0, divide by 1)
    return summed / jnp.maximum(deg, 1.0)[:, None]


def reference(features, edge_index):
    src = edge_index[0]
    dst = edge_index[1]
    x1 = _mean_aggregate(features, src, dst, N_NODES)
    x2 = _mean_aggregate(x1, src, dst, N_NODES)
    # F.cosine_similarity(x2, x1, dim=-1) with torch eps=1e-8
    dot = jnp.sum(x1 * x2, axis=-1)
    n1 = jnp.sqrt(jnp.sum(x1 * x1, axis=-1))
    n2 = jnp.sqrt(jnp.sum(x2 * x2, axis=-1))
    weights = dot / (jnp.maximum(n1, 1e-8) * jnp.maximum(n2, 1e-8))
    weights = weights[:, None]
    final_embedding = weights * x2 + (1.0 - weights) * x1
    return final_embedding

if __name__ == "__main__":
    import jax
    _d = setup_inputs()
    print(jax.jit(kernel)(*tuple(_d.values())))

</pallas_src>

<mosaic_0001>
#map = affine_map<(d0, d1) -> (0, 0)>
#map1 = affine_map<(d0, d1) -> (0, 0, 0, 0, 0)>
#map2 = affine_map<(d0, d1) -> (0, 0, 0)>
module attributes {stable_mosaic.version = 14 : i64} {
  func.func @body(%arg0: i32, %arg1: i32, %arg2: memref<10240x128xf32, #tpu.memory_space<hbm>>, %arg3: memref<2x32x25x5x80xi32, #tpu.memory_space<hbm>>, %arg4: memref<2x10240x128xf32, #tpu.memory_space<hbm>>, %arg5: memref<10240x128xf32, #tpu.memory_space<vmem_shared>>, %arg6: memref<2x2x5x80xi32, #tpu.memory_space<vmem>>, %arg7: memref<4x80x128xf32, #tpu.memory_space<vmem>>, %arg8: memref<4x!tpu.dma_semaphore, #tpu.memory_space<semaphore_mem>>, %arg9: memref<4x!tpu.dma_semaphore, #tpu.memory_space<semaphore_mem>>, %arg10: memref<2x!tpu.dma_semaphore, #tpu.memory_space<semaphore_mem>>, %arg11: memref<!tpu.dma_semaphore, #tpu.memory_space<semaphore_mem>>) attributes {dimension_semantics = [#tpu.dimension_semantics<core_parallel>, #tpu.dimension_semantics<subcore_parallel>], iteration_bounds = array<i64: 2, 16>, scalar_prefetch = 0 : i64, scratch_operands = 7 : i64, tpu.core_type = #tpu.core_type<sc_vector_subcore>, window_params = [{transform_indices = #map}, {transform_indices = #map1}, {transform_indices = #map2}]} {
    %mul3A = arith.constant 2 : i32
    %mul3A_0 = arith.muli %arg1, %mul3A : i32
    %add3A = arith.addi %mul3A_0, %arg0 : i32
    %run_scoped3A = arith.constant 0 : i32
    %run_scoped3A_1 = arith.constant 0 : i32
    %run_scoped3A_2 = arith.constant 0 : i32
    %run_scoped3A_3 = arith.constant 0 : i32
    "tpu.region"() ({
      %run_scoped3A_357 = tpu.sem_alloc : memref<!tpu.dma_semaphore, #tpu.memory_space<semaphore_mem>>
      %dma_start3A_358 = arith.constant 0 : i32
      %dma_start3A_359 = arith.constant 0 : i32
      %dma_start3A_360 = tpu.memref_slice %arg6[%run_scoped3A_2, %run_scoped3A_3, %dma_start3A_358, %dma_start3A_359] : memref<2x2x5x80xi32, #tpu.memory_space<vmem>> -> memref<1x1x5x80xi32, #tpu.memory_space<vmem>>
      %dma_start3A_361 = tpu.memref_squeeze %dma_start3A_360 : memref<1x1x5x80xi32, #tpu.memory_space<vmem>> -> memref<5x80xi32, #tpu.memory_space<vmem>>
      %dma_start3A_362 = arith.constant 0 : i32
      %dma_start3A_363 = arith.constant 0 : i32
      %dma_start3A_364 = tpu.memref_slice %arg3[%run_scoped3A, %add3A, %run_scoped3A_1, %dma_start3A_362, %dma_start3A_363] : memref<2x32x25x5x80xi32, #tpu.memory_space<hbm>> -> memref<1x1x1x5x80xi32, #tpu.memory_space<hbm>>
      %dma_start3A_365 = tpu.memref_squeeze %dma_start3A_364 : memref<1x1x1x5x80xi32, #tpu.memory_space<hbm>> -> memref<5x80xi32, #tpu.memory_space<hbm>>
      %dma_start3A_366 = arith.constant 0 : i32
      %dma_start3A_367 = arith.constant 0 : i32
      %dma_start3A_368 = tpu.memref_slice %arg6[%run_scoped3A_2, %run_scoped3A_3, %dma_start3A_366, %dma_start3A_367] : memref<2x2x5x80xi32, #tpu.memory_space<vmem>> -> memref<1x1x5x80xi32, #tpu.memory_space<vmem>>
      %dma_start3A_369 = tpu.memref_squeeze %dma_start3A_368 : memref<1x1x5x80xi32, #tpu.memory_space<vmem>> -> memref<5x80xi32, #tpu.memory_space<vmem>>
      %dma_start3A_370 = arith.constant 0 : i32
      %dma_start3A_371 = arith.constant 0 : i32
      %dma_start3A_372 = tpu.memref_slice %arg3[%run_scoped3A, %add3A, %run_scoped3A_1, %dma_start3A_370, %dma_start3A_371] : memref<2x32x25x5x80xi32, #tpu.memory_space<hbm>> -> memref<1x1x1x5x80xi32, #tpu.memory_space<hbm>>
      %dma_start3A_373 = tpu.memref_squeeze %dma_start3A_372 : memref<1x1x1x5x80xi32, #tpu.memory_space<hbm>> -> memref<5x80xi32, #tpu.memory_space<hbm>>
      tpu.enqueue_dma source(%dma_start3A_373 : memref<5x80xi32, #tpu.memory_space<hbm>>) target(%dma_start3A_369 : memref<5x80xi32, #tpu.memory_space<vmem>>) target_semaphore(%run_scoped3A_357 : memref<!tpu.dma_semaphore, #tpu.memory_space<semaphore_mem>>)
      %dma_wait3A_374 = arith.constant 0 : i32
      %dma_wait3A_375 = arith.constant 0 : i32
      %dma_wait3A_376 = tpu.memref_slice %arg6[%run_scoped3A_2, %run_scoped3A_3, %dma_wait3A_374, %dma_wait3A_375] : memref<2x2x5x80xi32, #tpu.memory_space<vmem>> -> memref<1x1x5x80xi32, #tpu.memory_space<vmem>>
      %dma_wait3A_377 = tpu.memref_squeeze %dma_wait3A_376 : memref<1x1x5x80xi32, #tpu.memory_space<vmem>> -> memref<5x80xi32, #tpu.memory_space<vmem>>
      %dma_wait3A_378 = arith.constant 0 : i32
      %dma_wait3A_379 = arith.constant 0 : i32
      %dma_wait3A_380 = tpu.memref_slice %arg3[%run_scoped3A, %add3A, %run_scoped3A_1, %dma_wait3A_378, %dma_wait3A_379] : memref<2x32x25x5x80xi32, #tpu.memory_space<hbm>> -> memref<1x1x1x5x80xi32, #tpu.memory_space<hbm>>
      %dma_wait3A_381 = tpu.memref_squeeze %dma_wait3A_380 : memref<1x1x1x5x80xi32, #tpu.memory_space<hbm>> -> memref<5x80xi32, #tpu.memory_space<hbm>>
      %dma_wait3A_382 = arith.constant 0 : i32
      %dma_wait3A_383 = arith.constant 0 : i32
      %dma_wait3A_384 = tpu.memref_slice %arg6[%run_scoped3A_2, %run_scoped3A_3, %dma_wait3A_382, %dma_wait3A_383] : memref<2x2x5x80xi32, #tpu.memory_space<vmem>> -> memref<1x1x5x80xi32, #tpu.memory_space<vmem>>
      %dma_wait3A_385 = tpu.memref_squeeze %dma_wait3A_384 : memref<1x1x5x80xi32, #tpu.memory_space<vmem>> -> memref<5x80xi32, #tpu.memory_space<vmem>>
      %dma_wait3A_386 = arith.constant 0 : i32
      %dma_wait3A_387 = arith.constant 0 : i32
      %dma_wait3A_388 = tpu.memref_slice %arg3[%run_scoped3A, %add3A, %run_scoped3A_1, %dma_wait3A_386, %dma_wait3A_387] : memref<2x32x25x5x80xi32, #tpu.memory_space<hbm>> -> memref<1x1x1x5x80xi32, #tpu.memory_space<hbm>>
      %dma_wait3A_389 = tpu.memref_squeeze %dma_wait3A_388 : memref<1x1x1x5x80xi32, #tpu.memory_space<hbm>> -> memref<5x80xi32, #tpu.memory_space<hbm>>
      tpu.wait_dma2 semaphore(%run_scoped3A_357 : memref<!tpu.dma_semaphore, #tpu.memory_space<semaphore_mem>>) src(%dma_wait3A_389 : memref<5x80xi32, #tpu.memory_space<hbm>>) dst(%dma_wait3A_385 : memref<5x80xi32, #tpu.memory_space<vmem>>)
      tpu.yield
    }) : () -> ()
    %run_scoped3A_4 = arith.constant 1 : i32
    %run_scoped3A_5 = arith.constant 0 : i32
    %run_scoped3A_6 = arith.constant 0 : i32
    %run_scoped3A_7 = arith.constant 1 : i32
    "tpu.region"() ({
      %run_scoped3A_357 = tpu.sem_alloc : memref<!tpu.dma_semaphore, #tpu.memory_space<semaphore_mem>>
      %dma_start3A_358 = arith.constant 0 : i32
      %dma_start3A_359 = arith.constant 0 : i32
      %dma_start3A_360 = tpu.memref_slice %arg6[%run_scoped3A_6, %run_scoped3A_7, %dma_start3A_358, %dma_start3A_359] : memref<2x2x5x80xi32, #tpu.memory_space<vmem>> -> memref<1x1x5x80xi32, #tpu.memory_space<vmem>>
      %dma_start3A_361 = tpu.memref_squeeze %dma_start3A_360 : memref<1x1x5x80xi32, #tpu.memory_space<vmem>> -> memref<5x80xi32, #tpu.memory_space<vmem>>
      %dma_start3A_362 = arith.constant 0 : i32
      %dma_start3A_363 = arith.constant 0 : i32
      %dma_start3A_364 = tpu.memref_slice %arg3[%run_scoped3A_4, %add3A, %run_scoped3A_5, %dma_start3A_362, %dma_start3A_363] : memref<2x32x25x5x80xi32, #tpu.memory_space<hbm>> -> memref<1x1x1x5x80xi32, #tpu.memory_space<hbm>>
      %dma_start3A_365 = tpu.memref_squeeze %dma_start3A_364 : memref<1x1x1x5x80xi32, #tpu.memory_space<hbm>> -> memref<5x80xi32, #tpu.memory_space<hbm>>
      %dma_start3A_366 = arith.constant 0 : i32
      %dma_start3A_367 = arith.constant 0 : i32
      %dma_start3A_368 = tpu.memref_slice %arg6[%run_scoped3A_6, %run_scoped3A_7, %dma_start3A_366, %dma_start3A_367] : memref<2x2x5x80xi32, #tpu.memory_space<vmem>> -> memref<1x1x5x80xi32, #tpu.memory_space<vmem>>
      %dma_start3A_369 = tpu.memref_squeeze %dma_start3A_368 : memref<1x1x5x80xi32, #tpu.memory_space<vmem>> -> memref<5x80xi32, #tpu.memory_space<vmem>>
      %dma_start3A_370 = arith.constant 0 : i32
      %dma_start3A_371 = arith.constant 0 : i32
      %dma_start3A_372 = tpu.memref_slice %arg3[%run_scoped3A_4, %add3A, %run_scoped3A_5, %dma_start3A_370, %dma_start3A_371] : memref<2x32x25x5x80xi32, #tpu.memory_space<hbm>> -> memref<1x1x1x5x80xi32, #tpu.memory_space<hbm>>
      %dma_start3A_373 = tpu.memref_squeeze %dma_start3A_372 : memref<1x1x1x5x80xi32, #tpu.memory_space<hbm>> -> memref<5x80xi32, #tpu.memory_space<hbm>>
      tpu.enqueue_dma source(%dma_start3A_373 : memref<5x80xi32, #tpu.memory_space<hbm>>) target(%dma_start3A_369 : memref<5x80xi32, #tpu.memory_space<vmem>>) target_semaphore(%run_scoped3A_357 : memref<!tpu.dma_semaphore, #tpu.memory_space<semaphore_mem>>)
      %dma_wait3A_374 = arith.constant 0 : i32
      %dma_wait3A_375 = arith.constant 0 : i32
      %dma_wait3A_376 = tpu.memref_slice %arg6[%run_scoped3A_6, %run_scoped3A_7, %dma_wait3A_374, %dma_wait3A_375] : memref<2x2x5x80xi32, #tpu.memory_space<vmem>> -> memref<1x1x5x80xi32, #tpu.memory_space<vmem>>
      %dma_wait3A_377 = tpu.memref_squeeze %dma_wait3A_376 : memref<1x1x5x80xi32, #tpu.memory_space<vmem>> -> memref<5x80xi32, #tpu.memory_space<vmem>>
      %dma_wait3A_378 = arith.constant 0 : i32
      %dma_wait3A_379 = arith.constant 0 : i32
      %dma_wait3A_380 = tpu.memref_slice %arg3[%run_scoped3A_4, %add3A, %run_scoped3A_5, %dma_wait3A_378, %dma_wait3A_379] : memref<2x32x25x5x80xi32, #tpu.memory_space<hbm>> -> memref<1x1x1x5x80xi32, #tpu.memory_space<hbm>>
      %dma_wait3A_381 = tpu.memref_squeeze %dma_wait3A_380 : memref<1x1x1x5x80xi32, #tpu.memory_space<hbm>> -> memref<5x80xi32, #tpu.memory_space<hbm>>
      %dma_wait3A_382 = arith.constant 0 : i32
      %dma_wait3A_383 = arith.constant 0 : i32
      %dma_wait3A_384 = tpu.memref_slice %arg6[%run_scoped3A_6, %run_scoped3A_7, %dma_wait3A_382, %dma_wait3A_383] : memref<2x2x5x80xi32, #tpu.memory_space<vmem>> -> memref<1x1x5x80xi32, #tpu.memory_space<vmem>>
      %dma_wait3A_385 = tpu.memref_squeeze %dma_wait3A_384 : memref<1x1x5x80xi32, #tpu.memory_space<vmem>> -> memref<5x80xi32, #tpu.memory_space<vmem>>
      %dma_wait3A_386 = arith.constant 0 : i32
      %dma_wait3A_387 = arith.constant 0 : i32
      %dma_wait3A_388 = tpu.memref_slice %arg3[%run_scoped3A_4, %add3A, %run_scoped3A_5, %dma_wait3A_386, %dma_wait3A_387] : memref<2x32x25x5x80xi32, #tpu.memory_space<hbm>> -> memref<1x1x1x5x80xi32, #tpu.memory_space<hbm>>
      %dma_wait3A_389 = tpu.memref_squeeze %dma_wait3A_388 : memref<1x1x1x5x80xi32, #tpu.memory_space<hbm>> -> memref<5x80xi32, #tpu.memory_space<hbm>>
      tpu.wait_dma2 semaphore(%run_scoped3A_357 : memref<!tpu.dma_semaphore, #tpu.memory_space<semaphore_mem>>) src(%dma_wait3A_389 : memref<5x80xi32, #tpu.memory_space<hbm>>) dst(%dma_wait3A_385 : memref<5x80xi32, #tpu.memory_space<vmem>>)
      tpu.yield
    }) : () -> ()
    %div3A = arith.constant 0 : i32
    %div3A_8 = arith.constant 5 : i32
    %div3A_9 = arith.divsi %div3A, %div3A_8 : i32
    %rem3A = arith.constant 2 : i32
    %rem3A_10 = arith.remsi %div3A_9, %rem3A : i32
    %rem3A_11 = arith.constant 0 : i32
    %rem3A_12 = arith.constant 5 : i32
    %rem3A_13 = arith.remsi %rem3A_11, %rem3A_12 : i32
    %dma_start3A = arith.constant 0 : i32
    %dma_start3A_14 = arith.constant 0 : i32
    %dma_start3A_15 = arith.constant 0 : i32
    %dma_start3A_16 = arith.constant 0 : i32
    %dma_start3A_17 = arith.constant 0 : i32
    %dma_start3A_18 = tpu.memref_slice %arg7[%dma_start3A_14, %dma_start3A_16, %dma_start3A_17] : memref<4x80x128xf32, #tpu.memory_space<vmem>> -> memref<1x80x128xf32, #tpu.memory_space<vmem>>
    %dma_start3A_19 = tpu.memref_squeeze %dma_start3A_18 : memref<1x80x128xf32, #tpu.memory_space<vmem>> -> memref<80x128xf32, #tpu.memory_space<vmem>>
    %dma_start3A_20 = arith.constant 0 : i32
    %dma_start3A_21 = tpu.memref_slice %arg6[%rem3A_10, %dma_start3A, %rem3A_13, %dma_start3A_20] : memref<2x2x5x80xi32, #tpu.memory_space<vmem>> -> memref<1x1x1x80xi32, #tpu.memory_space<vmem>>
    %dma_start3A_22 = tpu.memref_squeeze %dma_start3A_21 : memref<1x1x1x80xi32, #tpu.memory_space<vmem>> -> memref<80xi32, #tpu.memory_space<vmem>>
    %dma_start3A_23 = arith.constant 0 : i32
    %dma_start3A_24 = arith.constant 0 : i32
    %dma_start3A_25 = tpu.memref_slice %arg2[%dma_start3A_23, %dma_start3A_24] : memref<10240x128xf32, #tpu.memory_space<hbm>> -> memref<10240x128xf32, #tpu.memory_space<hbm>>
    %dma_start3A_26 = tpu.memref_slice %arg8[%dma_start3A_15] : memref<4x!tpu.dma_semaphore, #tpu.memory_space<semaphore_mem>> -> memref<1x!tpu.dma_semaphore, #tpu.memory_space<semaphore_mem>>
    %dma_start3A_27 = tpu.memref_squeeze %dma_start3A_26 : memref<1x!tpu.dma_semaphore, #tpu.memory_space<semaphore_mem>> -> memref<!tpu.dma_semaphore, #tpu.memory_space<semaphore_mem>>
    tpu.enqueue_indirect_dma source(%dma_start3A_25 : memref<10240x128xf32, #tpu.memory_space<hbm>>) target(%dma_start3A_19 : memref<80x128xf32, #tpu.memory_space<vmem>>) offsets(%dma_start3A_22 : memref<80xi32, #tpu.memory_space<vmem>>) semaphore(%dma_start3A_27 : memref<!tpu.dma_semaphore, #tpu.memory_space<semaphore_mem>>)
    %div3A_28 = arith.constant 1 : i32
    %div3A_29 = arith.constant 5 : i32
    %div3A_30 = arith.divsi %div3A_28, %div3A_29 : i32
    %rem3A_31 = arith.constant 2 : i32
    %rem3A_32 = arith.remsi %div3A_30, %rem3A_31 : i32
    %rem3A_33 = arith.constant 1 : i32
    %rem3A_34 = arith.constant 5 : i32
    %rem3A_35 = arith.remsi %rem3A_33, %rem3A_34 : i32
    %dma_start3A_36 = arith.constant 0 : i32
    %dma_start3A_37 = arith.constant 1 : i32
    %dma_start3A_38 = arith.constant 1 : i32
    %dma_start3A_39 = arith.constant 0 : i32
    %dma_start3A_40 = arith.constant 0 : i32
    %dma_start3A_41 = tpu.memref_slice %arg7[%dma_start3A_37, %dma_start3A_39, %dma_start3A_40] : memref<4x80x128xf32, #tpu.memory_space<vmem>> -> memref<1x80x128xf32, #tpu.memory_space<vmem>>
    %dma_start3A_42 = tpu.memref_squeeze %dma_start3A_41 : memref<1x80x128xf32, #tpu.memory_space<vmem>> -> memref<80x128xf32, #tpu.memory_space<vmem>>
    %dma_start3A_43 = arith.constant 0 : i32
    %dma_start3A_44 = tpu.memref_slice %arg6[%rem3A_32, %dma_start3A_36, %rem3A_35, %dma_start3A_43] : memref<2x2x5x80xi32, #tpu.memory_space<vmem>> -> memref<1x1x1x80xi32, #tpu.memory_space<vmem>>
    %dma_start3A_45 = tpu.memref_squeeze %dma_start3A_44 : memref<1x1x1x80xi32, #tpu.memory_space<vmem>> -> memref<80xi32, #tpu.memory_space<vmem>>
    %dma_start3A_46 = arith.constant 0 : i32
    %dma_start3A_47 = arith.constant 0 : i32
    %dma_start3A_48 = tpu.memref_slice %arg2[%dma_start3A_46, %dma_start3A_47] : memref<10240x128xf32, #tpu.memory_space<hbm>> -> memref<10240x128xf32, #tpu.memory_space<hbm>>
    %dma_start3A_49 = tpu.memref_slice %arg8[%dma_start3A_38] : memref<4x!tpu.dma_semaphore, #tpu.memory_space<semaphore_mem>> -> memref<1x!tpu.dma_semaphore, #tpu.memory_space<semaphore_mem>>
    %dma_start3A_50 = tpu.memref_squeeze %dma_start3A_49 : memref<1x!tpu.dma_semaphore, #tpu.memory_space<semaphore_mem>> -> memref<!tpu.dma_semaphore, #tpu.memory_space<semaphore_mem>>
    tpu.enqueue_indirect_dma source(%dma_start3A_48 : memref<10240x128xf32, #tpu.memory_space<hbm>>) target(%dma_start3A_42 : memref<80x128xf32, #tpu.memory_space<vmem>>) offsets(%dma_start3A_45 : memref<80xi32, #tpu.memory_space<vmem>>) semaphore(%dma_start3A_50 : memref<!tpu.dma_semaphore, #tpu.memory_space<semaphore_mem>>)
    %broadcast_in_dim3A = arith.constant 0.000000e+00 : f32
    %broadcast_in_dim3A_51 = vector.broadcast %broadcast_in_dim3A : f32 to vector<16xf32>
    %scan3A = arith.constant 0 : i32
    %scan3A_52 = arith.constant 0 : i32
    %scan3A_53 = arith.constant 80 : i32
    %scan3A_54 = arith.addi %scan3A_52, %scan3A_53 : i32
    %scan3A_55 = arith.constant 1 : i32
    scf.for %scan3A_357 = %scan3A_52 to %scan3A_54 step %scan3A_55  : i32 {
      %swap3A = arith.constant 3 : i32
      %swap3A_358 = arith.index_cast %swap3A : i32 to index
      %swap3A_359 = arith.index_cast %scan3A_357 : i32 to index
      %swap3A_360 = arith.constant 0 : index
      %swap3A_361 = tpu.vector_load %arg7[%swap3A_358, %swap3A_359, %swap3A_360] {strides = array<i32>} : memref<4x80x128xf32, #tpu.memory_space<vmem>>, vector<1x1x16xf32>,
      %swap3A_362 = vector.shape_cast %swap3A_361 : vector<1x1x16xf32> to vector<16xf32>
      %swap3A_363 = vector.shape_cast %broadcast_in_dim3A_51 : vector<16xf32> to vector<1x1x16xf32>
      tpu.vector_store %arg7[%swap3A_358, %swap3A_359, %swap3A_360], %swap3A_363 {strides = array<i32>} : memref<4x80x128xf32, #tpu.memory_space<vmem>>, vector<1x1x16xf32>,
      %swap3A_364 = arith.constant 3 : i32
      %swap3A_365 = arith.index_cast %swap3A_364 : i32 to index
      %swap3A_366 = arith.index_cast %scan3A_357 : i32 to index
      %swap3A_367 = arith.constant 16 : index
      %swap3A_368 = tpu.vector_load %arg7[%swap3A_365, %swap3A_366, %swap3A_367] {strides = array<i32>} : memref<4x80x128xf32, #tpu.memory_space<vmem>>, vector<1x1x16xf32>,
      %swap3A_369 = vector.shape_cast %swap3A_368 : vector<1x1x16xf32> to vector<16xf32>
      %swap3A_370 = vector.shape_cast %broadcast_in_dim3A_51 : vector<16xf32> to vector<1x1x16xf32>
      tpu.vector_store %arg7[%swap3A_365, %swap3A_366, %swap3A_367], %swap3A_370 {strides = array<i32>} : memref<4x80x128xf32, #tpu.memory_space<vmem>>, vector<1x1x16xf32>,
      %swap3A_371 = arith.constant 3 : i32
      %swap3A_372 = arith.index_cast %swap3A_371 : i32 to index
      %swap3A_373 = arith.index_cast %scan3A_357 : i32 to index
      %swap3A_374 = arith.constant 32 : index
      %swap3A_375 = tpu.vector_load %arg7[%swap3A_372, %swap3A_373, %swap3A_374] {strides = array<i32>} : memref<4x80x128xf32, #tpu.memory_space<vmem>>, vector<1x1x16xf32>,
      %swap3A_376 = vector.shape_cast %swap3A_375 : vector<1x1x16xf32> to vector<16xf32>
      %swap3A_377 = vector.shape_cast %broadcast_in_dim3A_51 : vector<16xf32> to vector<1x1x16xf32>
      tpu.vector_store %arg7[%swap3A_372, %swap3A_373, %swap3A_374], %swap3A_377 {strides = array<i32>} : memref<4x80x128xf32, #tpu.memory_space<vmem>>, vector<1x1x16xf32>,
      %swap3A_378 = arith.constant 3 : i32
      %swap3A_379 = arith.index_cast %swap3A_378 : i32 to index
      %swap3A_380 = arith.index_cast %scan3A_357 : i32 to index
      %swap3A_381 = arith.constant 48 : index
      %swap3A_382 = tpu.vector_load %arg7[%swap3A_379, %swap3A_380, %swap3A_381] {strides = array<i32>} : memref<4x80x128xf32, #tpu.memory_space<vmem>>, vector<1x1x16xf32>,
      %swap3A_383 = vector.shape_cast %swap3A_382 : vector<1x1x16xf32> to vector<16xf32>
      %swap3A_384 = vector.shape_cast %broadcast_in_dim3A_51 : vector<16xf32> to vector<1x1x16xf32>
      tpu.vector_store %arg7[%swap3A_379, %swap3A_380, %swap3A_381], %swap3A_384 {strides = array<i32>} : memref<4x80x128xf32, #tpu.memory_space<vmem>>, vector<1x1x16xf32>,
      %swap3A_385 = arith.constant 3 : i32
      %swap3A_386 = arith.index_cast %swap3A_385 : i32 to index
      %swap3A_387 = arith.index_cast %scan3A_357 : i32 to index
      %swap3A_388 = arith.constant 64 : index
      %swap3A_389 = tpu.vector_load %arg7[%swap3A_386, %swap3A_387, %swap3A_388] {strides = array<i32>} : memref<4x80x128xf32, #tpu.memory_space<vmem>>, vector<1x1x16xf32>,
      %swap3A_390 = vector.shape_cast %swap3A_389 : vector<1x1x16xf32> to vector<16xf32>
      %swap3A_391 = vector.shape_cast %broadcast_in_dim3A_51 : vector<16xf32> to vector<1x1x16xf32>
      tpu.vector_store %arg7[%swap3A_386, %swap3A_387, %swap3A_388], %swap3A_391 {strides = array<i32>} : memref<4x80x128xf32, #tpu.memory_space<vmem>>, vector<1x1x16xf32>,
      %swap3A_392 = arith.constant 3 : i32
      %swap3A_393 = arith.index_cast %swap3A_392 : i32 to index
      %swap3A_394 = arith.index_cast %scan3A_357 : i32 to index
      %swap3A_395 = arith.constant 80 : index
      %swap3A_396 = tpu.vector_load %arg7[%swap3A_393, %swap3A_394, %swap3A_395] {strides = array<i32>} : memref<4x80x128xf32, #tpu.memory_space<vmem>>, vector<1x1x16xf32>,
      %swap3A_397 = vector.shape_cast %swap3A_396 : vector<1x1x16xf32> to vector<16xf32>
      %swap3A_398 = vector.shape_cast %broadcast_in_dim3A_51 : vector<16xf32> to vector<1x1x16xf32>
      tpu.vector_store %arg7[%swap3A_393, %swap3A_394, %swap3A_395], %swap3A_398 {strides = array<i32>} : memref<4x80x128xf32, #tpu.memory_space<vmem>>, vector<1x1x16xf32>,
      %swap3A_399 = arith.constant 3 : i32
      %swap3A_400 = arith.index_cast %swap3A_399 : i32 to index
      %swap3A_401 = arith.index_cast %scan3A_357 : i32 to index
      %swap3A_402 = arith.constant 96 : index
      %swap3A_403 = tpu.vector_load %arg7[%swap3A_400, %swap3A_401, %swap3A_402] {strides = array<i32>} : memref<4x80x128xf32, #tpu.memory_space<vmem>>, vector<1x1x16xf32>,
      %swap3A_404 = vector.shape_cast %swap3A_403 : vector<1x1x16xf32> to vector<16xf32>
      %swap3A_405 = vector.shape_cast %broadcast_in_dim3A_51 : vector<16xf32> to vector<1x1x16xf32>
      tpu.vector_store %arg7[%swap3A_400, %swap3A_401, %swap3A_402], %swap3A_405 {strides = array<i32>} : memref<4x80x128xf32, #tpu.memory_space<vmem>>, vector<1x1x16xf32>,
      %swap3A_406 = arith.constant 3 : i32
      %swap3A_407 = arith.index_cast %swap3A_406 : i32 to index
      %swap3A_408 = arith.index_cast %scan3A_357 : i32 to index
      %swap3A_409 = arith.constant 112 : index
      %swap3A_410 = tpu.vector_load %arg7[%swap3A_407, %swap3A_408, %swap3A_409] {strides = array<i32>} : memref<4x80x128xf32, #tpu.memory_space<vmem>>, vector<1x1x16xf32>,
      %swap3A_411 = vector.shape_cast %swap3A_410 : vector<1x1x16xf32> to vector<16xf32>
      %swap3A_412 = vector.shape_cast %broadcast_in_dim3A_51 : vector<16xf32> to vector<1x1x16xf32>
      tpu.vector_store %arg7[%swap3A_407, %swap3A_408, %swap3A_409], %swap3A_412 {strides = array<i32>} : memref<4x80x128xf32, #tpu.memory_space<vmem>>, vector<1x1x16xf32>,
    }
    %scan3A_56 = arith.constant 80 : i32
    %mul3A_57 = arith.constant 640 : i32
    %mul3A_58 = arith.muli %arg1, %mul3A_57 : i32
    %add3A_59 = arith.constant 0 : i32
    %add3A_60 = arith.addi %mul3A_58, %add3A_59 : i32
    %dma_start3A_61 = arith.constant 3 : i32
    %dma_start3A_62 = arith.constant 0 : i32
    %dma_start3A_63 = arith.constant 0 : i32
    %dma_start3A_64 = tpu.memref_slice %arg7[%dma_start3A_61, %dma_start3A_62, %dma_start3A_63] : memref<4x80x128xf32, #tpu.memory_space<vmem>> -> memref<1x80x128xf32, #tpu.memory_space<vmem>>
    %dma_start3A_65 = tpu.memref_squeeze %dma_start3A_64 : memref<1x80x128xf32, #tpu.memory_space<vmem>> -> memref<80x128xf32, #tpu.memory_space<vmem>>
    %dma_start3A_66 = arith.constant 0 : i32
    %dma_start3A_67 = tpu.memref_slice %arg5[%add3A_60, %dma_start3A_66] : memref<10240x128xf32, #tpu.memory_space<vmem_shared>> -> memref<80x128xf32, #tpu.memory_space<vmem_shared>>
    %dma_start3A_68 = arith.constant 0 : i32
    %dma_start3A_69 = tpu.memref_slice %arg5[%add3A_60, %dma_start3A_68] : memref<10240x128xf32, #tpu.memory_space<vmem_shared>> -> memref<80x128xf32, #tpu.memory_space<vmem_shared>>
    %dma_start3A_70 = arith.constant 0 : i32
    %dma_start3A_71 = arith.constant 0 : i32
    %dma_start3A_72 = tpu.memref_slice %arg7[%dma_start3A_61, %dma_start3A_70, %dma_start3A_71] : memref<4x80x128xf32, #tpu.memory_space<vmem>> -> memref<1x80x128xf32, #tpu.memory_space<vmem>>
    %dma_start3A_73 = tpu.memref_squeeze %dma_start3A_72 : memref<1x80x128xf32, #tpu.memory_space<vmem>> -> memref<80x128xf32, #tpu.memory_space<vmem>>
    tpu.enqueue_dma source(%dma_start3A_73 : memref<80x128xf32, #tpu.memory_space<vmem>>) target(%dma_start3A_69 : memref<80x128xf32, #tpu.memory_space<vmem_shared>>) target_semaphore(%arg11 : memref<!tpu.dma_semaphore, #tpu.memory_space<semaphore_mem>>)
    %mul3A_74 = arith.constant 640 : i32
    %mul3A_75 = arith.muli %arg1, %mul3A_74 : i32
    %add3A_76 = arith.constant 80 : i32
    %add3A_77 = arith.addi %mul3A_75, %add3A_76 : i32
    %dma_start3A_78 = arith.constant 3 : i32
    %dma_start3A_79 = arith.constant 0 : i32
    %dma_start3A_80 = arith.constant 0 : i32
    %dma_start3A_81 = tpu.memref_slice %arg7[%dma_start3A_78, %dma_start3A_79, %dma_start3A_80] : memref<4x80x128xf32, #tpu.memory_space<vmem>> -> memref<1x80x128xf32, #tpu.memory_space<vmem>>
    %dma_start3A_82 = tpu.memref_squeeze %dma_start3A_81 : memref<1x80x128xf32, #tpu.memory_space<vmem>> -> memref<80x128xf32, #tpu.memory_space<vmem>>
    %dma_start3A_83 = arith.constant 0 : i32
    %dma_start3A_84 = tpu.memref_slice %arg5[%add3A_77, %dma_start3A_83] : memref<10240x128xf32, #tpu.memory_space<vmem_shared>> -> memref<80x128xf32, #tpu.memory_space<vmem_shared>>
    %dma_start3A_85 = arith.constant 0 : i32
    %dma_start3A_86 = tpu.memref_slice %arg5[%add3A_77, %dma_start3A_85] : memref<10240x128xf32, #tpu.memory_space<vmem_shared>> -> memref<80x128xf32, #tpu.memory_space<vmem_shared>>
    %dma_start3A_87 = arith.constant 0 : i32
    %dma_start3A_88 = arith.constant 0 : i32
    %dma_start3A_89 = tpu.memref_slice %arg7[%dma_start3A_78, %dma_start3A_87, %dma_start3A_88] : memref<4x80x128xf32, #tpu.memory_space<vmem>> -> memref<1x80x128xf32, #tpu.memory_space<vmem>>
    %dma_start3A_90 = tpu.memref_squeeze %dma_start3A_89 : memref<1x80x128xf32, #tpu.memory_space<vmem>> -> memref<80x128xf32, #tpu.memory_space<vmem>>
    tpu.enqueue_dma source(%dma_start3A_90 : memref<80x128xf32, #tpu.memory_space<vmem>>) target(%dma_start3A_86 : memref<80x128xf32, #tpu.memory_space<vmem_shared>>) target_semaphore(%arg11 : memref<!tpu.dma_semaphore, #tpu.memory_space<semaphore_mem>>)
    %mul3A_91 = arith.constant 640 : i32
    %mul3A_92 = arith.muli %arg1, %mul3A_91 : i32
    %add3A_93 = arith.constant 160 : i32
    %add3A_94 = arith.addi %mul3A_92, %add3A_93 : i32
    %dma_start3A_95 = arith.constant 3 : i32
    %dma_start3A_96 = arith.constant 0 : i32
    %dma_start3A_97 = arith.constant 0 : i32
    %dma_start3A_98 = tpu.memref_slice %arg7[%dma_start3A_95, %dma_start3A_96, %dma_start3A_97] : memref<4x80x128xf32, #tpu.memory_space<vmem>> -> memref<1x80x128xf32, #tpu.memory_space<vmem>>
    %dma_start3A_99 = tpu.memref_squeeze %dma_start3A_98 : memref<1x80x128xf32, #tpu.memory_space<vmem>> -> memref<80x128xf32, #tpu.memory_space<vmem>>
    %dma_start3A_100 = arith.constant 0 : i32
    %dma_start3A_101 = tpu.memref_slice %arg5[%add3A_94, %dma_start3A_100] : memref<10240x128xf32, #tpu.memory_space<vmem_shared>> -> memref<80x128xf32, #tpu.memory_space<vmem_shared>>
    %dma_start3A_102 = arith.constant 0 : i32
    %dma_start3A_103 = tpu.memref_slice %arg5[%add3A_94, %dma_start3A_102] : memref<10240x128xf32, #tpu.memory_space<vmem_shared>> -> memref<80x128xf32, #tpu.memory_space<vmem_shared>>
    %dma_start3A_104 = arith.constant 0 : i32
    %dma_start3A_105 = arith.constant 0 : i32
    %dma_start3A_106 = tpu.memref_slice %arg7[%dma_start3A_95, %dma_start3A_104, %dma_start3A_105] : memref<4x80x128xf32, #tpu.memory_space<vmem>> -> memref<1x80x128xf32, #tpu.memory_space<vmem>>
    %dma_start3A_107 = tpu.memref_squeeze %dma_start3A_106 : memref<1x80x128xf32, #tpu.memory_space<vmem>> -> memref<80x128xf32, #tpu.memory_space<vmem>>
    tpu.enqueue_dma source(%dma_start3A_107 : memref<80x128xf32, #tpu.memory_space<vmem>>) target(%dma_start3A_103 : memref<80x128xf32, #tpu.memory_space<vmem_shared>>) target_semaphore(%arg11 : memref<!tpu.dma_semaphore, #tpu.memory_space<semaphore_mem>>)
    %mul3A_108 = arith.constant 640 : i32
    %mul3A_109 = arith.muli %arg1, %mul3A_108 : i32
    %add3A_110 = arith.constant 240 : i32
    %add3A_111 = arith.addi %mul3A_109, %add3A_110 : i32
    %dma_start3A_112 = arith.constant 3 : i32
    %dma_start3A_113 = arith.constant 0 : i32
    %dma_start3A_114 = arith.constant 0 : i32
    %dma_start3A_115 = tpu.memref_slice %arg7[%dma_start3A_112, %dma_start3A_113, %dma_start3A_114] : memref<4x80x128xf32, #tpu.memory_space<vmem>> -> memref<1x80x128xf32, #tpu.memory_space<vmem>>
    %dma_start3A_116 = tpu.memref_squeeze %dma_start3A_115 : memref<1x80x128xf32, #tpu.memory_space<vmem>> -> memref<80x128xf32, #tpu.memory_space<vmem>>
    %dma_start3A_117 = arith.constant 0 : i32
    %dma_start3A_118 = tpu.memref_slice %arg5[%add3A_111, %dma_start3A_117] : memref<10240x128xf32, #tpu.memory_space<vmem_shared>> -> memref<80x128xf32, #tpu.memory_space<vmem_shared>>
    %dma_start3A_119 = arith.constant 0 : i32
    %dma_start3A_120 = tpu.memref_slice %arg5[%add3A_111, %dma_start3A_119] : memref<10240x128xf32, #tpu.memory_space<vmem_shared>> -> memref<80x128xf32, #tpu.memory_space<vmem_shared>>
    %dma_start3A_121 = arith.constant 0 : i32
    %dma_start3A_122 = arith.constant 0 : i32
    %dma_start3A_123 = tpu.memref_slice %arg7[%dma_start3A_112, %dma_start3A_121, %dma_start3A_122] : memref<4x80x128xf32, #tpu.memory_space<vmem>> -> memref<1x80x128xf32, #tpu.memory_space<vmem>>
    %dma_start3A_124 = tpu.memref_squeeze %dma_start3A_123 : memref<1x80x128xf32, #tpu.memory_space<vmem>> -> memref<80x128xf32, #tpu.memory_space<vmem>>
    tpu.enqueue_dma source(%dma_start3A_124 : memref<80x128xf32, #tpu.memory_space<vmem>>) target(%dma_start3A_120 : memref<80x128xf32, #tpu.memory_space<vmem_shared>>) target_semaphore(%arg11 : memref<!tpu.dma_semaphore, #tpu.memory_space<semaphore_mem>>)
    %mul3A_125 = arith.constant 640 : i32
    %mul3A_126 = arith.muli %arg1, %mul3A_125 : i32
    %add3A_127 = arith.constant 320 : i32
    %add3A_128 = arith.addi %mul3A_126, %add3A_127 : i32
    %dma_start3A_129 = arith.constant 3 : i32
    %dma_start3A_130 = arith.constant 0 : i32
    %dma_start3A_131 = arith.constant 0 : i32
    %dma_start3A_132 = tpu.memref_slice %arg7[%dma_start3A_129, %dma_start3A_130, %dma_start3A_131] : memref<4x80x128xf32, #tpu.memory_space<vmem>> -> memref<1x80x128xf32, #tpu.memory_space<vmem>>
    %dma_start3A_133 = tpu.memref_squeeze %dma_start3A_132 : memref<1x80x128xf32, #tpu.memory_space<vmem>> -> memref<80x128xf32, #tpu.memory_space<vmem>>
    %dma_start3A_134 = arith.constant 0 : i32
    %dma_start3A_135 = tpu.memref_slice %arg5[%add3A_128, %dma_start3A_134] : memref<10240x128xf32, #tpu.memory_space<vmem_shared>> -> memref<80x128xf32, #tpu.memory_space<vmem_shared>>
    %dma_start3A_136 = arith.constant 0 : i32
    %dma_start3A_137 = tpu.memref_slice %arg5[%add3A_128, %dma_start3A_136] : memref<10240x128xf32, #tpu.memory_space<vmem_shared>> -> memref<80x128xf32, #tpu.memory_space<vmem_shared>>
    %dma_start3A_138 = arith.constant 0 : i32
    %dma_start3A_139 = arith.constant 0 : i32
    %dma_start3A_140 = tpu.memref_slice %arg7[%dma_start3A_129, %dma_start3A_138, %dma_start3A_139] : memref<4x80x128xf32, #tpu.memory_space<vmem>> -> memref<1x80x128xf32, #tpu.memory_space<vmem>>
    %dma_start3A_141 = tpu.memref_squeeze %dma_start3A_140 : memref<1x80x128xf32, #tpu.memory_space<vmem>> -> memref<80x128xf32, #tpu.memory_space<vmem>>
    tpu.enqueue_dma source(%dma_start3A_141 : memref<80x128xf32, #tpu.memory_space<vmem>>) target(%dma_start3A_137 : memref<80x128xf32, #tpu.memory_space<vmem_shared>>) target_semaphore(%arg11 : memref<!tpu.dma_semaphore, #tpu.memory_space<semaphore_mem>>)
    %mul3A_142 = arith.constant 640 : i32
    %mul3A_143 = arith.muli %arg1, %mul3A_142 : i32
    %add3A_144 = arith.constant 400 : i32
    %add3A_145 = arith.addi %mul3A_143, %add3A_144 : i32
    %dma_start3A_146 = arith.constant 3 : i32
    %dma_start3A_147 = arith.constant 0 : i32
    %dma_start3A_148 = arith.constant 0 : i32
    %dma_start3A_149 = tpu.memref_slice %arg7[%dma_start3A_146, %dma_start3A_147, %dma_start3A_148] : memref<4x80x128xf32, #tpu.memory_space<vmem>> -> memref<1x80x128xf32, #tpu.memory_space<vmem>>
    %dma_start3A_150 = tpu.memref_squeeze %dma_start3A_149 : memref<1x80x128xf32, #tpu.memory_space<vmem>> -> memref<80x128xf32, #tpu.memory_space<vmem>>
    %dma_start3A_151 = arith.constant 0 : i32
    %dma_start3A_152 = tpu.memref_slice %arg5[%add3A_145, %dma_start3A_151] : memref<10240x128xf32, #tpu.memory_space<vmem_shared>> -> memref<80x128xf32, #tpu.memory_space<vmem_shared>>
    %dma_start3A_153 = arith.constant 0 : i32
    %dma_start3A_154 = tpu.memref_slice %arg5[%add3A_145, %dma_start3A_153] : memref<10240x128xf32, #tpu.memory_space<vmem_shared>> -> memref<80x128xf32, #tpu.memory_space<vmem_shared>>
    %dma_start3A_155 = arith.constant 0 : i32
    %dma_start3A_156 = arith.constant 0 : i32
    %dma_start3A_157 = tpu.memref_slice %arg7[%dma_start3A_146, %dma_start3A_155, %dma_start3A_156] : memref<4x80x128xf32, #tpu.memory_space<vmem>> -> memref<1x80x128xf32, #tpu.memory_space<vmem>>
    %dma_start3A_158 = tpu.memref_squeeze %dma_start3A_157 : memref<1x80x128xf32, #tpu.memory_space<vmem>> -> memref<80x128xf32, #tpu.memory_space<vmem>>
    tpu.enqueue_dma source(%dma_start3A_158 : memref<80x128xf32, #tpu.memory_space<vmem>>) target(%dma_start3A_154 : memref<80x128xf32, #tpu.memory_space<vmem_shared>>) target_semaphore(%arg11 : memref<!tpu.dma_semaphore, #tpu.memory_space<semaphore_mem>>)
    %mul3A_159 = arith.constant 640 : i32
    %mul3A_160 = arith.muli %arg1, %mul3A_159 : i32
    %add3A_161 = arith.constant 480 : i32
    %add3A_162 = arith.addi %mul3A_160, %add3A_161 : i32
    %dma_start3A_163 = arith.constant 3 : i32
    %dma_start3A_164 = arith.constant 0 : i32
    %dma_start3A_165 = arith.constant 0 : i32
    %dma_start3A_166 = tpu.memref_slice %arg7[%dma_start3A_163, %dma_start3A_164, %dma_start3A_165] : memref<4x80x128xf32, #tpu.memory_space<vmem>> -> memref<1x80x128xf32, #tpu.memory_space<vmem>>
    %dma_start3A_167 = tpu.memref_squeeze %dma_start3A_166 : memref<1x80x128xf32, #tpu.memory_space<vmem>> -> memref<80x128xf32, #tpu.memory_space<vmem>>
    %dma_start3A_168 = arith.constant 0 : i32
    %dma_start3A_169 = tpu.memref_slice %arg5[%add3A_162, %dma_start3A_168] : memref<10240x128xf32, #tpu.memory_space<vmem_shared>> -> memref<80x128xf32, #tpu.memory_space<vmem_shared>>
    %dma_start3A_170 = arith.constant 0 : i32
    %dma_start3A_171 = tpu.memref_slice %arg5[%add3A_162, %dma_start3A_170] : memref<10240x128xf32, #tpu.memory_space<vmem_shared>> -> memref<80x128xf32, #tpu.memory_space<vmem_shared>>
    %dma_start3A_172 = arith.constant 0 : i32
    %dma_start3A_173 = arith.constant 0 : i32
    %dma_start3A_174 = tpu.memref_slice %arg7[%dma_start3A_163, %dma_start3A_172, %dma_start3A_173] : memref<4x80x128xf32, #tpu.memory_space<vmem>> -> memref<1x80x128xf32, #tpu.memory_space<vmem>>
    %dma_start3A_175 = tpu.memref_squeeze %dma_start3A_174 : memref<1x80x128xf32, #tpu.memory_space<vmem>> -> memref<80x128xf32, #tpu.memory_space<vmem>>
    tpu.enqueue_dma source(%dma_start3A_175 : memref<80x128xf32, #tpu.memory_space<vmem>>) target(%dma_start3A_171 : memref<80x128xf32, #tpu.memory_space<vmem_shared>>) target_semaphore(%arg11 : memref<!tpu.dma_semaphore, #tpu.memory_space<semaphore_mem>>)
    %mul3A_176 = arith.constant 640 : i32
    %mul3A_177 = arith.muli %arg1, %mul3A_176 : i32
    %add3A_178 = arith.constant 560 : i32
    %add3A_179 = arith.addi %mul3A_177, %add3A_178 : i32
    %dma_start3A_180 = arith.constant 3 : i32
    %dma_start3A_181 = arith.constant 0 : i32
    %dma_start3A_182 = arith.constant 0 : i32
    %dma_start3A_183 = tpu.memref_slice %arg7[%dma_start3A_180, %dma_start3A_181, %dma_start3A_182] : memref<4x80x128xf32, #tpu.memory_space<vmem>> -> memref<1x80x128xf32, #tpu.memory_space<vmem>>
    %dma_start3A_184 = tpu.memref_squeeze %dma_start3A_183 : memref<1x80x128xf32, #tpu.memory_space<vmem>> -> memref<80x128xf32, #tpu.memory_space<vmem>>
    %dma_start3A_185 = arith.constant 0 : i32
    %dma_start3A_186 = tpu.memref_slice %arg5[%add3A_179, %dma_start3A_185] : memref<10240x128xf32, #tpu.memory_space<vmem_shared>> -> memref<80x128xf32, #tpu.memory_space<vmem_shared>>
    %dma_start3A_187 = arith.constant 0 : i32
    %dma_start3A_188 = tpu.memref_slice %arg5[%add3A_179, %dma_start3A_187] : memref<10240x128xf32, #tpu.memory_space<vmem_shared>> -> memref<80x128xf32, #tpu.memory_space<vmem_shared>>
    %dma_start3A_189 = arith.constant 0 : i32
    %dma_start3A_190 = arith.constant 0 : i32
    %dma_start3A_191 = tpu.memref_slice %arg7[%dma_start3A_180, %dma_start3A_189, %dma_start3A_190] : memref<4x80x128xf32, #tpu.memory_space<vmem>> -> memref<1x80x128xf32, #tpu.memory_space<vmem>>
    %dma_start3A_192 = tpu.memref_squeeze %dma_start3A_191 : memref<1x80x128xf32, #tpu.memory_space<vmem>> -> memref<80x128xf32, #tpu.memory_space<vmem>>
    tpu.enqueue_dma source(%dma_start3A_192 : memref<80x128xf32, #tpu.memory_space<vmem>>) target(%dma_start3A_188 : memref<80x128xf32, #tpu.memory_space<vmem_shared>>) target_semaphore(%arg11 : memref<!tpu.dma_semaphore, #tpu.memory_space<semaphore_mem>>)
    %mul3A_193 = arith.constant 640 : i32
    %mul3A_194 = arith.muli %arg1, %mul3A_193 : i32
    %dma_wait3A = arith.constant 3 : i32
    %dma_wait3A_195 = arith.constant 0 : i32
    %dma_wait3A_196 = arith.constant 0 : i32
    %dma_wait3A_197 = tpu.memref_slice %arg7[%dma_wait3A, %dma_wait3A_195, %dma_wait3A_196] : memref<4x80x128xf32, #tpu.memory_space<vmem>> -> memref<1x80x128xf32, #tpu.memory_space<vmem>>
    %dma_wait3A_198 = tpu.memref_squeeze %dma_wait3A_197 : memref<1x80x128xf32, #tpu.memory_space<vmem>> -> memref<80x128xf32, #tpu.memory_space<vmem>>
    %dma_wait3A_199 = arith.constant 0 : i32
    %dma_wait3A_200 = tpu.memref_slice %arg5[%mul3A_194, %dma_wait3A_199] : memref<10240x128xf32, #tpu.memory_space<vmem_shared>> -> memref<80x128xf32, #tpu.memory_space<vmem_shared>>
    %dma_wait3A_201 = arith.constant 0 : i32
    %dma_wait3A_202 = tpu.memref_slice %arg5[%mul3A_194, %dma_wait3A_201] : memref<10240x128xf32, #tpu.memory_space<vmem_shared>> -> memref<80x128xf32, #tpu.memory_space<vmem_shared>>
    %dma_wait3A_203 = arith.constant 0 : i32
    %dma_wait3A_204 = arith.constant 0 : i32
    %dma_wait3A_205 = tpu.memref_slice %arg7[%dma_wait3A, %dma_wait3A_203, %dma_wait3A_204] : memref<4x80x128xf32, #tpu.memory_space<vmem>> -> memref<1x80x128xf32, #tpu.memory_space<vmem>>
    %dma_wait3A_206 = tpu.memref_squeeze %dma_wait3A_205 : memref<1x80x128xf32, #tpu.memory_space<vmem>> -> memref<80x128xf32, #tpu.memory_space<vmem>>
    tpu.wait_dma2 semaphore(%arg11 : memref<!tpu.dma_semaphore, #tpu.memory_space<semaphore_mem>>) src(%dma_wait3A_206 : memref<80x128xf32, #tpu.memory_space<vmem>>) dst(%dma_wait3A_202 : memref<80x128xf32, #tpu.memory_space<vmem_shared>>)
    %mul3A_207 = arith.constant 640 : i32
    %mul3A_208 = arith.muli %arg1, %mul3A_207 : i32
    %dma_wait3A_209 = arith.constant 3 : i32
    %dma_wait3A_210 = arith.constant 0 : i32
    %dma_wait3A_211 = arith.constant 0 : i32
    %dma_wait3A_212 = tpu.memref_slice %arg7[%dma_wait3A_209, %dma_wait3A_210, %dma_wait3A_211] : memref<4x80x128xf32, #tpu.memory_space<vmem>> -> memref<1x80x128xf32, #tpu.memory_space<vmem>>
    %dma_wait3A_213 = tpu.memref_squeeze %dma_wait3A_212 : memref<1x80x128xf32, #tpu.memory_space<vmem>> -> memref<80x128xf32, #tpu.memory_space<vmem>>
    %dma_wait3A_214 = arith.constant 0 : i32
    %dma_wait3A_215 = tpu.memref_slice %arg5[%mul3A_208, %dma_wait3A_214] : memref<10240x128xf32, #tpu.memory_space<vmem_shared>> -> memref<80x128xf32, #tpu.memory_space<vmem_shared>>
    %dma_wait3A_216 = arith.constant 0 : i32
    %dma_wait3A_217 = tpu.memref_slice %arg5[%mul3A_208, %dma_wait3A_216] : memref<10240x128xf32, #tpu.memory_space<vmem_shared>> -> memref<80x128xf32, #tpu.memory_space<vmem_shared>>
    %dma_wait3A_218 = arith.constant 0 : i32
    %dma_wait3A_219 = arith.constant 0 : i32
    %dma_wait3A_220 = tpu.memref_slice %arg7[%dma_wait3A_209, %dma_wait3A_218, %dma_wait3A_219] : memref<4x80x128xf32, #tpu.memory_space<vmem>> -> memref<1x80x128xf32, #tpu.memory_space<vmem>>
    %dma_wait3A_221 = tpu.memref_squeeze %dma_wait3A_220 : memref<1x80x128xf32, #tpu.memory_space<vmem>> -> memref<80x128xf32, #tpu.memory_space<vmem>>
    tpu.wait_dma2 semaphore(%arg11 : memref<!tpu.dma_semaphore, #tpu.memory_space<semaphore_mem>>) src(%dma_wait3A_221 : memref<80x128xf32, #tpu.memory_space<vmem>>) dst(%dma_wait3A_217 : memref<80x128xf32, #tpu.memory_space<vmem_shared>>)
    %mul3A_222 = arith.constant 640 : i32
    %mul3A_223 = arith.muli %arg1, %mul3A_222 : i32
    %dma_wait3A_224 = arith.constant 3 : i32
    %dma_wait3A_225 = arith.constant 0 : i32
    %dma_wait3A_226 = arith.constant 0 : i32
    %dma_wait3A_227 = tpu.memref_slice %arg7[%dma_wait3A_224, %dma_wait3A_225, %dma_wait3A_226] : memref<4x80x128xf32, #tpu.memory_space<vmem>> -> memref<1x80x128xf32, #tpu.memory_space<vmem>>
    %dma_wait3A_228 = tpu.memref_squeeze %dma_wait3A_227 : memref<1x80x128xf32, #tpu.memory_space<vmem>> -> memref<80x128xf32, #tpu.memory_space<vmem>>
    %dma_wait3A_229 = arith.constant 0 : i32
    %dma_wait3A_230 = tpu.memref_slice %arg5[%mul3A_223, %dma_wait3A_229] : memref<10240x128xf32, #tpu.memory_space<vmem_shared>> -> memref<80x128xf32, #tpu.memory_space<vmem_shared>>
    %dma_wait3A_231 = arith.constant 0 : i32
    %dma_wait3A_232 = tpu.memref_slice %arg5[%mul3A_223, %dma_wait3A_231] : memref<10240x128xf32, #tpu.memory_space<vmem_shared>> -> memref<80x128xf32, #tpu.memory_space<vmem_shared>>
    %dma_wait3A_233 = arith.constant 0 : i32
    %dma_wait3A_234 = arith.constant 0 : i32
    %dma_wait3A_235 = tpu.memref_slice %arg7[%dma_wait3A_224, %dma_wait3A_233, %dma_wait3A_234] : memref<4x80x128xf32, #tpu.memory_space<vmem>> -> memref<1x80x128xf32, #tpu.memory_space<vmem>>
    %dma_wait3A_236 = tpu.memref_squeeze %dma_wait3A_235 : memref<1x80x128xf32, #tpu.memory_space<vmem>> -> memref<80x128xf32, #tpu.memory_space<vmem>>
    tpu.wait_dma2 semaphore(%arg11 : memref<!tpu.dma_semaphore, #tpu.memory_space<semaphore_mem>>) src(%dma_wait3A_236 : memref<80x128xf32, #tpu.memory_space<vmem>>) dst(%dma_wait3A_232 : memref<80x128xf32, #tpu.memory_space<vmem_shared>>)
    %mul3A_237 = arith.constant 640 : i32
    %mul3A_238 = arith.muli %arg1, %mul3A_237 : i32
    %dma_wait3A_239 = arith.constant 3 : i32
    %dma_wait3A_240 = arith.constant 0 : i32
    %dma_wait3A_241 = arith.constant 0 : i32
    %dma_wait3A_242 = tpu.memref_slice %arg7[%dma_wait3A_239, %dma_wait3A_240, %dma_wait3A_241] : memref<4x80x128xf32, #tpu.memory_space<vmem>> -> memref<1x80x128xf32, #tpu.memory_space<vmem>>
    %dma_wait3A_243 = tpu.memref_squeeze %dma_wait3A_242 : memref<1x80x128xf32, #tpu.memory_space<vmem>> -> memref<80x128xf32, #tpu.memory_space<vmem>>
    %dma_wait3A_244 = arith.constant 0 : i32
    %dma_wait3A_245 = tpu.memref_slice %arg5[%mul3A_238, %dma_wait3A_244] : memref<10240x128xf32, #tpu.memory_space<vmem_shared>> -> memref<80x128xf32, #tpu.memory_space<vmem_shared>>
    %dma_wait3A_246 = arith.constant 0 : i32
    %dma_wait3A_247 = tpu.memref_slice %arg5[%mul3A_238, %dma_wait3A_246] : memref<10240x128xf32, #tpu.memory_space<vmem_shared>> -> memref<80x128xf32, #tpu.memory_space<vmem_shared>>
    %dma_wait3A_248 = arith.constant 0 : i32
    %dma_wait3A_249 = arith.constant 0 : i32
    %dma_wait3A_250 = tpu.memref_slice %arg7[%dma_wait3A_239, %dma_wait3A_248, %dma_wait3A_249] : memref<4x80x128xf32, #tpu.memory_space<vmem>> -> memref<1x80x128xf32, #tpu.memory_space<vmem>>
    %dma_wait3A_251 = tpu.memref_squeeze %dma_wait3A_250 : memref<1x80x128xf32, #tpu.memory_space<vmem>> -> memref<80x128xf32, #tpu.memory_space<vmem>>
    tpu.wait_dma2 semaphore(%arg11 : memref<!tpu.dma_semaphore, #tpu.memory_space<semaphore_mem>>) src(%dma_wait3A_251 : memref<80x128xf32, #tpu.memory_space<vmem>>) dst(%dma_wait3A_247 : memref<80x128xf32, #tpu.memory_space<vmem_shared>>)
    %mul3A_252 = arith.constant 640 : i32
    %mul3A_253 = arith.muli %arg1, %mul3A_252 : i32
    %dma_wait3A_254 = arith.constant 3 : i32
    %dma_wait3A_255 = arith.constant 0 : i32
    %dma_wait3A_256 = arith.constant 0 : i32
    %dma_wait3A_257 = tpu.memref_slice %arg7[%dma_wait3A_254, %dma_wait3A_255, %dma_wait3A_256] : memref<4x80x128xf32, #tpu.memory_space<vmem>> -> memref<1x80x128xf32, #tpu.memory_space<vmem>>
    %dma_wait3A_258 = tpu.memref_squeeze %dma_wait3A_257 : memref<1x80x128xf32, #tpu.memory_space<vmem>> -> memref<80x128xf32, #tpu.memory_space<vmem>>
    %dma_wait3A_259 = arith.constant 0 : i32
    %dma_wait3A_260 = tpu.memref_slice %arg5[%mul3A_253, %dma_wait3A_259] : memref<10240x128xf32, #tpu.memory_space<vmem_shared>> -> memref<80x128xf32, #tpu.memory_space<vmem_shared>>
    %dma_wait3A_261 = arith.constant 0 : i32
    %dma_wait3A_262 = tpu.memref_slice %arg5[%mul3A_253, %dma_wait3A_261] : memref<10240x128xf32, #tpu.memory_space<vmem_shared>> -> memref<80x128xf32, #tpu.memory_space<vmem_shared>>
    %dma_wait3A_263 = arith.constant 0 : i32
    %dma_wait3A_264 = arith.constant 0 : i32
    %dma_wait3A_265 = tpu.memref_slice %arg7[%dma_wait3A_254, %dma_wait3A_263, %dma_wait3A_264] : memref<4x80x128xf32, #tpu.memory_space<vmem>> -> memref<1x80x128xf32, #tpu.memory_space<vmem>>
    %dma_wait3A_266 = tpu.memref_squeeze %dma_wait3A_265 : memref<1x80x128xf32, #tpu.memory_space<vmem>> -> memref<80x128xf32, #tpu.memory_space<vmem>>
    tpu.wait_dma2 semaphore(%arg11 : memref<!tpu.dma_semaphore, #tpu.memory_space<semaphore_mem>>) src(%dma_wait3A_266 : memref<80x128xf32, #tpu.memory_space<vmem>>) dst(%dma_wait3A_262 : memref<80x128xf32, #tpu.memory_space<vmem_shared>>)
    %mul3A_267 = arith.constant 640 : i32
    %mul3A_268 = arith.muli %arg1, %mul3A_267 : i32
    %dma_wait3A_269 = arith.constant 3 : i32
    %dma_wait3A_270 = arith.constant 0 : i32
    %dma_wait3A_271 = arith.constant 0 : i32
    %dma_wait3A_272 = tpu.memref_slice %arg7[%dma_wait3A_269, %dma_wait3A_270, %dma_wait3A_271] : memref<4x80x128xf32, #tpu.memory_space<vmem>> -> memref<1x80x128xf32, #tpu.memory_space<vmem>>
    %dma_wait3A_273 = tpu.memref_squeeze %dma_wait3A_272 : memref<1x80x128xf32, #tpu.memory_space<vmem>> -> memref<80x128xf32, #tpu.memory_space<vmem>>
    %dma_wait3A_274 = arith.constant 0 : i32
    %dma_wait3A_275 = tpu.memref_slice %arg5[%mul3A_268, %dma_wait3A_274] : memref<10240x128xf32, #tpu.memory_space<vmem_shared>> -> memref<80x128xf32, #tpu.memory_space<vmem_shared>>
    %dma_wait3A_276 = arith.constant 0 : i32
    %dma_wait3A_277 = tpu.memref_slice %arg5[%mul3A_268, %dma_wait3A_276] : memref<10240x128xf32, #tpu.memory_space<vmem_shared>> -> memref<80x128xf32, #tpu.memory_space<vmem_shared>>
    %dma_wait3A_278 = arith.constant 0 : i32
    %dma_wait3A_279 = arith.constant 0 : i32
    %dma_wait3A_280 = tpu.memref_slice %arg7[%dma_wait3A_269, %dma_wait3A_278, %dma_wait3A_279] : memref<4x80x128xf32, #tpu.memory_space<vmem>> -> memref<1x80x128xf32, #tpu.memory_space<vmem>>
    %dma_wait3A_281 = tpu.memref_squeeze %dma_wait3A_280 : memref<1x80x128xf32, #tpu.memory_space<vmem>> -> memref<80x128xf32, #tpu.memory_space<vmem>>
    tpu.wait_dma2 semaphore(%arg11 : memref<!tpu.dma_semaphore, #tpu.memory_space<semaphore_mem>>) src(%dma_wait3A_281 : memref<80x128xf32, #tpu.memory_space<vmem>>) dst(%dma_wait3A_277 : memref<80x128xf32, #tpu.memory_space<vmem_shared>>)
    %mul3A_282 = arith.constant 640 : i32
    %mul3A_283 = arith.muli %arg1, %mul3A_282 : i32
    %dma_wait3A_284 = arith.constant 3 : i32
    %dma_wait3A_285 = arith.constant 0 : i32
    %dma_wait3A_286 = arith.constant 0 : i32
    %dma_wait3A_287 = tpu.memref_slice %arg7[%dma_wait3A_284, %dma_wait3A_285, %dma_wait3A_286] : memref<4x80x128xf32, #tpu.memory_space<vmem>> -> memref<1x80x128xf32, #tpu.memory_space<vmem>>
    %dma_wait3A_288 = tpu.memref_squeeze %dma_wait3A_287 : memref<1x80x128xf32, #tpu.memory_space<vmem>> -> memref<80x128xf32, #tpu.memory_space<vmem>>
    %dma_wait3A_289 = arith.constant 0 : i32
    %dma_wait3A_290 = tpu.memref_slice %arg5[%mul3A_283, %dma_wait3A_289] : memref<10240x128xf32, #tpu.memory_space<vmem_shared>> -> memref<80x128xf32, #tpu.memory_space<vmem_shared>>
    %dma_wait3A_291 = arith.constant 0 : i32
    %dma_wait3A_292 = tpu.memref_slice %arg5[%mul3A_283, %dma_wait3A_291] : memref<10240x128xf32, #tpu.memory_space<vmem_shared>> -> memref<80x128xf32, #tpu.memory_space<vmem_shared>>
    %dma_wait3A_293 = arith.constant 0 : i32
    %dma_wait3A_294 = arith.constant 0 : i32
    %dma_wait3A_295 = tpu.memref_slice %arg7[%dma_wait3A_284, %dma_wait3A_293, %dma_wait3A_294] : memref<4x80x128xf32, #tpu.memory_space<vmem>> -> memref<1x80x128xf32, #tpu.memory_space<vmem>>
    %dma_wait3A_296 = tpu.memref_squeeze %dma_wait3A_295 : memref<1x80x128xf32, #tpu.memory_space<vmem>> -> memref<80x128xf32, #tpu.memory_space<vmem>>
    tpu.wait_dma2 semaphore(%arg11 : memref<!tpu.dma_semaphore, #tpu.memory_space<semaphore_mem>>) src(%dma_wait3A_296 : memref<80x128xf32, #tpu.memory_space<vmem>>) dst(%dma_wait3A_292 : memref<80x128xf32, #tpu.memory_space<vmem_shared>>)
    %mul3A_297 = arith.constant 640 : i32
    %mul3A_298 = arith.muli %arg1, %mul3A_297 : i32
    %dma_wait3A_299 = arith.constant 3 : i32
    %dma_wait3A_300 = arith.constant 0 : i32
    %dma_wait3A_301 = arith.constant 0 : i32
    %dma_wait3A_302 = tpu.memref_slice %arg7[%dma_wait3A_299, %dma_wait3A_300, %dma_wait3A_301] : memref<4x80x128xf32, #tpu.memory_space<vmem>> -> memref<1x80x128xf32, #tpu.memory_space<vmem>>
    %dma_wait3A_303 = tpu.memref_squeeze %dma_wait3A_302 : memref<1x80x128xf32, #tpu.memory_space<vmem>> -> memref<80x128xf32, #tpu.memory_space<vmem>>
    %dma_wait3A_304 = arith.constant 0 : i32
    %dma_wait3A_305 = tpu.memref_slice %arg5[%mul3A_298, %dma_wait3A_304] : memref<10240x128xf32, #tpu.memory_space<vmem_shared>> -> memref<80x128xf32, #tpu.memory_space<vmem_shared>>
    %dma_wait3A_306 = arith.constant 0 : i32
    %dma_wait3A_307 = tpu.memref_slice %arg5[%mul3A_298, %dma_wait3A_306] : memref<10240x128xf32, #tpu.memory_space<vmem_shared>> -> memref<80x128xf32, #tpu.memory_space<vmem_shared>>
    %dma_wait3A_308 = arith.constant 0 : i32
    %dma_wait3A_309 = arith.constant 0 : i32
    %dma_wait3A_310 = tpu.memref_slice %arg7[%dma_wait3A_299, %dma_wait3A_308, %dma_wait3A_309] : memref<4x80x128xf32, #tpu.memory_space<vmem>> -> memref<1x80x128xf32, #tpu.memory_space<vmem>>
    %dma_wait3A_311 = tpu.memref_squeeze %dma_wait3A_310 : memref<1x80x128xf32, #tpu.memory_space<vmem>> -> memref<80x128xf32, #tpu.memory_space<vmem>>
    tpu.wait_dma2 semaphore(%arg11 : memref<!tpu.dma_semaphore, #tpu.memory_space<semaphore_mem>>) src(%dma_wait3A_311 : memref<80x128xf32, #tpu.memory_space<vmem>>) dst(%dma_wait3A_307 : memref<80x128xf32, #tpu.memory_space<vmem_shared>>)
    %barrier3A = arith.constant 0 : index
    tpu.barrier barrier_id(%barrier3A)
    %scan3A_312 = arith.constant 0 : i32
    %scan3A_313 = arith.constant 0 : i32
    %scan3A_314 = arith.constant 125 : i32
    %scan3A_315 = arith.addi %scan3A_313, %scan3A_314 : i32
    %scan3A_316 = arith.constant 1 : i32
    scf.for %scan3A_357 = %scan3A_313 to %scan3A_315 step %scan3A_316  : i32 {
      %rem3A_358 = arith.constant 4 : i32
      %rem3A_359 = arith.remsi %scan3A_357, %rem3A_358 : i32
      %div3A_360 = arith.constant 5 : i32
      %div3A_361 = arith.divsi %scan3A_357, %div3A_360 : i32
      %rem3A_362 = arith.constant 5 : i32
      %rem3A_363 = arith.remsi %scan3A_357, %rem3A_362 : i32
      %rem3A_364 = arith.constant 2 : i32
      %rem3A_365 = arith.remsi %div3A_361, %rem3A_364 : i32
      %add3A_366 = arith.constant 2 : i32
      %add3A_367 = arith.addi %scan3A_357, %add3A_366 : i32
      %rem3A_368 = arith.constant 4 : i32
      %rem3A_369 = arith.remsi %add3A_367, %rem3A_368 : i32
      %ge3A = arith.constant 2 : i32
      %ge3A_370 = arith.cmpi sge, %scan3A_357, %ge3A : i32
      %convert_element_type3A = arith.extui %ge3A_370 : i1 to i32
      %cond3A = arith.constant 0 : i32
      %cond3A_371 = arith.cmpi ne, %convert_element_type3A, %cond3A : i32
      scf.if %cond3A_371 {
        %dma_wait3A_428 = arith.constant 0 : i32
        %dma_wait3A_429 = arith.constant 0 : i32
        %dma_wait3A_430 = arith.constant 1 : i32
        %dma_wait3A_431 = arith.constant 0 : i32
        %dma_wait3A_432 = arith.constant 0 : i32
        %dma_wait3A_433 = arith.constant 0 : i32
        %dma_wait3A_434 = tpu.memref_slice %arg7[%dma_wait3A_428, %dma_wait3A_432, %dma_wait3A_433] : memref<4x80x128xf32, #tpu.memory_space<vmem>> -> memref<1x80x128xf32, #tpu.memory_space<vmem>>
        %dma_wait3A_435 = tpu.memref_squeeze %dma_wait3A_434 : memref<1x80x128xf32, #tpu.memory_space<vmem>> -> memref<80x128xf32, #tpu.memory_space<vmem>>
        %dma_wait3A_436 = arith.constant 0 : i32
        %dma_wait3A_437 = tpu.memref_slice %arg6[%dma_wait3A_429, %dma_wait3A_430, %dma_wait3A_431, %dma_wait3A_436] : memref<2x2x5x80xi32, #tpu.memory_space<vmem>> -> memref<1x1x1x80xi32, #tpu.memory_space<vmem>>
        %dma_wait3A_438 = tpu.memref_squeeze %dma_wait3A_437 : memref<1x1x1x80xi32, #tpu.memory_space<vmem>> -> memref<80xi32, #tpu.memory_space<vmem>>
        %dma_wait3A_439 = arith.constant 0 : i32
        %dma_wait3A_440 = arith.constant 0 : i32
        %dma_wait3A_441 = tpu.memref_slice %arg5[%dma_wait3A_439, %dma_wait3A_440] : memref<10240x128xf32, #tpu.memory_space<vmem_shared>> -> memref<10240x128xf32, #tpu.memory_space<vmem_shared>>
        %dma_wait3A_442 = tpu.memref_slice %arg9[%rem3A_369] : memref<4x!tpu.dma_semaphore, #tpu.memory_space<semaphore_mem>> -> memref<1x!tpu.dma_semaphore, #tpu.memory_space<semaphore_mem>>
        %dma_wait3A_443 = tpu.memref_squeeze %dma_wait3A_442 : memref<1x!tpu.dma_semaphore, #tpu.memory_space<semaphore_mem>> -> memref<!tpu.dma_semaphore, #tpu.memory_space<semaphore_mem>>
        tpu.wait_indirect_dma semaphore(%dma_wait3A_443 : memref<!tpu.dma_semaphore, #tpu.memory_space<semaphore_mem>>) src(%dma_wait3A_435 : memref<80x128xf32, #tpu.memory_space<vmem>>) dst(%dma_wait3A_441 : memref<10240x128xf32, #tpu.memory_space<vmem_shared>>)
      } else {
      }
      %eq3A = arith.constant 2 : i32
      %eq3A_372 = arith.cmpi eq, %rem3A_363, %eq3A : i32
      %add3A_373 = arith.constant 1 : i32
      %add3A_374 = arith.addi %div3A_361, %add3A_373 : i32
      %lt3A = arith.constant 25 : i32
      %lt3A_375 = arith.cmpi slt, %add3A_374, %lt3A : i32
      %and3A = arith.andi %eq3A_372, %lt3A_375 : i1
      %convert_element_type3A_376 = arith.extui %and3A : i1 to i32
      %cond3A_377 = arith.constant 0 : i32
      %cond3A_378 = arith.cmpi ne, %convert_element_type3A_376, %cond3A_377 : i32
      scf.if %cond3A_378 {
        %add3A_428 = arith.constant 1 : i32
        %add3A_429 = arith.addi %div3A_361, %add3A_428 : i32
        %sub3A = arith.constant 1 : i32
        %sub3A_430 = arith.subi %sub3A, %rem3A_365 : i32
        %dma_start3A_431 = arith.constant 0 : i32
        %dma_start3A_432 = arith.constant 0 : i32
        %dma_start3A_433 = arith.constant 0 : i32
        %dma_start3A_434 = arith.constant 0 : i32
        %dma_start3A_435 = arith.constant 0 : i32
        %dma_start3A_436 = tpu.memref_slice %arg6[%sub3A_430, %dma_start3A_432, %dma_start3A_434, %dma_start3A_435] : memref<2x2x5x80xi32, #tpu.memory_space<vmem>> -> memref<1x1x5x80xi32, #tpu.memory_space<vmem>>
        %dma_start3A_437 = tpu.memref_squeeze %dma_start3A_436 : memref<1x1x5x80xi32, #tpu.memory_space<vmem>> -> memref<5x80xi32, #tpu.memory_space<vmem>>
        %dma_start3A_438 = arith.constant 0 : i32
        %dma_start3A_439 = arith.constant 0 : i32
        %dma_start3A_440 = tpu.memref_slice %arg3[%dma_start3A_431, %add3A, %add3A_429, %dma_start3A_438, %dma_start3A_439] : memref<2x32x25x5x80xi32, #tpu.memory_space<hbm>> -> memref<1x1x1x5x80xi32, #tpu.memory_space<hbm>>
        %dma_start3A_441 = tpu.memref_squeeze %dma_start3A_440 : memref<1x1x1x5x80xi32, #tpu.memory_space<hbm>> -> memref<5x80xi32, #tpu.memory_space<hbm>>
        %dma_start3A_442 = tpu.memref_slice %arg10[%dma_start3A_433] : memref<2x!tpu.dma_semaphore, #tpu.memory_space<semaphore_mem>> -> memref<1x!tpu.dma_semaphore, #tpu.memory_space<semaphore_mem>>
        %dma_start3A_443 = tpu.memref_squeeze %dma_start3A_442 : memref<1x!tpu.dma_semaphore, #tpu.memory_space<semaphore_mem>> -> memref<!tpu.dma_semaphore, #tpu.memory_space<semaphore_mem>>
        %dma_start3A_444 = arith.constant 0 : i32
        %dma_start3A_445 = arith.constant 0 : i32
        %dma_start3A_446 = tpu.memref_slice %arg6[%sub3A_430, %dma_start3A_432, %dma_start3A_444, %dma_start3A_445] : memref<2x2x5x80xi32, #tpu.memory_space<vmem>> -> memref<1x1x5x80xi32, #tpu.memory_space<vmem>>
        %dma_start3A_447 = tpu.memref_squeeze %dma_start3A_446 : memref<1x1x5x80xi32, #tpu.memory_space<vmem>> -> memref<5x80xi32, #tpu.memory_space<vmem>>
        %dma_start3A_448 = arith.constant 0 : i32
        %dma_start3A_449 = arith.constant 0 : i32
        %dma_start3A_450 = tpu.memref_slice %arg3[%dma_start3A_431, %add3A, %add3A_429, %dma_start3A_448, %dma_start3A_449] : memref<2x32x25x5x80xi32, #tpu.memory_space<hbm>> -> memref<1x1x1x5x80xi32, #tpu.memory_space<hbm>>
        %dma_start3A_451 = tpu.memref_squeeze %dma_start3A_450 : memref<1x1x1x5x80xi32, #tpu.memory_space<hbm>> -> memref<5x80xi32, #tpu.memory_space<hbm>>
        tpu.enqueue_dma source(%dma_start3A_451 : memref<5x80xi32, #tpu.memory_space<hbm>>) target(%dma_start3A_447 : memref<5x80xi32, #tpu.memory_space<vmem>>) target_semaphore(%dma_start3A_443 : memref<!tpu.dma_semaphore, #tpu.memory_space<semaphore_mem>>)
        %add3A_452 = arith.constant 1 : i32
        %add3A_453 = arith.addi %div3A_361, %add3A_452 : i32
        %sub3A_454 = arith.constant 1 : i32
        %sub3A_455 = arith.subi %sub3A_454, %rem3A_365 : i32
        %dma_start3A_456 = arith.constant 1 : i32
        %dma_start3A_457 = arith.constant 1 : i32
        %dma_start3A_458 = arith.constant 1 : i32
        %dma_start3A_459 = arith.constant 0 : i32
        %dma_start3A_460 = arith.constant 0 : i32
        %dma_start3A_461 = tpu.memref_slice %arg6[%sub3A_455, %dma_start3A_457, %dma_start3A_459, %dma_start3A_460] : memref<2x2x5x80xi32, #tpu.memory_space<vmem>> -> memref<1x1x5x80xi32, #tpu.memory_space<vmem>>
        %dma_start3A_462 = tpu.memref_squeeze %dma_start3A_461 : memref<1x1x5x80xi32, #tpu.memory_space<vmem>> -> memref<5x80xi32, #tpu.memory_space<vmem>>
        %dma_start3A_463 = arith.constant 0 : i32
        %dma_start3A_464 = arith.constant 0 : i32
        %dma_start3A_465 = tpu.memref_slice %arg3[%dma_start3A_456, %add3A, %add3A_453, %dma_start3A_463, %dma_start3A_464] : memref<2x32x25x5x80xi32, #tpu.memory_space<hbm>> -> memref<1x1x1x5x80xi32, #tpu.memory_space<hbm>>
        %dma_start3A_466 = tpu.memref_squeeze %dma_start3A_465 : memref<1x1x1x5x80xi32, #tpu.memory_space<hbm>> -> memref<5x80xi32, #tpu.memory_space<hbm>>
        %dma_start3A_467 = tpu.memref_slice %arg10[%dma_start3A_458] : memref<2x!tpu.dma_semaphore, #tpu.memory_space<semaphore_mem>> -> memref<1x!tpu.dma_semaphore, #tpu.memory_space<semaphore_mem>>
        %dma_start3A_468 = tpu.memref_squeeze %dma_start3A_467 : memref<1x!tpu.dma_semaphore, #tpu.memory_space<semaphore_mem>> -> memref<!tpu.dma_semaphore, #tpu.memory_space<semaphore_mem>>
        %dma_start3A_469 = arith.constant 0 : i32
        %dma_start3A_470 = arith.constant 0 : i32
        %dma_start3A_471 = tpu.memref_slice %arg6[%sub3A_455, %dma_start3A_457, %dma_start3A_469, %dma_start3A_470] : memref<2x2x5x80xi32, #tpu.memory_space<vmem>> -> memref<1x1x5x80xi32, #tpu.memory_space<vmem>>
        %dma_start3A_472 = tpu.memref_squeeze %dma_start3A_471 : memref<1x1x5x80xi32, #tpu.memory_space<vmem>> -> memref<5x80xi32, #tpu.memory_space<vmem>>
        %dma_start3A_473 = arith.constant 0 : i32
        %dma_start3A_474 = arith.constant 0 : i32
        %dma_start3A_475 = tpu.memref_slice %arg3[%dma_start3A_456, %add3A, %add3A_453, %dma_start3A_473, %dma_start3A_474] : memref<2x32x25x5x80xi32, #tpu.memory_space<hbm>> -> memref<1x1x1x5x80xi32, #tpu.memory_space<hbm>>
        %dma_start3A_476 = tpu.memref_squeeze %dma_start3A_475 : memref<1x1x1x5x80xi32, #tpu.memory_space<hbm>> -> memref<5x80xi32, #tpu.memory_space<hbm>>
        tpu.enqueue_dma source(%dma_start3A_476 : memref<5x80xi32, #tpu.memory_space<hbm>>) target(%dma_start3A_472 : memref<5x80xi32, #tpu.memory_space<vmem>>) target_semaphore(%dma_start3A_468 : memref<!tpu.dma_semaphore, #tpu.memory_space<semaphore_mem>>)
      } else {
      }
      %eq3A_379 = arith.constant 3 : i32
      %eq3A_380 = arith.cmpi eq, %rem3A_363, %eq3A_379 : i32
      %add3A_381 = arith.constant 1 : i32
      %add3A_382 = arith.addi %div3A_361, %add3A_381 : i32
      %lt3A_383 = arith.constant 25 : i32
      %lt3A_384 = arith.cmpi slt, %add3A_382, %lt3A_383 : i32
      %and3A_385 = arith.andi %eq3A_380, %lt3A_384 : i1
      %convert_element_type3A_386 = arith.extui %and3A_385 : i1 to i32
      %cond3A_387 = arith.constant 0 : i32
      %cond3A_388 = arith.cmpi ne, %convert_element_type3A_386, %cond3A_387 : i32
      scf.if %cond3A_388 {
        %dma_wait3A_428 = arith.constant 0 : i32
        %dma_wait3A_429 = arith.constant 0 : i32
        %dma_wait3A_430 = arith.constant 0 : i32
        %dma_wait3A_431 = arith.constant 0 : i32
        %dma_wait3A_432 = arith.constant 0 : i32
        %dma_wait3A_433 = arith.constant 0 : i32
        %dma_wait3A_434 = arith.constant 0 : i32
        %dma_wait3A_435 = tpu.memref_slice %arg6[%dma_wait3A_430, %dma_wait3A_431, %dma_wait3A_433, %dma_wait3A_434] : memref<2x2x5x80xi32, #tpu.memory_space<vmem>> -> memref<1x1x5x80xi32, #tpu.memory_space<vmem>>
        %dma_wait3A_436 = tpu.memref_squeeze %dma_wait3A_435 : memref<1x1x5x80xi32, #tpu.memory_space<vmem>> -> memref<5x80xi32, #tpu.memory_space<vmem>>
        %dma_wait3A_437 = arith.constant 0 : i32
        %dma_wait3A_438 = arith.constant 0 : i32
        %dma_wait3A_439 = tpu.memref_slice %arg3[%dma_wait3A_428, %add3A, %dma_wait3A_429, %dma_wait3A_437, %dma_wait3A_438] : memref<2x32x25x5x80xi32, #tpu.memory_space<hbm>> -> memref<1x1x1x5x80xi32, #tpu.memory_space<hbm>>
        %dma_wait3A_440 = tpu.memref_squeeze %dma_wait3A_439 : memref<1x1x1x5x80xi32, #tpu.memory_space<hbm>> -> memref<5x80xi32, #tpu.memory_space<hbm>>
        %dma_wait3A_441 = tpu.memref_slice %arg10[%dma_wait3A_432] : memref<2x!tpu.dma_semaphore, #tpu.memory_space<semaphore_mem>> -> memref<1x!tpu.dma_semaphore, #tpu.memory_space<semaphore_mem>>
        %dma_wait3A_442 = tpu.memref_squeeze %dma_wait3A_441 : memref<1x!tpu.dma_semaphore, #tpu.memory_space<semaphore_mem>> -> memref<!tpu.dma_semaphore, #tpu.memory_space<semaphore_mem>>
        %dma_wait3A_443 = arith.constant 0 : i32
        %dma_wait3A_444 = arith.constant 0 : i32
        %dma_wait3A_445 = tpu.memref_slice %arg6[%dma_wait3A_430, %dma_wait3A_431, %dma_wait3A_443, %dma_wait3A_444] : memref<2x2x5x80xi32, #tpu.memory_space<vmem>> -> memref<1x1x5x80xi32, #tpu.memory_space<vmem>>
        %dma_wait3A_446 = tpu.memref_squeeze %dma_wait3A_445 : memref<1x1x5x80xi32, #tpu.memory_space<vmem>> -> memref<5x80xi32, #tpu.memory_space<vmem>>
        %dma_wait3A_447 = arith.constant 0 : i32
        %dma_wait3A_448 = arith.constant 0 : i32
        %dma_wait3A_449 = tpu.memref_slice %arg3[%dma_wait3A_428, %add3A, %dma_wait3A_429, %dma_wait3A_447, %dma_wait3A_448] : memref<2x32x25x5x80xi32, #tpu.memory_space<hbm>> -> memref<1x1x1x5x80xi32, #tpu.memory_space<hbm>>
        %dma_wait3A_450 = tpu.memref_squeeze %dma_wait3A_449 : memref<1x1x1x5x80xi32, #tpu.memory_space<hbm>> -> memref<5x80xi32, #tpu.memory_space<hbm>>
        tpu.wait_dma2 semaphore(%dma_wait3A_442 : memref<!tpu.dma_semaphore, #tpu.memory_space<semaphore_mem>>) src(%dma_wait3A_450 : memref<5x80xi32, #tpu.memory_space<hbm>>) dst(%dma_wait3A_446 : memref<5x80xi32, #tpu.memory_space<vmem>>)
        %dma_wait3A_451 = arith.constant 1 : i32
        %dma_wait3A_452 = arith.constant 0 : i32
        %dma_wait3A_453 = arith.constant 0 : i32
        %dma_wait3A_454 = arith.constant 1 : i32
        %dma_wait3A_455 = arith.constant 1 : i32
        %dma_wait3A_456 = arith.constant 0 : i32
        %dma_wait3A_457 = arith.constant 0 : i32
        %dma_wait3A_458 = tpu.memref_slice %arg6[%dma_wait3A_453, %dma_wait3A_454, %dma_wait3A_456, %dma_wait3A_457] : memref<2x2x5x80xi32, #tpu.memory_space<vmem>> -> memref<1x1x5x80xi32, #tpu.memory_space<vmem>>
        %dma_wait3A_459 = tpu.memref_squeeze %dma_wait3A_458 : memref<1x1x5x80xi32, #tpu.memory_space<vmem>> -> memref<5x80xi32, #tpu.memory_space<vmem>>
        %dma_wait3A_460 = arith.constant 0 : i32
        %dma_wait3A_461 = arith.constant 0 : i32
        %dma_wait3A_462 = tpu.memref_slice %arg3[%dma_wait3A_451, %add3A, %dma_wait3A_452, %dma_wait3A_460, %dma_wait3A_461] : memref<2x32x25x5x80xi32, #tpu.memory_space<hbm>> -> memref<1x1x1x5x80xi32, #tpu.memory_space<hbm>>
        %dma_wait3A_463 = tpu.memref_squeeze %dma_wait3A_462 : memref<1x1x1x5x80xi32, #tpu.memory_space<hbm>> -> memref<5x80xi32, #tpu.memory_space<hbm>>
        %dma_wait3A_464 = tpu.memref_slice %arg10[%dma_wait3A_455] : memref<2x!tpu.dma_semaphore, #tpu.memory_space<semaphore_mem>> -> memref<1x!tpu.dma_semaphore, #tpu.memory_space<semaphore_mem>>
        %dma_wait3A_465 = tpu.memref_squeeze %dma_wait3A_464 : memref<1x!tpu.dma_semaphore, #tpu.memory_space<semaphore_mem>> -> memref<!tpu.dma_semaphore, #tpu.memory_space<semaphore_mem>>
        %dma_wait3A_466 = arith.constant 0 : i32
        %dma_wait3A_467 = arith.constant 0 : i32
        %dma_wait3A_468 = tpu.memref_slice %arg6[%dma_wait3A_453, %dma_wait3A_454, %dma_wait3A_466, %dma_wait3A_467] : memref<2x2x5x80xi32, #tpu.memory_space<vmem>> -> memref<1x1x5x80xi32, #tpu.memory_space<vmem>>
        %dma_wait3A_469 = tpu.memref_squeeze %dma_wait3A_468 : memref<1x1x5x80xi32, #tpu.memory_space<vmem>> -> memref<5x80xi32, #tpu.memory_space<vmem>>
        %dma_wait3A_470 = arith.constant 0 : i32
        %dma_wait3A_471 = arith.constant 0 : i32
        %dma_wait3A_472 = tpu.memref_slice %arg3[%dma_wait3A_451, %add3A, %dma_wait3A_452, %dma_wait3A_470, %dma_wait3A_471] : memref<2x32x25x5x80xi32, #tpu.memory_space<hbm>> -> memref<1x1x1x5x80xi32, #tpu.memory_space<hbm>>
        %dma_wait3A_473 = tpu.memref_squeeze %dma_wait3A_472 : memref<1x1x1x5x80xi32, #tpu.memory_space<hbm>> -> memref<5x80xi32, #tpu.memory_space<hbm>>
        tpu.wait_dma2 semaphore(%dma_wait3A_465 : memref<!tpu.dma_semaphore, #tpu.memory_space<semaphore_mem>>) src(%dma_wait3A_473 : memref<5x80xi32, #tpu.memory_space<hbm>>) dst(%dma_wait3A_469 : memref<5x80xi32, #tpu.memory_space<vmem>>)
      } else {
      }
      %add3A_389 = arith.constant 2 : i32
      %add3A_390 = arith.addi %scan3A_357, %add3A_389 : i32
      %lt3A_391 = arith.constant 125 : i32
      %lt3A_392 = arith.cmpi slt, %add3A_390, %lt3A_391 : i32
      %convert_element_type3A_393 = arith.extui %lt3A_392 : i1 to i32
      %cond3A_394 = arith.constant 0 : i32
      %cond3A_395 = arith.cmpi ne, %convert_element_type3A_393, %cond3A_394 : i32
      scf.if %cond3A_395 {
        %add3A_428 = arith.constant 2 : i32
        %add3A_429 = arith.addi %scan3A_357, %add3A_428 : i32
        %div3A_430 = arith.constant 5 : i32
        %div3A_431 = arith.divsi %add3A_429, %div3A_430 : i32
        %rem3A_432 = arith.constant 2 : i32
        %rem3A_433 = arith.remsi %div3A_431, %rem3A_432 : i32
        %rem3A_434 = arith.constant 5 : i32
        %rem3A_435 = arith.remsi %add3A_429, %rem3A_434 : i32
        %dma_start3A_436 = arith.constant 0 : i32
        %dma_start3A_437 = arith.constant 0 : i32
        %dma_start3A_438 = arith.constant 0 : i32
        %dma_start3A_439 = tpu.memref_slice %arg7[%rem3A_369, %dma_start3A_437, %dma_start3A_438] : memref<4x80x128xf32, #tpu.memory_space<vmem>> -> memref<1x80x128xf32, #tpu.memory_space<vmem>>
        %dma_start3A_440 = tpu.memref_squeeze %dma_start3A_439 : memref<1x80x128xf32, #tpu.memory_space<vmem>> -> memref<80x128xf32, #tpu.memory_space<vmem>>
        %dma_start3A_441 = arith.constant 0 : i32
        %dma_start3A_442 = tpu.memref_slice %arg6[%rem3A_433, %dma_start3A_436, %rem3A_435, %dma_start3A_441] : memref<2x2x5x80xi32, #tpu.memory_space<vmem>> -> memref<1x1x1x80xi32, #tpu.memory_space<vmem>>
        %dma_start3A_443 = tpu.memref_squeeze %dma_start3A_442 : memref<1x1x1x80xi32, #tpu.memory_space<vmem>> -> memref<80xi32, #tpu.memory_space<vmem>>
        %dma_start3A_444 = arith.constant 0 : i32
        %dma_start3A_445 = arith.constant 0 : i32
        %dma_start3A_446 = tpu.memref_slice %arg2[%dma_start3A_444, %dma_start3A_445] : memref<10240x128xf32, #tpu.memory_space<hbm>> -> memref<10240x128xf32, #tpu.memory_space<hbm>>
        %dma_start3A_447 = tpu.memref_slice %arg8[%rem3A_369] : memref<4x!tpu.dma_semaphore, #tpu.memory_space<semaphore_mem>> -> memref<1x!tpu.dma_semaphore, #tpu.memory_space<semaphore_mem>>
        %dma_start3A_448 = tpu.memref_squeeze %dma_start3A_447 : memref<1x!tpu.dma_semaphore, #tpu.memory_space<semaphore_mem>> -> memref<!tpu.dma_semaphore, #tpu.memory_space<semaphore_mem>>
        tpu.enqueue_indirect_dma source(%dma_start3A_446 : memref<10240x128xf32, #tpu.memory_space<hbm>>) target(%dma_start3A_440 : memref<80x128xf32, #tpu.memory_space<vmem>>) offsets(%dma_start3A_443 : memref<80xi32, #tpu.memory_space<vmem>>) semaphore(%dma_start3A_448 : memref<!tpu.dma_semaphore, #tpu.memory_space<semaphore_mem>>)
      } else {
      }
      %div3A_396 = arith.constant 5 : i32
      %div3A_397 = arith.divsi %scan3A_357, %div3A_396 : i32
      %rem3A_398 = arith.constant 2 : i32
      %rem3A_399 = arith.remsi %div3A_397, %rem3A_398 : i32
      %rem3A_400 = arith.constant 5 : i32
      %rem3A_401 = arith.remsi %scan3A_357, %rem3A_400 : i32
      %dma_wait3A_402 = arith.constant 0 : i32
      %dma_wait3A_403 = arith.constant 0 : i32
      %dma_wait3A_404 = arith.constant 0 : i32
      %dma_wait3A_405 = tpu.memref_slice %arg7[%rem3A_359, %dma_wait3A_403, %dma_wait3A_404] : memref<4x80x128xf32, #tpu.memory_space<vmem>> -> memref<1x80x128xf32, #tpu.memory_space<vmem>>
      %dma_wait3A_406 = tpu.memref_squeeze %dma_wait3A_405 : memref<1x80x128xf32, #tpu.memory_space<vmem>> -> memref<80x128xf32, #tpu.memory_space<vmem>>
      %dma_wait3A_407 = arith.constant 0 : i32
      %dma_wait3A_408 = tpu.memref_slice %arg6[%rem3A_399, %dma_wait3A_402, %rem3A_401, %dma_wait3A_407] : memref<2x2x5x80xi32, #tpu.memory_space<vmem>> -> memref<1x1x1x80xi32, #tpu.memory_space<vmem>>
      %dma_wait3A_409 = tpu.memref_squeeze %dma_wait3A_408 : memref<1x1x1x80xi32, #tpu.memory_space<vmem>> -> memref<80xi32, #tpu.memory_space<vmem>>
      %dma_wait3A_410 = arith.constant 0 : i32
      %dma_wait3A_411 = arith.constant 0 : i32
      %dma_wait3A_412 = tpu.memref_slice %arg2[%dma_wait3A_410, %dma_wait3A_411] : memref<10240x128xf32, #tpu.memory_space<hbm>> -> memref<10240x128xf32, #tpu.memory_space<hbm>>
      %dma_wait3A_413 = tpu.memref_slice %arg8[%rem3A_359] : memref<4x!tpu.dma_semaphore, #tpu.memory_space<semaphore_mem>> -> memref<1x!tpu.dma_semaphore, #tpu.memory_space<semaphore_mem>>
      %dma_wait3A_414 = tpu.memref_squeeze %dma_wait3A_413 : memref<1x!tpu.dma_semaphore, #tpu.memory_space<semaphore_mem>> -> memref<!tpu.dma_semaphore, #tpu.memory_space<semaphore_mem>>
      tpu.wait_indirect_dma semaphore(%dma_wait3A_414 : memref<!tpu.dma_semaphore, #tpu.memory_space<semaphore_mem>>) src(%dma_wait3A_412 : memref<10240x128xf32, #tpu.memory_space<hbm>>) dst(%dma_wait3A_406 : memref<80x128xf32, #tpu.memory_space<vmem>>)
      %dma_start3A_415 = arith.constant 1 : i32
      %dma_start3A_416 = arith.constant 0 : i32
      %dma_start3A_417 = arith.constant 0 : i32
      %dma_start3A_418 = tpu.memref_slice %arg7[%rem3A_359, %dma_start3A_416, %dma_start3A_417] : memref<4x80x128xf32, #tpu.memory_space<vmem>> -> memref<1x80x128xf32, #tpu.memory_space<vmem>>
      %dma_start3A_419 = tpu.memref_squeeze %dma_start3A_418 : memref<1x80x128xf32, #tpu.memory_space<vmem>> -> memref<80x128xf32, #tpu.memory_space<vmem>>
      %dma_start3A_420 = arith.constant 0 : i32
      %dma_start3A_421 = tpu.memref_slice %arg6[%rem3A_365, %dma_start3A_415, %rem3A_363, %dma_start3A_420] : memref<2x2x5x80xi32, #tpu.memory_space<vmem>> -> memref<1x1x1x80xi32, #tpu.memory_space<vmem>>
      %dma_start3A_422 = tpu.memref_squeeze %dma_start3A_421 : memref<1x1x1x80xi32, #tpu.memory_space<vmem>> -> memref<80xi32, #tpu.memory_space<vmem>>
      %dma_start3A_423 = arith.constant 0 : i32
      %dma_start3A_424 = arith.constant 0 : i32
      %dma_start3A_425 = tpu.memref_slice %arg5[%dma_start3A_423, %dma_start3A_424] : memref<10240x128xf32, #tpu.memory_space<vmem_shared>> -> memref<10240x128xf32, #tpu.memory_space<vmem_shared>>
      %dma_start3A_426 = tpu.memref_slice %arg9[%rem3A_359] : memref<4x!tpu.dma_semaphore, #tpu.memory_space<semaphore_mem>> -> memref<1x!tpu.dma_semaphore, #tpu.memory_space<semaphore_mem>>
      %dma_start3A_427 = tpu.memref_squeeze %dma_start3A_426 : memref<1x!tpu.dma_semaphore, #tpu.memory_space<semaphore_mem>> -> memref<!tpu.dma_semaphore, #tpu.memory_space<semaphore_mem>>
      tpu.enqueue_indirect_dma source(%dma_start3A_419 : memref<80x128xf32, #tpu.memory_space<vmem>>) target(%dma_start3A_425 : memref<10240x128xf32, #tpu.memory_space<vmem_shared>>) offsets(%dma_start3A_422 : memref<80xi32, #tpu.memory_space<vmem>>) semaphore(%dma_start3A_427 : memref<!tpu.dma_semaphore, #tpu.memory_space<semaphore_mem>>) {add = true}
    }
    %scan3A_317 = arith.constant 125 : i32
    %dma_wait3A_318 = arith.constant 0 : i32
    %dma_wait3A_319 = arith.constant 0 : i32
    %dma_wait3A_320 = arith.constant 1 : i32
    %dma_wait3A_321 = arith.constant 0 : i32
    %dma_wait3A_322 = arith.constant 3 : i32
    %dma_wait3A_323 = arith.constant 0 : i32
    %dma_wait3A_324 = arith.constant 0 : i32
    %dma_wait3A_325 = tpu.memref_slice %arg7[%dma_wait3A_318, %dma_wait3A_323, %dma_wait3A_324] : memref<4x80x128xf32, #tpu.memory_space<vmem>> -> memref<1x80x128xf32, #tpu.memory_space<vmem>>
    %dma_wait3A_326 = tpu.memref_squeeze %dma_wait3A_325 : memref<1x80x128xf32, #tpu.memory_space<vmem>> -> memref<80x128xf32, #tpu.memory_space<vmem>>
    %dma_wait3A_327 = arith.constant 0 : i32
    %dma_wait3A_328 = tpu.memref_slice %arg6[%dma_wait3A_319, %dma_wait3A_320, %dma_wait3A_321, %dma_wait3A_327] : memref<2x2x5x80xi32, #tpu.memory_space<vmem>> -> memref<1x1x1x80xi32, #tpu.memory_space<vmem>>
    %dma_wait3A_329 = tpu.memref_squeeze %dma_wait3A_328 : memref<1x1x1x80xi32, #tpu.memory_space<vmem>> -> memref<80xi32, #tpu.memory_space<vmem>>
    %dma_wait3A_330 = arith.constant 0 : i32
    %dma_wait3A_331 = arith.constant 0 : i32
    %dma_wait3A_332 = tpu.memref_slice %arg5[%dma_wait3A_330, %dma_wait3A_331] : memref<10240x128xf32, #tpu.memory_space<vmem_shared>> -> memref<10240x128xf32, #tpu.memory_space<vmem_shared>>
    %dma_wait3A_333 = tpu.memref_slice %arg9[%dma_wait3A_322] : memref<4x!tpu.dma_semaphore, #tpu.memory_space<semaphore_mem>> -> memref<1x!tpu.dma_semaphore, #tpu.memory_space<semaphore_mem>>
    %dma_wait3A_334 = tpu.memref_squeeze %dma_wait3A_333 : memref<1x!tpu.dma_semaphore, #tpu.memory_space<semaphore_mem>> -> memref<!tpu.dma_semaphore, #tpu.memory_space<semaphore_mem>>
    tpu.wait_indirect_dma semaphore(%dma_wait3A_334 : memref<!tpu.dma_semaphore, #tpu.memory_space<semaphore_mem>>) src(%dma_wait3A_326 : memref<80x128xf32, #tpu.memory_space<vmem>>) dst(%dma_wait3A_332 : memref<10240x128xf32, #tpu.memory_space<vmem_shared>>)
    %dma_wait3A_335 = arith.constant 0 : i32
    %dma_wait3A_336 = arith.constant 0 : i32
    %dma_wait3A_337 = arith.constant 1 : i32
    %dma_wait3A_338 = arith.constant 0 : i32
    %dma_wait3A_339 = arith.constant 0 : i32
    %dma_wait3A_340 = arith.constant 0 : i32
    %dma_wait3A_341 = arith.constant 0 : i32
    %dma_wait3A_342 = tpu.memref_slice %arg7[%dma_wait3A_335, %dma_wait3A_340, %dma_wait3A_341] : memref<4x80x128xf32, #tpu.memory_space<vmem>> -> memref<1x80x128xf32, #tpu.memory_space<vmem>>
    %dma_wait3A_343 = tpu.memref_squeeze %dma_wait3A_342 : memref<1x80x128xf32, #tpu.memory_space<vmem>> -> memref<80x128xf32, #tpu.memory_space<vmem>>
    %dma_wait3A_344 = arith.constant 0 : i32
    %dma_wait3A_345 = tpu.memref_slice %arg6[%dma_wait3A_336, %dma_wait3A_337, %dma_wait3A_338, %dma_wait3A_344] : memref<2x2x5x80xi32, #tpu.memory_space<vmem>> -> memref<1x1x1x80xi32, #tpu.memory_space<vmem>>
    %dma_wait3A_346 = tpu.memref_squeeze %dma_wait3A_345 : memref<1x1x1x80xi32, #tpu.memory_space<vmem>> -> memref<80xi32, #tpu.memory_space<vmem>>
    %dma_wait3A_347 = arith.constant 0 : i32
    %dma_wait3A_348 = arith.constant 0 : i32
    %dma_wait3A_349 = tpu.memref_slice %arg5[%dma_wait3A_347, %dma_wait3A_348] : memref<10240x128xf32, #tpu.memory_space<vmem_shared>> -> memref<10240x128xf32, #tpu.memory_space<vmem_shared>>
    %dma_wait3A_350 = tpu.memref_slice %arg9[%dma_wait3A_339] : memref<4x!tpu.dma_semaphore, #tpu.memory_space<semaphore_mem>> -> memref<1x!tpu.dma_semaphore, #tpu.memory_space<semaphore_mem>>
    %dma_wait3A_351 = tpu.memref_squeeze %dma_wait3A_350 : memref<1x!tpu.dma_semaphore, #tpu.memory_space<semaphore_mem>> -> memref<!tpu.dma_semaphore, #tpu.memory_space<semaphore_mem>>
    tpu.wait_indirect_dma semaphore(%dma_wait3A_351 : memref<!tpu.dma_semaphore, #tpu.memory_space<semaphore_mem>>) src(%dma_wait3A_343 : memref<80x128xf32, #tpu.memory_space<vmem>>) dst(%dma_wait3A_349 : memref<10240x128xf32, #tpu.memory_space<vmem_shared>>)
    %barrier3A_352 = arith.constant 0 : index
    tpu.barrier barrier_id(%barrier3A_352)
    %mul3A_353 = arith.constant 640 : i32
    %mul3A_354 = arith.muli %arg1, %mul3A_353 : i32
    %mul3A_355 = arith.constant 640 : i32
    %mul3A_356 = arith.muli %arg1, %mul3A_355 : i32
    "tpu.region"() ({
      %run_scoped3A_357 = tpu.sem_alloc : memref<!tpu.dma_semaphore, #tpu.memory_space<semaphore_mem>>
      %dma_start3A_358 = arith.constant 0 : i32
      %dma_start3A_359 = tpu.memref_slice %arg4[%arg0, %mul3A_356, %dma_start3A_358] : memref<2x10240x128xf32, #tpu.memory_space<hbm>> -> memref<1x640x128xf32, #tpu.memory_space<hbm>>
      %dma_start3A_360 = tpu.memref_squeeze %dma_start3A_359 : memref<1x640x128xf32, #tpu.memory_space<hbm>> -> memref<640x128xf32, #tpu.memory_space<hbm>>
      %dma_start3A_361 = arith.constant 0 : i32
      %dma_start3A_362 = tpu.memref_slice %arg5[%mul3A_354, %dma_start3A_361] : memref<10240x128xf32, #tpu.memory_space<vmem_shared>> -> memref<640x128xf32, #tpu.memory_space<vmem_shared>>
      tpu.enqueue_dma source(%dma_start3A_362 : memref<640x128xf32, #tpu.memory_space<vmem_shared>>) target(%dma_start3A_360 : memref<640x128xf32, #tpu.memory_space<hbm>>) target_semaphore(%run_scoped3A_357 : memref<!tpu.dma_semaphore, #tpu.memory_space<semaphore_mem>>)
      %dma_wait3A_363 = arith.constant 0 : i32
      %dma_wait3A_364 = tpu.memref_slice %arg4[%arg0, %mul3A_356, %dma_wait3A_363] : memref<2x10240x128xf32, #tpu.memory_space<hbm>> -> memref<1x640x128xf32, #tpu.memory_space<hbm>>
      %dma_wait3A_365 = tpu.memref_squeeze %dma_wait3A_364 : memref<1x640x128xf32, #tpu.memory_space<hbm>> -> memref<640x128xf32, #tpu.memory_space<hbm>>
      %dma_wait3A_366 = arith.constant 0 : i32
      %dma_wait3A_367 = tpu.memref_slice %arg5[%mul3A_354, %dma_wait3A_366] : memref<10240x128xf32, #tpu.memory_space<vmem_shared>> -> memref<640x128xf32, #tpu.memory_space<vmem_shared>>
      tpu.wait_dma2 semaphore(%run_scoped3A_357 : memref<!tpu.dma_semaphore, #tpu.memory_space<semaphore_mem>>) src(%dma_wait3A_367 : memref<640x128xf32, #tpu.memory_space<vmem_shared>>) dst(%dma_wait3A_365 : memref<640x128xf32, #tpu.memory_space<hbm>>)
      tpu.yield
    }) : () -> ()
    return
  }
}

#map = affine_map<(d0, d1) -> (0, 0)>
#map1 = affine_map<(d0, d1) -> (0, 0, 0, 0, 0)>
#map2 = affine_map<(d0, d1) -> (0, 0, 0)>
module attributes {stable_mosaic.version = 14 : i64} {
  func.func @body(%arg0: i32, %arg1: i32, %arg2: memref<10000x128xf32, #tpu.memory_space<hbm>>, %arg3: memref<2x32x25x5x80xi32, #tpu.memory_space<hbm>>, %arg4: memref<2x10240x128xf32, #tpu.memory_space<hbm>>, %arg5: memref<2x10240xf32, #tpu.memory_space<hbm>>, %arg6: memref<10240x128xf32, #tpu.memory_space<vmem_shared>>, %arg7: memref<10240xf32, #tpu.memory_space<vmem_shared>>, %arg8: memref<2x2x5x80xi32, #tpu.memory_space<vmem>>, %arg9: memref<4x80x128xf32, #tpu.memory_space<vmem>>, %arg10: memref<80xf32, #tpu.memory_space<vmem>>, %arg11: memref<4x!tpu.dma_semaphore, #tpu.memory_space<semaphore_mem>>, %arg12: memref<4x!tpu.dma_semaphore, #tpu.memory_space<semaphore_mem>>, %arg13: memref<4x!tpu.dma_semaphore, #tpu.memory_space<semaphore_mem>>, %arg14: memref<2x!tpu.dma_semaphore, #tpu.memory_space<semaphore_mem>>, %arg15: memref<!tpu.dma_semaphore, #tpu.memory_space<semaphore_mem>>) attributes {dimension_semantics = [#tpu.dimension_semantics<core_parallel>, #tpu.dimension_semantics<subcore_parallel>], iteration_bounds = array<i64: 2, 16>, scalar_prefetch = 0 : i64, scratch_operands = 10 : i64, tpu.core_type = #tpu.core_type<sc_vector_subcore>, window_params = [{transform_indices = #map}, {transform_indices = #map1}, {transform_indices = #map2}, {transform_indices = #map}]} {
    %mul3A = arith.constant 2 : i32
    %mul3A_0 = arith.muli %arg1, %mul3A : i32
    %add3A = arith.addi %mul3A_0, %arg0 : i32
    %run_scoped3A = arith.constant 0 : i32
    %run_scoped3A_1 = arith.constant 0 : i32
    %run_scoped3A_2 = arith.constant 0 : i32
    %run_scoped3A_3 = arith.constant 0 : i32
    "tpu.region"() ({
      %run_scoped3A_534 = tpu.sem_alloc : memref<!tpu.dma_semaphore, #tpu.memory_space<semaphore_mem>>
      %dma_start3A_535 = arith.constant 0 : i32
      %dma_start3A_536 = arith.constant 0 : i32
      %dma_start3A_537 = tpu.memref_slice %arg8[%run_scoped3A_2, %run_scoped3A_3, %dma_start3A_535, %dma_start3A_536] : memref<2x2x5x80xi32, #tpu.memory_space<vmem>> -> memref<1x1x5x80xi32, #tpu.memory_space<vmem>>
      %dma_start3A_538 = tpu.memref_squeeze %dma_start3A_537 : memref<1x1x5x80xi32, #tpu.memory_space<vmem>> -> memref<5x80xi32, #tpu.memory_space<vmem>>
      %dma_start3A_539 = arith.constant 0 : i32
      %dma_start3A_540 = arith.constant 0 : i32
      %dma_start3A_541 = tpu.memref_slice %arg3[%run_scoped3A, %add3A, %run_scoped3A_1, %dma_start3A_539, %dma_start3A_540] : memref<2x32x25x5x80xi32, #tpu.memory_space<hbm>> -> memref<1x1x1x5x80xi32, #tpu.memory_space<hbm>>
      %dma_start3A_542 = tpu.memref_squeeze %dma_start3A_541 : memref<1x1x1x5x80xi32, #tpu.memory_space<hbm>> -> memref<5x80xi32, #tpu.memory_space<hbm>>
      %dma_start3A_543 = arith.constant 0 : i32
      %dma_start3A_544 = arith.constant 0 : i32
      %dma_start3A_545 = tpu.memref_slice %arg8[%run_scoped3A_2, %run_scoped3A_3, %dma_start3A_543, %dma_start3A_544] : memref<2x2x5x80xi32, #tpu.memory_space<vmem>> -> memref<1x1x5x80xi32, #tpu.memory_space<vmem>>
      %dma_start3A_546 = tpu.memref_squeeze %dma_start3A_545 : memref<1x1x5x80xi32, #tpu.memory_space<vmem>> -> memref<5x80xi32, #tpu.memory_space<vmem>>
      %dma_start3A_547 = arith.constant 0 : i32
      %dma_start3A_548 = arith.constant 0 : i32
      %dma_start3A_549 = tpu.memref_slice %arg3[%run_scoped3A, %add3A, %run_scoped3A_1, %dma_start3A_547, %dma_start3A_548] : memref<2x32x25x5x80xi32, #tpu.memory_space<hbm>> -> memref<1x1x1x5x80xi32, #tpu.memory_space<hbm>>
      %dma_start3A_550 = tpu.memref_squeeze %dma_start3A_549 : memref<1x1x1x5x80xi32, #tpu.memory_space<hbm>> -> memref<5x80xi32, #tpu.memory_space<hbm>>
      tpu.enqueue_dma source(%dma_start3A_550 : memref<5x80xi32, #tpu.memory_space<hbm>>) target(%dma_start3A_546 : memref<5x80xi32, #tpu.memory_space<vmem>>) target_semaphore(%run_scoped3A_534 : memref<!tpu.dma_semaphore, #tpu.memory_space<semaphore_mem>>)
      %dma_wait3A_551 = arith.constant 0 : i32
      %dma_wait3A_552 = arith.constant 0 : i32
      %dma_wait3A_553 = tpu.memref_slice %arg8[%run_scoped3A_2, %run_scoped3A_3, %dma_wait3A_551, %dma_wait3A_552] : memref<2x2x5x80xi32, #tpu.memory_space<vmem>> -> memref<1x1x5x80xi32, #tpu.memory_space<vmem>>
      %dma_wait3A_554 = tpu.memref_squeeze %dma_wait3A_553 : memref<1x1x5x80xi32, #tpu.memory_space<vmem>> -> memref<5x80xi32, #tpu.memory_space<vmem>>
      %dma_wait3A_555 = arith.constant 0 : i32
      %dma_wait3A_556 = arith.constant 0 : i32
      %dma_wait3A_557 = tpu.memref_slice %arg3[%run_scoped3A, %add3A, %run_scoped3A_1, %dma_wait3A_555, %dma_wait3A_556] : memref<2x32x25x5x80xi32, #tpu.memory_space<hbm>> -> memref<1x1x1x5x80xi32, #tpu.memory_space<hbm>>
      %dma_wait3A_558 = tpu.memref_squeeze %dma_wait3A_557 : memref<1x1x1x5x80xi32, #tpu.memory_space<hbm>> -> memref<5x80xi32, #tpu.memory_space<hbm>>
      %dma_wait3A_559 = arith.constant 0 : i32
      %dma_wait3A_560 = arith.constant 0 : i32
      %dma_wait3A_561 = tpu.memref_slice %arg8[%run_scoped3A_2, %run_scoped3A_3, %dma_wait3A_559, %dma_wait3A_560] : memref<2x2x5x80xi32, #tpu.memory_space<vmem>> -> memref<1x1x5x80xi32, #tpu.memory_space<vmem>>
      %dma_wait3A_562 = tpu.memref_squeeze %dma_wait3A_561 : memref<1x1x5x80xi32, #tpu.memory_space<vmem>> -> memref<5x80xi32, #tpu.memory_space<vmem>>
      %dma_wait3A_563 = arith.constant 0 : i32
      %dma_wait3A_564 = arith.constant 0 : i32
      %dma_wait3A_565 = tpu.memref_slice %arg3[%run_scoped3A, %add3A, %run_scoped3A_1, %dma_wait3A_563, %dma_wait3A_564] : memref<2x32x25x5x80xi32, #tpu.memory_space<hbm>> -> memref<1x1x1x5x80xi32, #tpu.memory_space<hbm>>
      %dma_wait3A_566 = tpu.memref_squeeze %dma_wait3A_565 : memref<1x1x1x5x80xi32, #tpu.memory_space<hbm>> -> memref<5x80xi32, #tpu.memory_space<hbm>>
      tpu.wait_dma2 semaphore(%run_scoped3A_534 : memref<!tpu.dma_semaphore, #tpu.memory_space<semaphore_mem>>) src(%dma_wait3A_566 : memref<5x80xi32, #tpu.memory_space<hbm>>) dst(%dma_wait3A_562 : memref<5x80xi32, #tpu.memory_space<vmem>>)
      tpu.yield
    }) : () -> ()
    %run_scoped3A_4 = arith.constant 1 : i32
    %run_scoped3A_5 = arith.constant 0 : i32
    %run_scoped3A_6 = arith.constant 0 : i32
    %run_scoped3A_7 = arith.constant 1 : i32
    "tpu.region"() ({
      %run_scoped3A_534 = tpu.sem_alloc : memref<!tpu.dma_semaphore, #tpu.memory_space<semaphore_mem>>
      %dma_start3A_535 = arith.constant 0 : i32
      %dma_start3A_536 = arith.constant 0 : i32
      %dma_start3A_537 = tpu.memref_slice %arg8[%run_scoped3A_6, %run_scoped3A_7, %dma_start3A_535, %dma_start3A_536] : memref<2x2x5x80xi32, #tpu.memory_space<vmem>> -> memref<1x1x5x80xi32, #tpu.memory_space<vmem>>
      %dma_start3A_538 = tpu.memref_squeeze %dma_start3A_537 : memref<1x1x5x80xi32, #tpu.memory_space<vmem>> -> memref<5x80xi32, #tpu.memory_space<vmem>>
      %dma_start3A_539 = arith.constant 0 : i32
      %dma_start3A_540 = arith.constant 0 : i32
      %dma_start3A_541 = tpu.memref_slice %arg3[%run_scoped3A_4, %add3A, %run_scoped3A_5, %dma_start3A_539, %dma_start3A_540] : memref<2x32x25x5x80xi32, #tpu.memory_space<hbm>> -> memref<1x1x1x5x80xi32, #tpu.memory_space<hbm>>
      %dma_start3A_542 = tpu.memref_squeeze %dma_start3A_541 : memref<1x1x1x5x80xi32, #tpu.memory_space<hbm>> -> memref<5x80xi32, #tpu.memory_space<hbm>>
      %dma_start3A_543 = arith.constant 0 : i32
      %dma_start3A_544 = arith.constant 0 : i32
      %dma_start3A_545 = tpu.memref_slice %arg8[%run_scoped3A_6, %run_scoped3A_7, %dma_start3A_543, %dma_start3A_544] : memref<2x2x5x80xi32, #tpu.memory_space<vmem>> -> memref<1x1x5x80xi32, #tpu.memory_space<vmem>>
      %dma_start3A_546 = tpu.memref_squeeze %dma_start3A_545 : memref<1x1x5x80xi32, #tpu.memory_space<vmem>> -> memref<5x80xi32, #tpu.memory_space<vmem>>
      %dma_start3A_547 = arith.constant 0 : i32
      %dma_start3A_548 = arith.constant 0 : i32
      %dma_start3A_549 = tpu.memref_slice %arg3[%run_scoped3A_4, %add3A, %run_scoped3A_5, %dma_start3A_547, %dma_start3A_548] : memref<2x32x25x5x80xi32, #tpu.memory_space<hbm>> -> memref<1x1x1x5x80xi32, #tpu.memory_space<hbm>>
      %dma_start3A_550 = tpu.memref_squeeze %dma_start3A_549 : memref<1x1x1x5x80xi32, #tpu.memory_space<hbm>> -> memref<5x80xi32, #tpu.memory_space<hbm>>
      tpu.enqueue_dma source(%dma_start3A_550 : memref<5x80xi32, #tpu.memory_space<hbm>>) target(%dma_start3A_546 : memref<5x80xi32, #tpu.memory_space<vmem>>) target_semaphore(%run_scoped3A_534 : memref<!tpu.dma_semaphore, #tpu.memory_space<semaphore_mem>>)
      %dma_wait3A_551 = arith.constant 0 : i32
      %dma_wait3A_552 = arith.constant 0 : i32
      %dma_wait3A_553 = tpu.memref_slice %arg8[%run_scoped3A_6, %run_scoped3A_7, %dma_wait3A_551, %dma_wait3A_552] : memref<2x2x5x80xi32, #tpu.memory_space<vmem>> -> memref<1x1x5x80xi32, #tpu.memory_space<vmem>>
      %dma_wait3A_554 = tpu.memref_squeeze %dma_wait3A_553 : memref<1x1x5x80xi32, #tpu.memory_space<vmem>> -> memref<5x80xi32, #tpu.memory_space<vmem>>
      %dma_wait3A_555 = arith.constant 0 : i32
      %dma_wait3A_556 = arith.constant 0 : i32
      %dma_wait3A_557 = tpu.memref_slice %arg3[%run_scoped3A_4, %add3A, %run_scoped3A_5, %dma_wait3A_555, %dma_wait3A_556] : memref<2x32x25x5x80xi32, #tpu.memory_space<hbm>> -> memref<1x1x1x5x80xi32, #tpu.memory_space<hbm>>
      %dma_wait3A_558 = tpu.memref_squeeze %dma_wait3A_557 : memref<1x1x1x5x80xi32, #tpu.memory_space<hbm>> -> memref<5x80xi32, #tpu.memory_space<hbm>>
      %dma_wait3A_559 = arith.constant 0 : i32
      %dma_wait3A_560 = arith.constant 0 : i32
      %dma_wait3A_561 = tpu.memref_slice %arg8[%run_scoped3A_6, %run_scoped3A_7, %dma_wait3A_559, %dma_wait3A_560] : memref<2x2x5x80xi32, #tpu.memory_space<vmem>> -> memref<1x1x5x80xi32, #tpu.memory_space<vmem>>
      %dma_wait3A_562 = tpu.memref_squeeze %dma_wait3A_561 : memref<1x1x5x80xi32, #tpu.memory_space<vmem>> -> memref<5x80xi32, #tpu.memory_space<vmem>>
      %dma_wait3A_563 = arith.constant 0 : i32
      %dma_wait3A_564 = arith.constant 0 : i32
      %dma_wait3A_565 = tpu.memref_slice %arg3[%run_scoped3A_4, %add3A, %run_scoped3A_5, %dma_wait3A_563, %dma_wait3A_564] : memref<2x32x25x5x80xi32, #tpu.memory_space<hbm>> -> memref<1x1x1x5x80xi32, #tpu.memory_space<hbm>>
      %dma_wait3A_566 = tpu.memref_squeeze %dma_wait3A_565 : memref<1x1x1x5x80xi32, #tpu.memory_space<hbm>> -> memref<5x80xi32, #tpu.memory_space<hbm>>
      tpu.wait_dma2 semaphore(%run_scoped3A_534 : memref<!tpu.dma_semaphore, #tpu.memory_space<semaphore_mem>>) src(%dma_wait3A_566 : memref<5x80xi32, #tpu.memory_space<hbm>>) dst(%dma_wait3A_562 : memref<5x80xi32, #tpu.memory_space<vmem>>)
      tpu.yield
    }) : () -> ()
    %div3A = arith.constant 0 : i32
    %div3A_8 = arith.constant 5 : i32
    %div3A_9 = arith.divsi %div3A, %div3A_8 : i32
    %rem3A = arith.constant 2 : i32
    %rem3A_10 = arith.remsi %div3A_9, %rem3A : i32
    %rem3A_11 = arith.constant 0 : i32
    %rem3A_12 = arith.constant 5 : i32
    %rem3A_13 = arith.remsi %rem3A_11, %rem3A_12 : i32
    %dma_start3A = arith.constant 0 : i32
    %dma_start3A_14 = arith.constant 0 : i32
    %dma_start3A_15 = arith.constant 0 : i32
    %dma_start3A_16 = arith.constant 0 : i32
    %dma_start3A_17 = arith.constant 0 : i32
    %dma_start3A_18 = tpu.memref_slice %arg9[%dma_start3A_14, %dma_start3A_16, %dma_start3A_17] : memref<4x80x128xf32, #tpu.memory_space<vmem>> -> memref<1x80x128xf32, #tpu.memory_space<vmem>>
    %dma_start3A_19 = tpu.memref_squeeze %dma_start3A_18 : memref<1x80x128xf32, #tpu.memory_space<vmem>> -> memref<80x128xf32, #tpu.memory_space<vmem>>
    %dma_start3A_20 = arith.constant 0 : i32
    %dma_start3A_21 = tpu.memref_slice %arg8[%rem3A_10, %dma_start3A, %rem3A_13, %dma_start3A_20] : memref<2x2x5x80xi32, #tpu.memory_space<vmem>> -> memref<1x1x1x80xi32, #tpu.memory_space<vmem>>
    %dma_start3A_22 = tpu.memref_squeeze %dma_start3A_21 : memref<1x1x1x80xi32, #tpu.memory_space<vmem>> -> memref<80xi32, #tpu.memory_space<vmem>>
    %dma_start3A_23 = arith.constant 0 : i32
    %dma_start3A_24 = arith.constant 0 : i32
    %dma_start3A_25 = tpu.memref_slice %arg2[%dma_start3A_23, %dma_start3A_24] : memref<10000x128xf32, #tpu.memory_space<hbm>> -> memref<10000x128xf32, #tpu.memory_space<hbm>>
    %dma_start3A_26 = tpu.memref_slice %arg11[%dma_start3A_15] : memref<4x!tpu.dma_semaphore, #tpu.memory_space<semaphore_mem>> -> memref<1x!tpu.dma_semaphore, #tpu.memory_space<semaphore_mem>>
    %dma_start3A_27 = tpu.memref_squeeze %dma_start3A_26 : memref<1x!tpu.dma_semaphore, #tpu.memory_space<semaphore_mem>> -> memref<!tpu.dma_semaphore, #tpu.memory_space<semaphore_mem>>
    tpu.enqueue_indirect_dma source(%dma_start3A_25 : memref<10000x128xf32, #tpu.memory_space<hbm>>) target(%dma_start3A_19 : memref<80x128xf32, #tpu.memory_space<vmem>>) offsets(%dma_start3A_22 : memref<80xi32, #tpu.memory_space<vmem>>) semaphore(%dma_start3A_27 : memref<!tpu.dma_semaphore, #tpu.memory_space<semaphore_mem>>)
    %div3A_28 = arith.constant 1 : i32
    %div3A_29 = arith.constant 5 : i32
    %div3A_30 = arith.divsi %div3A_28, %div3A_29 : i32
    %rem3A_31 = arith.constant 2 : i32
    %rem3A_32 = arith.remsi %div3A_30, %rem3A_31 : i32
    %rem3A_33 = arith.constant 1 : i32
    %rem3A_34 = arith.constant 5 : i32
    %rem3A_35 = arith.remsi %rem3A_33, %rem3A_34 : i32
    %dma_start3A_36 = arith.constant 0 : i32
    %dma_start3A_37 = arith.constant 1 : i32
    %dma_start3A_38 = arith.constant 1 : i32
    %dma_start3A_39 = arith.constant 0 : i32
    %dma_start3A_40 = arith.constant 0 : i32
    %dma_start3A_41 = tpu.memref_slice %arg9[%dma_start3A_37, %dma_start3A_39, %dma_start3A_40] : memref<4x80x128xf32, #tpu.memory_space<vmem>> -> memref<1x80x128xf32, #tpu.memory_space<vmem>>
    %dma_start3A_42 = tpu.memref_squeeze %dma_start3A_41 : memref<1x80x128xf32, #tpu.memory_space<vmem>> -> memref<80x128xf32, #tpu.memory_space<vmem>>
    %dma_start3A_43 = arith.constant 0 : i32
    %dma_start3A_44 = tpu.memref_slice %arg8[%rem3A_32, %dma_start3A_36, %rem3A_35, %dma_start3A_43] : memref<2x2x5x80xi32, #tpu.memory_space<vmem>> -> memref<1x1x1x80xi32, #tpu.memory_space<vmem>>
    %dma_start3A_45 = tpu.memref_squeeze %dma_start3A_44 : memref<1x1x1x80xi32, #tpu.memory_space<vmem>> -> memref<80xi32, #tpu.memory_space<vmem>>
    %dma_start3A_46 = arith.constant 0 : i32
    %dma_start3A_47 = arith.constant 0 : i32
    %dma_start3A_48 = tpu.memref_slice %arg2[%dma_start3A_46, %dma_start3A_47] : memref<10000x128xf32, #tpu.memory_space<hbm>> -> memref<10000x128xf32, #tpu.memory_space<hbm>>
    %dma_start3A_49 = tpu.memref_slice %arg11[%dma_start3A_38] : memref<4x!tpu.dma_semaphore, #tpu.memory_space<semaphore_mem>> -> memref<1x!tpu.dma_semaphore, #tpu.memory_space<semaphore_mem>>
    %dma_start3A_50 = tpu.memref_squeeze %dma_start3A_49 : memref<1x!tpu.dma_semaphore, #tpu.memory_space<semaphore_mem>> -> memref<!tpu.dma_semaphore, #tpu.memory_space<semaphore_mem>>
    tpu.enqueue_indirect_dma source(%dma_start3A_48 : memref<10000x128xf32, #tpu.memory_space<hbm>>) target(%dma_start3A_42 : memref<80x128xf32, #tpu.memory_space<vmem>>) offsets(%dma_start3A_45 : memref<80xi32, #tpu.memory_space<vmem>>) semaphore(%dma_start3A_50 : memref<!tpu.dma_semaphore, #tpu.memory_space<semaphore_mem>>)
    %broadcast_in_dim3A = arith.constant 0.000000e+00 : f32
    %broadcast_in_dim3A_51 = vector.broadcast %broadcast_in_dim3A : f32 to vector<16xf32>
    %scan3A = arith.constant 0 : i32
    %scan3A_52 = arith.constant 0 : i32
    %scan3A_53 = arith.constant 80 : i32
    %scan3A_54 = arith.addi %scan3A_52, %scan3A_53 : i32
    %scan3A_55 = arith.constant 1 : i32
    scf.for %scan3A_534 = %scan3A_52 to %scan3A_54 step %scan3A_55  : i32 {
      %swap3A_535 = arith.constant 3 : i32
      %swap3A_536 = arith.index_cast %swap3A_535 : i32 to index
      %swap3A_537 = arith.index_cast %scan3A_534 : i32 to index
      %swap3A_538 = arith.constant 0 : index
      %swap3A_539 = tpu.vector_load %arg9[%swap3A_536, %swap3A_537, %swap3A_538] {strides = array<i32>} : memref<4x80x128xf32, #tpu.memory_space<vmem>>, vector<1x1x16xf32>,
      %swap3A_540 = vector.shape_cast %swap3A_539 : vector<1x1x16xf32> to vector<16xf32>
      %swap3A_541 = vector.shape_cast %broadcast_in_dim3A_51 : vector<16xf32> to vector<1x1x16xf32>
      tpu.vector_store %arg9[%swap3A_536, %swap3A_537, %swap3A_538], %swap3A_541 {strides = array<i32>} : memref<4x80x128xf32, #tpu.memory_space<vmem>>, vector<1x1x16xf32>,
      %swap3A_542 = arith.constant 3 : i32
      %swap3A_543 = arith.index_cast %swap3A_542 : i32 to index
      %swap3A_544 = arith.index_cast %scan3A_534 : i32 to index
      %swap3A_545 = arith.constant 16 : index
      %swap3A_546 = tpu.vector_load %arg9[%swap3A_543, %swap3A_544, %swap3A_545] {strides = array<i32>} : memref<4x80x128xf32, #tpu.memory_space<vmem>>, vector<1x1x16xf32>,
      %swap3A_547 = vector.shape_cast %swap3A_546 : vector<1x1x16xf32> to vector<16xf32>
      %swap3A_548 = vector.shape_cast %broadcast_in_dim3A_51 : vector<16xf32> to vector<1x1x16xf32>
      tpu.vector_store %arg9[%swap3A_543, %swap3A_544, %swap3A_545], %swap3A_548 {strides = array<i32>} : memref<4x80x128xf32, #tpu.memory_space<vmem>>, vector<1x1x16xf32>,
      %swap3A_549 = arith.constant 3 : i32
      %swap3A_550 = arith.index_cast %swap3A_549 : i32 to index
      %swap3A_551 = arith.index_cast %scan3A_534 : i32 to index
      %swap3A_552 = arith.constant 32 : index
      %swap3A_553 = tpu.vector_load %arg9[%swap3A_550, %swap3A_551, %swap3A_552] {strides = array<i32>} : memref<4x80x128xf32, #tpu.memory_space<vmem>>, vector<1x1x16xf32>,
      %swap3A_554 = vector.shape_cast %swap3A_553 : vector<1x1x16xf32> to vector<16xf32>
      %swap3A_555 = vector.shape_cast %broadcast_in_dim3A_51 : vector<16xf32> to vector<1x1x16xf32>
      tpu.vector_store %arg9[%swap3A_550, %swap3A_551, %swap3A_552], %swap3A_555 {strides = array<i32>} : memref<4x80x128xf32, #tpu.memory_space<vmem>>, vector<1x1x16xf32>,
      %swap3A_556 = arith.constant 3 : i32
      %swap3A_557 = arith.index_cast %swap3A_556 : i32 to index
      %swap3A_558 = arith.index_cast %scan3A_534 : i32 to index
      %swap3A_559 = arith.constant 48 : index
      %swap3A_560 = tpu.vector_load %arg9[%swap3A_557, %swap3A_558, %swap3A_559] {strides = array<i32>} : memref<4x80x128xf32, #tpu.memory_space<vmem>>, vector<1x1x16xf32>,
      %swap3A_561 = vector.shape_cast %swap3A_560 : vector<1x1x16xf32> to vector<16xf32>
      %swap3A_562 = vector.shape_cast %broadcast_in_dim3A_51 : vector<16xf32> to vector<1x1x16xf32>
      tpu.vector_store %arg9[%swap3A_557, %swap3A_558, %swap3A_559], %swap3A_562 {strides = array<i32>} : memref<4x80x128xf32, #tpu.memory_space<vmem>>, vector<1x1x16xf32>,
      %swap3A_563 = arith.constant 3 : i32
      %swap3A_564 = arith.index_cast %swap3A_563 : i32 to index
      %swap3A_565 = arith.index_cast %scan3A_534 : i32 to index
      %swap3A_566 = arith.constant 64 : index
      %swap3A_567 = tpu.vector_load %arg9[%swap3A_564, %swap3A_565, %swap3A_566] {strides = array<i32>} : memref<4x80x128xf32, #tpu.memory_space<vmem>>, vector<1x1x16xf32>,
      %swap3A_568 = vector.shape_cast %swap3A_567 : vector<1x1x16xf32> to vector<16xf32>
      %swap3A_569 = vector.shape_cast %broadcast_in_dim3A_51 : vector<16xf32> to vector<1x1x16xf32>
      tpu.vector_store %arg9[%swap3A_564, %swap3A_565, %swap3A_566], %swap3A_569 {strides = array<i32>} : memref<4x80x128xf32, #tpu.memory_space<vmem>>, vector<1x1x16xf32>,
      %swap3A_570 = arith.constant 3 : i32
      %swap3A_571 = arith.index_cast %swap3A_570 : i32 to index
      %swap3A_572 = arith.index_cast %scan3A_534 : i32 to index
      %swap3A_573 = arith.constant 80 : index
      %swap3A_574 = tpu.vector_load %arg9[%swap3A_571, %swap3A_572, %swap3A_573] {strides = array<i32>} : memref<4x80x128xf32, #tpu.memory_space<vmem>>, vector<1x1x16xf32>,
      %swap3A_575 = vector.shape_cast %swap3A_574 : vector<1x1x16xf32> to vector<16xf32>
      %swap3A_576 = vector.shape_cast %broadcast_in_dim3A_51 : vector<16xf32> to vector<1x1x16xf32>
      tpu.vector_store %arg9[%swap3A_571, %swap3A_572, %swap3A_573], %swap3A_576 {strides = array<i32>} : memref<4x80x128xf32, #tpu.memory_space<vmem>>, vector<1x1x16xf32>,
      %swap3A_577 = arith.constant 3 : i32
      %swap3A_578 = arith.index_cast %swap3A_577 : i32 to index
      %swap3A_579 = arith.index_cast %scan3A_534 : i32 to index
      %swap3A_580 = arith.constant 96 : index
      %swap3A_581 = tpu.vector_load %arg9[%swap3A_578, %swap3A_579, %swap3A_580] {strides = array<i32>} : memref<4x80x128xf32, #tpu.memory_space<vmem>>, vector<1x1x16xf32>,
      %swap3A_582 = vector.shape_cast %swap3A_581 : vector<1x1x16xf32> to vector<16xf32>
      %swap3A_583 = vector.shape_cast %broadcast_in_dim3A_51 : vector<16xf32> to vector<1x1x16xf32>
      tpu.vector_store %arg9[%swap3A_578, %swap3A_579, %swap3A_580], %swap3A_583 {strides = array<i32>} : memref<4x80x128xf32, #tpu.memory_space<vmem>>, vector<1x1x16xf32>,
      %swap3A_584 = arith.constant 3 : i32
      %swap3A_585 = arith.index_cast %swap3A_584 : i32 to index
      %swap3A_586 = arith.index_cast %scan3A_534 : i32 to index
      %swap3A_587 = arith.constant 112 : index
      %swap3A_588 = tpu.vector_load %arg9[%swap3A_585, %swap3A_586, %swap3A_587] {strides = array<i32>} : memref<4x80x128xf32, #tpu.memory_space<vmem>>, vector<1x1x16xf32>,
      %swap3A_589 = vector.shape_cast %swap3A_588 : vector<1x1x16xf32> to vector<16xf32>
      %swap3A_590 = vector.shape_cast %broadcast_in_dim3A_51 : vector<16xf32> to vector<1x1x16xf32>
      tpu.vector_store %arg9[%swap3A_585, %swap3A_586, %swap3A_587], %swap3A_590 {strides = array<i32>} : memref<4x80x128xf32, #tpu.memory_space<vmem>>, vector<1x1x16xf32>,
    }
    %scan3A_56 = arith.constant 80 : i32
    %broadcast_in_dim3A_57 = arith.constant 1.000000e+00 : f32
    %broadcast_in_dim3A_58 = vector.broadcast %broadcast_in_dim3A_57 : f32 to vector<16xf32>
    %swap3A = arith.constant 0 : index
    %swap3A_59 = tpu.vector_load %arg10[%swap3A] {strides = array<i32>} : memref<80xf32, #tpu.memory_space<vmem>>, vector<16xf32>,
    %swap3A_60 = vector.shape_cast %swap3A_59 : vector<16xf32> to vector<16xf32>
    %swap3A_61 = vector.shape_cast %broadcast_in_dim3A_58 : vector<16xf32> to vector<16xf32>
    tpu.vector_store %arg10[%swap3A], %swap3A_61 {strides = array<i32>} : memref<80xf32, #tpu.memory_space<vmem>>, vector<16xf32>,
    %swap3A_62 = arith.constant 16 : index
    %swap3A_63 = tpu.vector_load %arg10[%swap3A_62] {strides = array<i32>} : memref<80xf32, #tpu.memory_space<vmem>>, vector<16xf32>,
    %swap3A_64 = vector.shape_cast %swap3A_63 : vector<16xf32> to vector<16xf32>
    %swap3A_65 = vector.shape_cast %broadcast_in_dim3A_58 : vector<16xf32> to vector<16xf32>
    tpu.vector_store %arg10[%swap3A_62], %swap3A_65 {strides = array<i32>} : memref<80xf32, #tpu.memory_space<vmem>>, vector<16xf32>,
    %swap3A_66 = arith.constant 32 : index
    %swap3A_67 = tpu.vector_load %arg10[%swap3A_66] {strides = array<i32>} : memref<80xf32, #tpu.memory_space<vmem>>, vector<16xf32>,
    %swap3A_68 = vector.shape_cast %swap3A_67 : vector<16xf32> to vector<16xf32>
    %swap3A_69 = vector.shape_cast %broadcast_in_dim3A_58 : vector<16xf32> to vector<16xf32>
    tpu.vector_store %arg10[%swap3A_66], %swap3A_69 {strides = array<i32>} : memref<80xf32, #tpu.memory_space<vmem>>, vector<16xf32>,
    %swap3A_70 = arith.constant 48 : index
    %swap3A_71 = tpu.vector_load %arg10[%swap3A_70] {strides = array<i32>} : memref<80xf32, #tpu.memory_space<vmem>>, vector<16xf32>,
    %swap3A_72 = vector.shape_cast %swap3A_71 : vector<16xf32> to vector<16xf32>
    %swap3A_73 = vector.shape_cast %broadcast_in_dim3A_58 : vector<16xf32> to vector<16xf32>
    tpu.vector_store %arg10[%swap3A_70], %swap3A_73 {strides = array<i32>} : memref<80xf32, #tpu.memory_space<vmem>>, vector<16xf32>,
    %swap3A_74 = arith.constant 64 : index
    %swap3A_75 = tpu.vector_load %arg10[%swap3A_74] {strides = array<i32>} : memref<80xf32, #tpu.memory_space<vmem>>, vector<16xf32>,
    %swap3A_76 = vector.shape_cast %swap3A_75 : vector<16xf32> to vector<16xf32>
    %swap3A_77 = vector.shape_cast %broadcast_in_dim3A_58 : vector<16xf32> to vector<16xf32>
    tpu.vector_store %arg10[%swap3A_74], %swap3A_77 {strides = array<i32>} : memref<80xf32, #tpu.memory_space<vmem>>, vector<16xf32>,
    %mul3A_78 = arith.constant 640 : i32
    %mul3A_79 = arith.muli %arg1, %mul3A_78 : i32
    %add3A_80 = arith.constant 0 : i32
    %add3A_81 = arith.addi %mul3A_79, %add3A_80 : i32
    %dma_start3A_82 = arith.constant 3 : i32
    %dma_start3A_83 = arith.constant 0 : i32
    %dma_start3A_84 = arith.constant 0 : i32
    %dma_start3A_85 = tpu.memref_slice %arg9[%dma_start3A_82, %dma_start3A_83, %dma_start3A_84] : memref<4x80x128xf32, #tpu.memory_space<vmem>> -> memref<1x80x128xf32, #tpu.memory_space<vmem>>
    %dma_start3A_86 = tpu.memref_squeeze %dma_start3A_85 : memref<1x80x128xf32, #tpu.memory_space<vmem>> -> memref<80x128xf32, #tpu.memory_space<vmem>>
    %dma_start3A_87 = arith.constant 0 : i32
    %dma_start3A_88 = tpu.memref_slice %arg6[%add3A_81, %dma_start3A_87] : memref<10240x128xf32, #tpu.memory_space<vmem_shared>> -> memref<80x128xf32, #tpu.memory_space<vmem_shared>>
    %dma_start3A_89 = arith.constant 0 : i32
    %dma_start3A_90 = tpu.memref_slice %arg6[%add3A_81, %dma_start3A_89] : memref<10240x128xf32, #tpu.memory_space<vmem_shared>> -> memref<80x128xf32, #tpu.memory_space<vmem_shared>>
    %dma_start3A_91 = arith.constant 0 : i32
    %dma_start3A_92 = arith.constant 0 : i32
    %dma_start3A_93 = tpu.memref_slice %arg9[%dma_start3A_82, %dma_start3A_91, %dma_start3A_92] : memref<4x80x128xf32, #tpu.memory_space<vmem>> -> memref<1x80x128xf32, #tpu.memory_space<vmem>>
    %dma_start3A_94 = tpu.memref_squeeze %dma_start3A_93 : memref<1x80x128xf32, #tpu.memory_space<vmem>> -> memref<80x128xf32, #tpu.memory_space<vmem>>
    tpu.enqueue_dma source(%dma_start3A_94 : memref<80x128xf32, #tpu.memory_space<vmem>>) target(%dma_start3A_90 : memref<80x128xf32, #tpu.memory_space<vmem_shared>>) target_semaphore(%arg15 : memref<!tpu.dma_semaphore, #tpu.memory_space<semaphore_mem>>)
    %mul3A_95 = arith.constant 640 : i32
    %mul3A_96 = arith.muli %arg1, %mul3A_95 : i32
    %add3A_97 = arith.constant 80 : i32
    %add3A_98 = arith.addi %mul3A_96, %add3A_97 : i32
    %dma_start3A_99 = arith.constant 3 : i32
    %dma_start3A_100 = arith.constant 0 : i32
    %dma_start3A_101 = arith.constant 0 : i32
    %dma_start3A_102 = tpu.memref_slice %arg9[%dma_start3A_99, %dma_start3A_100, %dma_start3A_101] : memref<4x80x128xf32, #tpu.memory_space<vmem>> -> memref<1x80x128xf32, #tpu.memory_space<vmem>>
    %dma_start3A_103 = tpu.memref_squeeze %dma_start3A_102 : memref<1x80x128xf32, #tpu.memory_space<vmem>> -> memref<80x128xf32, #tpu.memory_space<vmem>>
    %dma_start3A_104 = arith.constant 0 : i32
    %dma_start3A_105 = tpu.memref_slice %arg6[%add3A_98, %dma_start3A_104] : memref<10240x128xf32, #tpu.memory_space<vmem_shared>> -> memref<80x128xf32, #tpu.memory_space<vmem_shared>>
    %dma_start3A_106 = arith.constant 0 : i32
    %dma_start3A_107 = tpu.memref_slice %arg6[%add3A_98, %dma_start3A_106] : memref<10240x128xf32, #tpu.memory_space<vmem_shared>> -> memref<80x128xf32, #tpu.memory_space<vmem_shared>>
    %dma_start3A_108 = arith.constant 0 : i32
    %dma_start3A_109 = arith.constant 0 : i32
    %dma_start3A_110 = tpu.memref_slice %arg9[%dma_start3A_99, %dma_start3A_108, %dma_start3A_109] : memref<4x80x128xf32, #tpu.memory_space<vmem>> -> memref<1x80x128xf32, #tpu.memory_space<vmem>>
    %dma_start3A_111 = tpu.memref_squeeze %dma_start3A_110 : memref<1x80x128xf32, #tpu.memory_space<vmem>> -> memref<80x128xf32, #tpu.memory_space<vmem>>
    tpu.enqueue_dma source(%dma_start3A_111 : memref<80x128xf32, #tpu.memory_space<vmem>>) target(%dma_start3A_107 : memref<80x128xf32, #tpu.memory_space<vmem_shared>>) target_semaphore(%arg15 : memref<!tpu.dma_semaphore, #tpu.memory_space<semaphore_mem>>)
    %mul3A_112 = arith.constant 640 : i32
    %mul3A_113 = arith.muli %arg1, %mul3A_112 : i32
    %add3A_114 = arith.constant 160 : i32
    %add3A_115 = arith.addi %mul3A_113, %add3A_114 : i32
    %dma_start3A_116 = arith.constant 3 : i32
    %dma_start3A_117 = arith.constant 0 : i32
    %dma_start3A_118 = arith.constant 0 : i32
    %dma_start3A_119 = tpu.memref_slice %arg9[%dma_start3A_116, %dma_start3A_117, %dma_start3A_118] : memref<4x80x128xf32, #tpu.memory_space<vmem>> -> memref<1x80x128xf32, #tpu.memory_space<vmem>>
    %dma_start3A_120 = tpu.memref_squeeze %dma_start3A_119 : memref<1x80x128xf32, #tpu.memory_space<vmem>> -> memref<80x128xf32, #tpu.memory_space<vmem>>
    %dma_start3A_121 = arith.constant 0 : i32
    %dma_start3A_122 = tpu.memref_slice %arg6[%add3A_115, %dma_start3A_121] : memref<10240x128xf32, #tpu.memory_space<vmem_shared>> -> memref<80x128xf32, #tpu.memory_space<vmem_shared>>
    %dma_start3A_123 = arith.constant 0 : i32
    %dma_start3A_124 = tpu.memref_slice %arg6[%add3A_115, %dma_start3A_123] : memref<10240x128xf32, #tpu.memory_space<vmem_shared>> -> memref<80x128xf32, #tpu.memory_space<vmem_shared>>
    %dma_start3A_125 = arith.constant 0 : i32
    %dma_start3A_126 = arith.constant 0 : i32
    %dma_start3A_127 = tpu.memref_slice %arg9[%dma_start3A_116, %dma_start3A_125, %dma_start3A_126] : memref<4x80x128xf32, #tpu.memory_space<vmem>> -> memref<1x80x128xf32, #tpu.memory_space<vmem>>
    %dma_start3A_128 = tpu.memref_squeeze %dma_start3A_127 : memref<1x80x128xf32, #tpu.memory_space<vmem>> -> memref<80x128xf32, #tpu.memory_space<vmem>>
    tpu.enqueue_dma source(%dma_start3A_128 : memref<80x128xf32, #tpu.memory_space<vmem>>) target(%dma_start3A_124 : memref<80x128xf32, #tpu.memory_space<vmem_shared>>) target_semaphore(%arg15 : memref<!tpu.dma_semaphore, #tpu.memory_space<semaphore_mem>>)
    %mul3A_129 = arith.constant 640 : i32
    %mul3A_130 = arith.muli %arg1, %mul3A_129 : i32
    %add3A_131 = arith.constant 240 : i32
    %add3A_132 = arith.addi %mul3A_130, %add3A_131 : i32
    %dma_start3A_133 = arith.constant 3 : i32
    %dma_start3A_134 = arith.constant 0 : i32
    %dma_start3A_135 = arith.constant 0 : i32
    %dma_start3A_136 = tpu.memref_slice %arg9[%dma_start3A_133, %dma_start3A_134, %dma_start3A_135] : memref<4x80x128xf32, #tpu.memory_space<vmem>> -> memref<1x80x128xf32, #tpu.memory_space<vmem>>
    %dma_start3A_137 = tpu.memref_squeeze %dma_start3A_136 : memref<1x80x128xf32, #tpu.memory_space<vmem>> -> memref<80x128xf32, #tpu.memory_space<vmem>>
    %dma_start3A_138 = arith.constant 0 : i32
    %dma_start3A_139 = tpu.memref_slice %arg6[%add3A_132, %dma_start3A_138] : memref<10240x128xf32, #tpu.memory_space<vmem_shared>> -> memref<80x128xf32, #tpu.memory_space<vmem_shared>>
    %dma_start3A_140 = arith.constant 0 : i32
    %dma_start3A_141 = tpu.memref_slice %arg6[%add3A_132, %dma_start3A_140] : memref<10240x128xf32, #tpu.memory_space<vmem_shared>> -> memref<80x128xf32, #tpu.memory_space<vmem_shared>>
    %dma_start3A_142 = arith.constant 0 : i32
    %dma_start3A_143 = arith.constant 0 : i32
    %dma_start3A_144 = tpu.memref_slice %arg9[%dma_start3A_133, %dma_start3A_142, %dma_start3A_143] : memref<4x80x128xf32, #tpu.memory_space<vmem>> -> memref<1x80x128xf32, #tpu.memory_space<vmem>>
    %dma_start3A_145 = tpu.memref_squeeze %dma_start3A_144 : memref<1x80x128xf32, #tpu.memory_space<vmem>> -> memref<80x128xf32, #tpu.memory_space<vmem>>
    tpu.enqueue_dma source(%dma_start3A_145 : memref<80x128xf32, #tpu.memory_space<vmem>>) target(%dma_start3A_141 : memref<80x128xf32, #tpu.memory_space<vmem_shared>>) target_semaphore(%arg15 : memref<!tpu.dma_semaphore, #tpu.memory_space<semaphore_mem>>)
    %mul3A_146 = arith.constant 640 : i32
    %mul3A_147 = arith.muli %arg1, %mul3A_146 : i32
    %add3A_148 = arith.constant 320 : i32
    %add3A_149 = arith.addi %mul3A_147, %add3A_148 : i32
    %dma_start3A_150 = arith.constant 3 : i32
    %dma_start3A_151 = arith.constant 0 : i32
    %dma_start3A_152 = arith.constant 0 : i32
    %dma_start3A_153 = tpu.memref_slice %arg9[%dma_start3A_150, %dma_start3A_151, %dma_start3A_152] : memref<4x80x128xf32, #tpu.memory_space<vmem>> -> memref<1x80x128xf32, #tpu.memory_space<vmem>>
    %dma_start3A_154 = tpu.memref_squeeze %dma_start3A_153 : memref<1x80x128xf32, #tpu.memory_space<vmem>> -> memref<80x128xf32, #tpu.memory_space<vmem>>
    %dma_start3A_155 = arith.constant 0 : i32
    %dma_start3A_156 = tpu.memref_slice %arg6[%add3A_149, %dma_start3A_155] : memref<10240x128xf32, #tpu.memory_space<vmem_shared>> -> memref<80x128xf32, #tpu.memory_space<vmem_shared>>
    %dma_start3A_157 = arith.constant 0 : i32
    %dma_start3A_158 = tpu.memref_slice %arg6[%add3A_149, %dma_start3A_157] : memref<10240x128xf32, #tpu.memory_space<vmem_shared>> -> memref<80x128xf32, #tpu.memory_space<vmem_shared>>
    %dma_start3A_159 = arith.constant 0 : i32
    %dma_start3A_160 = arith.constant 0 : i32
    %dma_start3A_161 = tpu.memref_slice %arg9[%dma_start3A_150, %dma_start3A_159, %dma_start3A_160] : memref<4x80x128xf32, #tpu.memory_space<vmem>> -> memref<1x80x128xf32, #tpu.memory_space<vmem>>
    %dma_start3A_162 = tpu.memref_squeeze %dma_start3A_161 : memref<1x80x128xf32, #tpu.memory_space<vmem>> -> memref<80x128xf32, #tpu.memory_space<vmem>>
    tpu.enqueue_dma source(%dma_start3A_162 : memref<80x128xf32, #tpu.memory_space<vmem>>) target(%dma_start3A_158 : memref<80x128xf32, #tpu.memory_space<vmem_shared>>) target_semaphore(%arg15 : memref<!tpu.dma_semaphore, #tpu.memory_space<semaphore_mem>>)
    %mul3A_163 = arith.constant 640 : i32
    %mul3A_164 = arith.muli %arg1, %mul3A_163 : i32
    %add3A_165 = arith.constant 400 : i32
    %add3A_166 = arith.addi %mul3A_164, %add3A_165 : i32
    %dma_start3A_167 = arith.constant 3 : i32
    %dma_start3A_168 = arith.constant 0 : i32
    %dma_start3A_169 = arith.constant 0 : i32
    %dma_start3A_170 = tpu.memref_slice %arg9[%dma_start3A_167, %dma_start3A_168, %dma_start3A_169] : memref<4x80x128xf32, #tpu.memory_space<vmem>> -> memref<1x80x128xf32, #tpu.memory_space<vmem>>
    %dma_start3A_171 = tpu.memref_squeeze %dma_start3A_170 : memref<1x80x128xf32, #tpu.memory_space<vmem>> -> memref<80x128xf32, #tpu.memory_space<vmem>>
    %dma_start3A_172 = arith.constant 0 : i32
    %dma_start3A_173 = tpu.memref_slice %arg6[%add3A_166, %dma_start3A_172] : memref<10240x128xf32, #tpu.memory_space<vmem_shared>> -> memref<80x128xf32, #tpu.memory_space<vmem_shared>>
    %dma_start3A_174 = arith.constant 0 : i32
    %dma_start3A_175 = tpu.memref_slice %arg6[%add3A_166, %dma_start3A_174] : memref<10240x128xf32, #tpu.memory_space<vmem_shared>> -> memref<80x128xf32, #tpu.memory_space<vmem_shared>>
    %dma_start3A_176 = arith.constant 0 : i32
    %dma_start3A_177 = arith.constant 0 : i32
    %dma_start3A_178 = tpu.memref_slice %arg9[%dma_start3A_167, %dma_start3A_176, %dma_start3A_177] : memref<4x80x128xf32, #tpu.memory_space<vmem>> -> memref<1x80x128xf32, #tpu.memory_space<vmem>>
    %dma_start3A_179 = tpu.memref_squeeze %dma_start3A_178 : memref<1x80x128xf32, #tpu.memory_space<vmem>> -> memref<80x128xf32, #tpu.memory_space<vmem>>
    tpu.enqueue_dma source(%dma_start3A_179 : memref<80x128xf32, #tpu.memory_space<vmem>>) target(%dma_start3A_175 : memref<80x128xf32, #tpu.memory_space<vmem_shared>>) target_semaphore(%arg15 : memref<!tpu.dma_semaphore, #tpu.memory_space<semaphore_mem>>)
    %mul3A_180 = arith.constant 640 : i32
    %mul3A_181 = arith.muli %arg1, %mul3A_180 : i32
    %add3A_182 = arith.constant 480 : i32
    %add3A_183 = arith.addi %mul3A_181, %add3A_182 : i32
    %dma_start3A_184 = arith.constant 3 : i32
    %dma_start3A_185 = arith.constant 0 : i32
    %dma_start3A_186 = arith.constant 0 : i32
    %dma_start3A_187 = tpu.memref_slice %arg9[%dma_start3A_184, %dma_start3A_185, %dma_start3A_186] : memref<4x80x128xf32, #tpu.memory_space<vmem>> -> memref<1x80x128xf32, #tpu.memory_space<vmem>>
    %dma_start3A_188 = tpu.memref_squeeze %dma_start3A_187 : memref<1x80x128xf32, #tpu.memory_space<vmem>> -> memref<80x128xf32, #tpu.memory_space<vmem>>
    %dma_start3A_189 = arith.constant 0 : i32
    %dma_start3A_190 = tpu.memref_slice %arg6[%add3A_183, %dma_start3A_189] : memref<10240x128xf32, #tpu.memory_space<vmem_shared>> -> memref<80x128xf32, #tpu.memory_space<vmem_shared>>
    %dma_start3A_191 = arith.constant 0 : i32
    %dma_start3A_192 = tpu.memref_slice %arg6[%add3A_183, %dma_start3A_191] : memref<10240x128xf32, #tpu.memory_space<vmem_shared>> -> memref<80x128xf32, #tpu.memory_space<vmem_shared>>
    %dma_start3A_193 = arith.constant 0 : i32
    %dma_start3A_194 = arith.constant 0 : i32
    %dma_start3A_195 = tpu.memref_slice %arg9[%dma_start3A_184, %dma_start3A_193, %dma_start3A_194] : memref<4x80x128xf32, #tpu.memory_space<vmem>> -> memref<1x80x128xf32, #tpu.memory_space<vmem>>
    %dma_start3A_196 = tpu.memref_squeeze %dma_start3A_195 : memref<1x80x128xf32, #tpu.memory_space<vmem>> -> memref<80x128xf32, #tpu.memory_space<vmem>>
    tpu.enqueue_dma source(%dma_start3A_196 : memref<80x128xf32, #tpu.memory_space<vmem>>) target(%dma_start3A_192 : memref<80x128xf32, #tpu.memory_space<vmem_shared>>) target_semaphore(%arg15 : memref<!tpu.dma_semaphore, #tpu.memory_space<semaphore_mem>>)
    %mul3A_197 = arith.constant 640 : i32
    %mul3A_198 = arith.muli %arg1, %mul3A_197 : i32
    %add3A_199 = arith.constant 560 : i32
    %add3A_200 = arith.addi %mul3A_198, %add3A_199 : i32
    %dma_start3A_201 = arith.constant 3 : i32
    %dma_start3A_202 = arith.constant 0 : i32
    %dma_start3A_203 = arith.constant 0 : i32
    %dma_start3A_204 = tpu.memref_slice %arg9[%dma_start3A_201, %dma_start3A_202, %dma_start3A_203] : memref<4x80x128xf32, #tpu.memory_space<vmem>> -> memref<1x80x128xf32, #tpu.memory_space<vmem>>
    %dma_start3A_205 = tpu.memref_squeeze %dma_start3A_204 : memref<1x80x128xf32, #tpu.memory_space<vmem>> -> memref<80x128xf32, #tpu.memory_space<vmem>>
    %dma_start3A_206 = arith.constant 0 : i32
    %dma_start3A_207 = tpu.memref_slice %arg6[%add3A_200, %dma_start3A_206] : memref<10240x128xf32, #tpu.memory_space<vmem_shared>> -> memref<80x128xf32, #tpu.memory_space<vmem_shared>>
    %dma_start3A_208 = arith.constant 0 : i32
    %dma_start3A_209 = tpu.memref_slice %arg6[%add3A_200, %dma_start3A_208] : memref<10240x128xf32, #tpu.memory_space<vmem_shared>> -> memref<80x128xf32, #tpu.memory_space<vmem_shared>>
    %dma_start3A_210 = arith.constant 0 : i32
    %dma_start3A_211 = arith.constant 0 : i32
    %dma_start3A_212 = tpu.memref_slice %arg9[%dma_start3A_201, %dma_start3A_210, %dma_start3A_211] : memref<4x80x128xf32, #tpu.memory_space<vmem>> -> memref<1x80x128xf32, #tpu.memory_space<vmem>>
    %dma_start3A_213 = tpu.memref_squeeze %dma_start3A_212 : memref<1x80x128xf32, #tpu.memory_space<vmem>> -> memref<80x128xf32, #tpu.memory_space<vmem>>
    tpu.enqueue_dma source(%dma_start3A_213 : memref<80x128xf32, #tpu.memory_space<vmem>>) target(%dma_start3A_209 : memref<80x128xf32, #tpu.memory_space<vmem_shared>>) target_semaphore(%arg15 : memref<!tpu.dma_semaphore, #tpu.memory_space<semaphore_mem>>)
    %mul3A_214 = arith.constant 640 : i32
    %mul3A_215 = arith.muli %arg1, %mul3A_214 : i32
    %add3A_216 = arith.constant 0 : i32
    %add3A_217 = arith.addi %mul3A_215, %add3A_216 : i32
    %dma_start3A_218 = arith.constant 3 : i32
    %dma_start3A_219 = arith.constant 0 : i32
    %dma_start3A_220 = arith.constant 0 : i32
    %dma_start3A_221 = tpu.memref_slice %arg9[%dma_start3A_218, %dma_start3A_219, %dma_start3A_220] : memref<4x80x128xf32, #tpu.memory_space<vmem>> -> memref<1x1x128xf32, #tpu.memory_space<vmem>>
    %dma_start3A_222 = tpu.memref_squeeze %dma_start3A_221 : memref<1x1x128xf32, #tpu.memory_space<vmem>> -> memref<128xf32, #tpu.memory_space<vmem>>
    %dma_start3A_223 = tpu.memref_slice %arg7[%add3A_217] : memref<10240xf32, #tpu.memory_space<vmem_shared>> -> memref<128xf32, #tpu.memory_space<vmem_shared>>
    %dma_start3A_224 = tpu.memref_slice %arg7[%add3A_217] : memref<10240xf32, #tpu.memory_space<vmem_shared>> -> memref<128xf32, #tpu.memory_space<vmem_shared>>
    %dma_start3A_225 = arith.constant 0 : i32
    %dma_start3A_226 = tpu.memref_slice %arg9[%dma_start3A_218, %dma_start3A_219, %dma_start3A_225] : memref<4x80x128xf32, #tpu.memory_space<vmem>> -> memref<1x1x128xf32, #tpu.memory_space<vmem>>
    %dma_start3A_227 = tpu.memref_squeeze %dma_start3A_226 : memref<1x1x128xf32, #tpu.memory_space<vmem>> -> memref<128xf32, #tpu.memory_space<vmem>>
    tpu.enqueue_dma source(%dma_start3A_227 : memref<128xf32, #tpu.memory_space<vmem>>) target(%dma_start3A_224 : memref<128xf32, #tpu.memory_space<vmem_shared>>) target_semaphore(%arg15 : memref<!tpu.dma_semaphore, #tpu.memory_space<semaphore_mem>>)
    %mul3A_228 = arith.constant 640 : i32
    %mul3A_229 = arith.muli %arg1, %mul3A_228 : i32
    %add3A_230 = arith.constant 128 : i32
    %add3A_231 = arith.addi %mul3A_229, %add3A_230 : i32
    %dma_start3A_232 = arith.constant 3 : i32
    %dma_start3A_233 = arith.constant 0 : i32
    %dma_start3A_234 = arith.constant 0 : i32
    %dma_start3A_235 = tpu.memref_slice %arg9[%dma_start3A_232, %dma_start3A_233, %dma_start3A_234] : memref<4x80x128xf32, #tpu.memory_space<vmem>> -> memref<1x1x128xf32, #tpu.memory_space<vmem>>
    %dma_start3A_236 = tpu.memref_squeeze %dma_start3A_235 : memref<1x1x128xf32, #tpu.memory_space<vmem>> -> memref<128xf32, #tpu.memory_space<vmem>>
    %dma_start3A_237 = tpu.memref_slice %arg7[%add3A_231] : memref<10240xf32, #tpu.memory_space<vmem_shared>> -> memref<128xf32, #tpu.memory_space<vmem_shared>>
    %dma_start3A_238 = tpu.memref_slice %arg7[%add3A_231] : memref<10240xf32, #tpu.memory_space<vmem_shared>> -> memref<128xf32, #tpu.memory_space<vmem_shared>>
    %dma_start3A_239 = arith.constant 0 : i32
    %dma_start3A_240 = tpu.memref_slice %arg9[%dma_start3A_232, %dma_start3A_233, %dma_start3A_239] : memref<4x80x128xf32, #tpu.memory_space<vmem>> -> memref<1x1x128xf32, #tpu.memory_space<vmem>>
    %dma_start3A_241 = tpu.memref_squeeze %dma_start3A_240 : memref<1x1x128xf32, #tpu.memory_space<vmem>> -> memref<128xf32, #tpu.memory_space<vmem>>
    tpu.enqueue_dma source(%dma_start3A_241 : memref<128xf32, #tpu.memory_space<vmem>>) target(%dma_start3A_238 : memref<128xf32, #tpu.memory_space<vmem_shared>>) target_semaphore(%arg15 : memref<!tpu.dma_semaphore, #tpu.memory_space<semaphore_mem>>)
    %mul3A_242 = arith.constant 640 : i32
    %mul3A_243 = arith.muli %arg1, %mul3A_242 : i32
    %add3A_244 = arith.constant 256 : i32
    %add3A_245 = arith.addi %mul3A_243, %add3A_244 : i32
    %dma_start3A_246 = arith.constant 3 : i32
    %dma_start3A_247 = arith.constant 0 : i32
    %dma_start3A_248 = arith.constant 0 : i32
    %dma_start3A_249 = tpu.memref_slice %arg9[%dma_start3A_246, %dma_start3A_247, %dma_start3A_248] : memref<4x80x128xf32, #tpu.memory_space<vmem>> -> memref<1x1x128xf32, #tpu.memory_space<vmem>>
    %dma_start3A_250 = tpu.memref_squeeze %dma_start3A_249 : memref<1x1x128xf32, #tpu.memory_space<vmem>> -> memref<128xf32, #tpu.memory_space<vmem>>
    %dma_start3A_251 = tpu.memref_slice %arg7[%add3A_245] : memref<10240xf32, #tpu.memory_space<vmem_shared>> -> memref<128xf32, #tpu.memory_space<vmem_shared>>
    %dma_start3A_252 = tpu.memref_slice %arg7[%add3A_245] : memref<10240xf32, #tpu.memory_space<vmem_shared>> -> memref<128xf32, #tpu.memory_space<vmem_shared>>
    %dma_start3A_253 = arith.constant 0 : i32
    %dma_start3A_254 = tpu.memref_slice %arg9[%dma_start3A_246, %dma_start3A_247, %dma_start3A_253] : memref<4x80x128xf32, #tpu.memory_space<vmem>> -> memref<1x1x128xf32, #tpu.memory_space<vmem>>
    %dma_start3A_255 = tpu.memref_squeeze %dma_start3A_254 : memref<1x1x128xf32, #tpu.memory_space<vmem>> -> memref<128xf32, #tpu.memory_space<vmem>>
    tpu.enqueue_dma source(%dma_start3A_255 : memref<128xf32, #tpu.memory_space<vmem>>) target(%dma_start3A_252 : memref<128xf32, #tpu.memory_space<vmem_shared>>) target_semaphore(%arg15 : memref<!tpu.dma_semaphore, #tpu.memory_space<semaphore_mem>>)
    %mul3A_256 = arith.constant 640 : i32
    %mul3A_257 = arith.muli %arg1, %mul3A_256 : i32
    %add3A_258 = arith.constant 384 : i32
    %add3A_259 = arith.addi %mul3A_257, %add3A_258 : i32
    %dma_start3A_260 = arith.constant 3 : i32
    %dma_start3A_261 = arith.constant 0 : i32
    %dma_start3A_262 = arith.constant 0 : i32
    %dma_start3A_263 = tpu.memref_slice %arg9[%dma_start3A_260, %dma_start3A_261, %dma_start3A_262] : memref<4x80x128xf32, #tpu.memory_space<vmem>> -> memref<1x1x128xf32, #tpu.memory_space<vmem>>
    %dma_start3A_264 = tpu.memref_squeeze %dma_start3A_263 : memref<1x1x128xf32, #tpu.memory_space<vmem>> -> memref<128xf32, #tpu.memory_space<vmem>>
    %dma_start3A_265 = tpu.memref_slice %arg7[%add3A_259] : memref<10240xf32, #tpu.memory_space<vmem_shared>> -> memref<128xf32, #tpu.memory_space<vmem_shared>>
    %dma_start3A_266 = tpu.memref_slice %arg7[%add3A_259] : memref<10240xf32, #tpu.memory_space<vmem_shared>> -> memref<128xf32, #tpu.memory_space<vmem_shared>>
    %dma_start3A_267 = arith.constant 0 : i32
    %dma_start3A_268 = tpu.memref_slice %arg9[%dma_start3A_260, %dma_start3A_261, %dma_start3A_267] : memref<4x80x128xf32, #tpu.memory_space<vmem>> -> memref<1x1x128xf32, #tpu.memory_space<vmem>>
    %dma_start3A_269 = tpu.memref_squeeze %dma_start3A_268 : memref<1x1x128xf32, #tpu.memory_space<vmem>> -> memref<128xf32, #tpu.memory_space<vmem>>
    tpu.enqueue_dma source(%dma_start3A_269 : memref<128xf32, #tpu.memory_space<vmem>>) target(%dma_start3A_266 : memref<128xf32, #tpu.memory_space<vmem_shared>>) target_semaphore(%arg15 : memref<!tpu.dma_semaphore, #tpu.memory_space<semaphore_mem>>)
    %mul3A_270 = arith.constant 640 : i32
    %mul3A_271 = arith.muli %arg1, %mul3A_270 : i32
    %add3A_272 = arith.constant 512 : i32
    %add3A_273 = arith.addi %mul3A_271, %add3A_272 : i32
    %dma_start3A_274 = arith.constant 3 : i32
    %dma_start3A_275 = arith.constant 0 : i32
    %dma_start3A_276 = arith.constant 0 : i32
    %dma_start3A_277 = tpu.memref_slice %arg9[%dma_start3A_274, %dma_start3A_275, %dma_start3A_276] : memref<4x80x128xf32, #tpu.memory_space<vmem>> -> memref<1x1x128xf32, #tpu.memory_space<vmem>>
    %dma_start3A_278 = tpu.memref_squeeze %dma_start3A_277 : memref<1x1x128xf32, #tpu.memory_space<vmem>> -> memref<128xf32, #tpu.memory_space<vmem>>
    %dma_start3A_279 = tpu.memref_slice %arg7[%add3A_273] : memref<10240xf32, #tpu.memory_space<vmem_shared>> -> memref<128xf32, #tpu.memory_space<vmem_shared>>
    %dma_start3A_280 = tpu.memref_slice %arg7[%add3A_273] : memref<10240xf32, #tpu.memory_space<vmem_shared>> -> memref<128xf32, #tpu.memory_space<vmem_shared>>
    %dma_start3A_281 = arith.constant 0 : i32
    %dma_start3A_282 = tpu.memref_slice %arg9[%dma_start3A_274, %dma_start3A_275, %dma_start3A_281] : memref<4x80x128xf32, #tpu.memory_space<vmem>> -> memref<1x1x128xf32, #tpu.memory_space<vmem>>
    %dma_start3A_283 = tpu.memref_squeeze %dma_start3A_282 : memref<1x1x128xf32, #tpu.memory_space<vmem>> -> memref<128xf32, #tpu.memory_space<vmem>>
    tpu.enqueue_dma source(%dma_start3A_283 : memref<128xf32, #tpu.memory_space<vmem>>) target(%dma_start3A_280 : memref<128xf32, #tpu.memory_space<vmem_shared>>) target_semaphore(%arg15 : memref<!tpu.dma_semaphore, #tpu.memory_space<semaphore_mem>>)
    %mul3A_284 = arith.constant 640 : i32
    %mul3A_285 = arith.muli %arg1, %mul3A_284 : i32
    %dma_wait3A = arith.constant 3 : i32
    %dma_wait3A_286 = arith.constant 0 : i32
    %dma_wait3A_287 = arith.constant 0 : i32
    %dma_wait3A_288 = tpu.memref_slice %arg9[%dma_wait3A, %dma_wait3A_286, %dma_wait3A_287] : memref<4x80x128xf32, #tpu.memory_space<vmem>> -> memref<1x80x128xf32, #tpu.memory_space<vmem>>
    %dma_wait3A_289 = tpu.memref_squeeze %dma_wait3A_288 : memref<1x80x128xf32, #tpu.memory_space<vmem>> -> memref<80x128xf32, #tpu.memory_space<vmem>>
    %dma_wait3A_290 = arith.constant 0 : i32
    %dma_wait3A_291 = tpu.memref_slice %arg6[%mul3A_285, %dma_wait3A_290] : memref<10240x128xf32, #tpu.memory_space<vmem_shared>> -> memref<80x128xf32, #tpu.memory_space<vmem_shared>>
    %dma_wait3A_292 = arith.constant 0 : i32
    %dma_wait3A_293 = tpu.memref_slice %arg6[%mul3A_285, %dma_wait3A_292] : memref<10240x128xf32, #tpu.memory_space<vmem_shared>> -> memref<80x128xf32, #tpu.memory_space<vmem_shared>>
    %dma_wait3A_294 = arith.constant 0 : i32
    %dma_wait3A_295 = arith.constant 0 : i32
    %dma_wait3A_296 = tpu.memref_slice %arg9[%dma_wait3A, %dma_wait3A_294, %dma_wait3A_295] : memref<4x80x128xf32, #tpu.memory_space<vmem>> -> memref<1x80x128xf32, #tpu.memory_space<vmem>>
    %dma_wait3A_297 = tpu.memref_squeeze %dma_wait3A_296 : memref<1x80x128xf32, #tpu.memory_space<vmem>> -> memref<80x128xf32, #tpu.memory_space<vmem>>
    tpu.wait_dma2 semaphore(%arg15 : memref<!tpu.dma_semaphore, #tpu.memory_space<semaphore_mem>>) src(%dma_wait3A_297 : memref<80x128xf32, #tpu.memory_space<vmem>>) dst(%dma_wait3A_293 : memref<80x128xf32, #tpu.memory_space<vmem_shared>>)
    %mul3A_298 = arith.constant 640 : i32
    %mul3A_299 = arith.muli %arg1, %mul3A_298 : i32
    %dma_wait3A_300 = arith.constant 3 : i32
    %dma_wait3A_301 = arith.constant 0 : i32
    %dma_wait3A_302 = arith.constant 0 : i32
    %dma_wait3A_303 = tpu.memref_slice %arg9[%dma_wait3A_300, %dma_wait3A_301, %dma_wait3A_302] : memref<4x80x128xf32, #tpu.memory_space<vmem>> -> memref<1x80x128xf32, #tpu.memory_space<vmem>>
    %dma_wait3A_304 = tpu.memref_squeeze %dma_wait3A_303 : memref<1x80x128xf32, #tpu.memory_space<vmem>> -> memref<80x128xf32, #tpu.memory_space<vmem>>
    %dma_wait3A_305 = arith.constant 0 : i32
    %dma_wait3A_306 = tpu.memref_slice %arg6[%mul3A_299, %dma_wait3A_305] : memref<10240x128xf32, #tpu.memory_space<vmem_shared>> -> memref<80x128xf32, #tpu.memory_space<vmem_shared>>
    %dma_wait3A_307 = arith.constant 0 : i32
    %dma_wait3A_308 = tpu.memref_slice %arg6[%mul3A_299, %dma_wait3A_307] : memref<10240x128xf32, #tpu.memory_space<vmem_shared>> -> memref<80x128xf32, #tpu.memory_space<vmem_shared>>
    %dma_wait3A_309 = arith.constant 0 : i32
    %dma_wait3A_310 = arith.constant 0 : i32
    %dma_wait3A_311 = tpu.memref_slice %arg9[%dma_wait3A_300, %dma_wait3A_309, %dma_wait3A_310] : memref<4x80x128xf32, #tpu.memory_space<vmem>> -> memref<1x80x128xf32, #tpu.memory_space<vmem>>
    %dma_wait3A_312 = tpu.memref_squeeze %dma_wait3A_311 : memref<1x80x128xf32, #tpu.memory_space<vmem>> -> memref<80x128xf32, #tpu.memory_space<vmem>>
    tpu.wait_dma2 semaphore(%arg15 : memref<!tpu.dma_semaphore, #tpu.memory_space<semaphore_mem>>) src(%dma_wait3A_312 : memref<80x128xf32, #tpu.memory_space<vmem>>) dst(%dma_wait3A_308 : memref<80x128xf32, #tpu.memory_space<vmem_shared>>)
    %mul3A_313 = arith.constant 640 : i32
    %mul3A_314 = arith.muli %arg1, %mul3A_313 : i32
    %dma_wait3A_315 = arith.constant 3 : i32
    %dma_wait3A_316 = arith.constant 0 : i32
    %dma_wait3A_317 = arith.constant 0 : i32
    %dma_wait3A_318 = tpu.memref_slice %arg9[%dma_wait3A_315, %dma_wait3A_316, %dma_wait3A_317] : memref<4x80x128xf32, #tpu.memory_space<vmem>> -> memref<1x80x128xf32, #tpu.memory_space<vmem>>
    %dma_wait3A_319 = tpu.memref_squeeze %dma_wait3A_318 : memref<1x80x128xf32, #tpu.memory_space<vmem>> -> memref<80x128xf32, #tpu.memory_space<vmem>>
    %dma_wait3A_320 = arith.constant 0 : i32
    %dma_wait3A_321 = tpu.memref_slice %arg6[%mul3A_314, %dma_wait3A_320] : memref<10240x128xf32, #tpu.memory_space<vmem_shared>> -> memref<80x128xf32, #tpu.memory_space<vmem_shared>>
    %dma_wait3A_322 = arith.constant 0 : i32
    %dma_wait3A_323 = tpu.memref_slice %arg6[%mul3A_314, %dma_wait3A_322] : memref<10240x128xf32, #tpu.memory_space<vmem_shared>> -> memref<80x128xf32, #tpu.memory_space<vmem_shared>>
    %dma_wait3A_324 = arith.constant 0 : i32
    %dma_wait3A_325 = arith.constant 0 : i32
    %dma_wait3A_326 = tpu.memref_slice %arg9[%dma_wait3A_315, %dma_wait3A_324, %dma_wait3A_325] : memref<4x80x128xf32, #tpu.memory_space<vmem>> -> memref<1x80x128xf32, #tpu.memory_space<vmem>>
    %dma_wait3A_327 = tpu.memref_squeeze %dma_wait3A_326 : memref<1x80x128xf32, #tpu.memory_space<vmem>> -> memref<80x128xf32, #tpu.memory_space<vmem>>
    tpu.wait_dma2 semaphore(%arg15 : memref<!tpu.dma_semaphore, #tpu.memory_space<semaphore_mem>>) src(%dma_wait3A_327 : memref<80x128xf32, #tpu.memory_space<vmem>>) dst(%dma_wait3A_323 : memref<80x128xf32, #tpu.memory_space<vmem_shared>>)
    %mul3A_328 = arith.constant 640 : i32
    %mul3A_329 = arith.muli %arg1, %mul3A_328 : i32
    %dma_wait3A_330 = arith.constant 3 : i32
    %dma_wait3A_331 = arith.constant 0 : i32
    %dma_wait3A_332 = arith.constant 0 : i32
    %dma_wait3A_333 = tpu.memref_slice %arg9[%dma_wait3A_330, %dma_wait3A_331, %dma_wait3A_332] : memref<4x80x128xf32, #tpu.memory_space<vmem>> -> memref<1x80x128xf32, #tpu.memory_space<vmem>>
    %dma_wait3A_334 = tpu.memref_squeeze %dma_wait3A_333 : memref<1x80x128xf32, #tpu.memory_space<vmem>> -> memref<80x128xf32, #tpu.memory_space<vmem>>
    %dma_wait3A_335 = arith.constant 0 : i32
    %dma_wait3A_336 = tpu.memref_slice %arg6[%mul3A_329, %dma_wait3A_335] : memref<10240x128xf32, #tpu.memory_space<vmem_shared>> -> memref<80x128xf32, #tpu.memory_space<vmem_shared>>
    %dma_wait3A_337 = arith.constant 0 : i32
    %dma_wait3A_338 = tpu.memref_slice %arg6[%mul3A_329, %dma_wait3A_337] : memref<10240x128xf32, #tpu.memory_space<vmem_shared>> -> memref<80x128xf32, #tpu.memory_space<vmem_shared>>
    %dma_wait3A_339 = arith.constant 0 : i32
    %dma_wait3A_340 = arith.constant 0 : i32
    %dma_wait3A_341 = tpu.memref_slice %arg9[%dma_wait3A_330, %dma_wait3A_339, %dma_wait3A_340] : memref<4x80x128xf32, #tpu.memory_space<vmem>> -> memref<1x80x128xf32, #tpu.memory_space<vmem>>
    %dma_wait3A_342 = tpu.memref_squeeze %dma_wait3A_341 : memref<1x80x128xf32, #tpu.memory_space<vmem>> -> memref<80x128xf32, #tpu.memory_space<vmem>>
    tpu.wait_dma2 semaphore(%arg15 : memref<!tpu.dma_semaphore, #tpu.memory_space<semaphore_mem>>) src(%dma_wait3A_342 : memref<80x128xf32, #tpu.memory_space<vmem>>) dst(%dma_wait3A_338 : memref<80x128xf32, #tpu.memory_space<vmem_shared>>)
    %mul3A_343 = arith.constant 640 : i32
    %mul3A_344 = arith.muli %arg1, %mul3A_343 : i32
    %dma_wait3A_345 = arith.constant 3 : i32
    %dma_wait3A_346 = arith.constant 0 : i32
    %dma_wait3A_347 = arith.constant 0 : i32
    %dma_wait3A_348 = tpu.memref_slice %arg9[%dma_wait3A_345, %dma_wait3A_346, %dma_wait3A_347] : memref<4x80x128xf32, #tpu.memory_space<vmem>> -> memref<1x80x128xf32, #tpu.memory_space<vmem>>
    %dma_wait3A_349 = tpu.memref_squeeze %dma_wait3A_348 : memref<1x80x128xf32, #tpu.memory_space<vmem>> -> memref<80x128xf32, #tpu.memory_space<vmem>>
    %dma_wait3A_350 = arith.constant 0 : i32
    %dma_wait3A_351 = tpu.memref_slice %arg6[%mul3A_344, %dma_wait3A_350] : memref<10240x128xf32, #tpu.memory_space<vmem_shared>> -> memref<80x128xf32, #tpu.memory_space<vmem_shared>>
    %dma_wait3A_352 = arith.constant 0 : i32
    %dma_wait3A_353 = tpu.memref_slice %arg6[%mul3A_344, %dma_wait3A_352] : memref<10240x128xf32, #tpu.memory_space<vmem_shared>> -> memref<80x128xf32, #tpu.memory_space<vmem_shared>>
    %dma_wait3A_354 = arith.constant 0 : i32
    %dma_wait3A_355 = arith.constant 0 : i32
    %dma_wait3A_356 = tpu.memref_slice %arg9[%dma_wait3A_345, %dma_wait3A_354, %dma_wait3A_355] : memref<4x80x128xf32, #tpu.memory_space<vmem>> -> memref<1x80x128xf32, #tpu.memory_space<vmem>>
    %dma_wait3A_357 = tpu.memref_squeeze %dma_wait3A_356 : memref<1x80x128xf32, #tpu.memory_space<vmem>> -> memref<80x128xf32, #tpu.memory_space<vmem>>
    tpu.wait_dma2 semaphore(%arg15 : memref<!tpu.dma_semaphore, #tpu.memory_space<semaphore_mem>>) src(%dma_wait3A_357 : memref<80x128xf32, #tpu.memory_space<vmem>>) dst(%dma_wait3A_353 : memref<80x128xf32, #tpu.memory_space<vmem_shared>>)
    %mul3A_358 = arith.constant 640 : i32
    %mul3A_359 = arith.muli %arg1, %mul3A_358 : i32
    %dma_wait3A_360 = arith.constant 3 : i32
    %dma_wait3A_361 = arith.constant 0 : i32
    %dma_wait3A_362 = arith.constant 0 : i32
    %dma_wait3A_363 = tpu.memref_slice %arg9[%dma_wait3A_360, %dma_wait3A_361, %dma_wait3A_362] : memref<4x80x128xf32, #tpu.memory_space<vmem>> -> memref<1x80x128xf32, #tpu.memory_space<vmem>>
    %dma_wait3A_364 = tpu.memref_squeeze %dma_wait3A_363 : memref<1x80x128xf32, #tpu.memory_space<vmem>> -> memref<80x128xf32, #tpu.memory_space<vmem>>
    %dma_wait3A_365 = arith.constant 0 : i32
    %dma_wait3A_366 = tpu.memref_slice %arg6[%mul3A_359, %dma_wait3A_365] : memref<10240x128xf32, #tpu.memory_space<vmem_shared>> -> memref<80x128xf32, #tpu.memory_space<vmem_shared>>
    %dma_wait3A_367 = arith.constant 0 : i32
    %dma_wait3A_368 = tpu.memref_slice %arg6[%mul3A_359, %dma_wait3A_367] : memref<10240x128xf32, #tpu.memory_space<vmem_shared>> -> memref<80x128xf32, #tpu.memory_space<vmem_shared>>
    %dma_wait3A_369 = arith.constant 0 : i32
    %dma_wait3A_370 = arith.constant 0 : i32
    %dma_wait3A_371 = tpu.memref_slice %arg9[%dma_wait3A_360, %dma_wait3A_369, %dma_wait3A_370] : memref<4x80x128xf32, #tpu.memory_space<vmem>> -> memref<1x80x128xf32, #tpu.memory_space<vmem>>
    %dma_wait3A_372 = tpu.memref_squeeze %dma_wait3A_371 : memref<1x80x128xf32, #tpu.memory_space<vmem>> -> memref<80x128xf32, #tpu.memory_space<vmem>>
    tpu.wait_dma2 semaphore(%arg15 : memref<!tpu.dma_semaphore, #tpu.memory_space<semaphore_mem>>) src(%dma_wait3A_372 : memref<80x128xf32, #tpu.memory_space<vmem>>) dst(%dma_wait3A_368 : memref<80x128xf32, #tpu.memory_space<vmem_shared>>)
    %mul3A_373 = arith.constant 640 : i32
    %mul3A_374 = arith.muli %arg1, %mul3A_373 : i32
    %dma_wait3A_375 = arith.constant 3 : i32
    %dma_wait3A_376 = arith.constant 0 : i32
    %dma_wait3A_377 = arith.constant 0 : i32
    %dma_wait3A_378 = tpu.memref_slice %arg9[%dma_wait3A_375, %dma_wait3A_376, %dma_wait3A_377] : memref<4x80x128xf32, #tpu.memory_space<vmem>> -> memref<1x80x128xf32, #tpu.memory_space<vmem>>
    %dma_wait3A_379 = tpu.memref_squeeze %dma_wait3A_378 : memref<1x80x128xf32, #tpu.memory_space<vmem>> -> memref<80x128xf32, #tpu.memory_space<vmem>>
    %dma_wait3A_380 = arith.constant 0 : i32
    %dma_wait3A_381 = tpu.memref_slice %arg6[%mul3A_374, %dma_wait3A_380] : memref<10240x128xf32, #tpu.memory_space<vmem_shared>> -> memref<80x128xf32, #tpu.memory_space<vmem_shared>>
    %dma_wait3A_382 = arith.constant 0 : i32
    %dma_wait3A_383 = tpu.memref_slice %arg6[%mul3A_374, %dma_wait3A_382] : memref<10240x128xf32, #tpu.memory_space<vmem_shared>> -> memref<80x128xf32, #tpu.memory_space<vmem_shared>>
    %dma_wait3A_384 = arith.constant 0 : i32
    %dma_wait3A_385 = arith.constant 0 : i32
    %dma_wait3A_386 = tpu.memref_slice %arg9[%dma_wait3A_375, %dma_wait3A_384, %dma_wait3A_385] : memref<4x80x128xf32, #tpu.memory_space<vmem>> -> memref<1x80x128xf32, #tpu.memory_space<vmem>>
    %dma_wait3A_387 = tpu.memref_squeeze %dma_wait3A_386 : memref<1x80x128xf32, #tpu.memory_space<vmem>> -> memref<80x128xf32, #tpu.memory_space<vmem>>
    tpu.wait_dma2 semaphore(%arg15 : memref<!tpu.dma_semaphore, #tpu.memory_space<semaphore_mem>>) src(%dma_wait3A_387 : memref<80x128xf32, #tpu.memory_space<vmem>>) dst(%dma_wait3A_383 : memref<80x128xf32, #tpu.memory_space<vmem_shared>>)
    %mul3A_388 = arith.constant 640 : i32
    %mul3A_389 = arith.muli %arg1, %mul3A_388 : i32
    %dma_wait3A_390 = arith.constant 3 : i32
    %dma_wait3A_391 = arith.constant 0 : i32
    %dma_wait3A_392 = arith.constant 0 : i32
    %dma_wait3A_393 = tpu.memref_slice %arg9[%dma_wait3A_390, %dma_wait3A_391, %dma_wait3A_392] : memref<4x80x128xf32, #tpu.memory_space<vmem>> -> memref<1x80x128xf32, #tpu.memory_space<vmem>>
    %dma_wait3A_394 = tpu.memref_squeeze %dma_wait3A_393 : memref<1x80x128xf32, #tpu.memory_space<vmem>> -> memref<80x128xf32, #tpu.memory_space<vmem>>
    %dma_wait3A_395 = arith.constant 0 : i32
    %dma_wait3A_396 = tpu.memref_slice %arg6[%mul3A_389, %dma_wait3A_395] : memref<10240x128xf32, #tpu.memory_space<vmem_shared>> -> memref<80x128xf32, #tpu.memory_space<vmem_shared>>
    %dma_wait3A_397 = arith.constant 0 : i32
    %dma_wait3A_398 = tpu.memref_slice %arg6[%mul3A_389, %dma_wait3A_397] : memref<10240x128xf32, #tpu.memory_space<vmem_shared>> -> memref<80x128xf32, #tpu.memory_space<vmem_shared>>
    %dma_wait3A_399 = arith.constant 0 : i32
    %dma_wait3A_400 = arith.constant 0 : i32
    %dma_wait3A_401 = tpu.memref_slice %arg9[%dma_wait3A_390, %dma_wait3A_399, %dma_wait3A_400] : memref<4x80x128xf32, #tpu.memory_space<vmem>> -> memref<1x80x128xf32, #tpu.memory_space<vmem>>
    %dma_wait3A_402 = tpu.memref_squeeze %dma_wait3A_401 : memref<1x80x128xf32, #tpu.memory_space<vmem>> -> memref<80x128xf32, #tpu.memory_space<vmem>>
    tpu.wait_dma2 semaphore(%arg15 : memref<!tpu.dma_semaphore, #tpu.memory_space<semaphore_mem>>) src(%dma_wait3A_402 : memref<80x128xf32, #tpu.memory_space<vmem>>) dst(%dma_wait3A_398 : memref<80x128xf32, #tpu.memory_space<vmem_shared>>)
    %mul3A_403 = arith.constant 640 : i32
    %mul3A_404 = arith.muli %arg1, %mul3A_403 : i32
    %dma_wait3A_405 = arith.constant 3 : i32
    %dma_wait3A_406 = arith.constant 0 : i32
    %dma_wait3A_407 = arith.constant 0 : i32
    %dma_wait3A_408 = tpu.memref_slice %arg9[%dma_wait3A_405, %dma_wait3A_406, %dma_wait3A_407] : memref<4x80x128xf32, #tpu.memory_space<vmem>> -> memref<1x1x128xf32, #tpu.memory_space<vmem>>
    %dma_wait3A_409 = tpu.memref_squeeze %dma_wait3A_408 : memref<1x1x128xf32, #tpu.memory_space<vmem>> -> memref<128xf32, #tpu.memory_space<vmem>>
    %dma_wait3A_410 = tpu.memref_slice %arg7[%mul3A_404] : memref<10240xf32, #tpu.memory_space<vmem_shared>> -> memref<128xf32, #tpu.memory_space<vmem_shared>>
    %dma_wait3A_411 = tpu.memref_slice %arg7[%mul3A_404] : memref<10240xf32, #tpu.memory_space<vmem_shared>> -> memref<128xf32, #tpu.memory_space<vmem_shared>>
    %dma_wait3A_412 = arith.constant 0 : i32
    %dma_wait3A_413 = tpu.memref_slice %arg9[%dma_wait3A_405, %dma_wait3A_406, %dma_wait3A_412] : memref<4x80x128xf32, #tpu.memory_space<vmem>> -> memref<1x1x128xf32, #tpu.memory_space<vmem>>
    %dma_wait3A_414 = tpu.memref_squeeze %dma_wait3A_413 : memref<1x1x128xf32, #tpu.memory_space<vmem>> -> memref<128xf32, #tpu.memory_space<vmem>>
    tpu.wait_dma2 semaphore(%arg15 : memref<!tpu.dma_semaphore, #tpu.memory_space<semaphore_mem>>) src(%dma_wait3A_414 : memref<128xf32, #tpu.memory_space<vmem>>) dst(%dma_wait3A_411 : memref<128xf32, #tpu.memory_space<vmem_shared>>)
    %mul3A_415 = arith.constant 640 : i32
    %mul3A_416 = arith.muli %arg1, %mul3A_415 : i32
    %dma_wait3A_417 = arith.constant 3 : i32
    %dma_wait3A_418 = arith.constant 0 : i32
    %dma_wait3A_419 = arith.constant 0 : i32
    %dma_wait3A_420 = tpu.memref_slice %arg9[%dma_wait3A_417, %dma_wait3A_418, %dma_wait3A_419] : memref<4x80x128xf32, #tpu.memory_space<vmem>> -> memref<1x1x128xf32, #tpu.memory_space<vmem>>
    %dma_wait3A_421 = tpu.memref_squeeze %dma_wait3A_420 : memref<1x1x128xf32, #tpu.memory_space<vmem>> -> memref<128xf32, #tpu.memory_space<vmem>>
    %dma_wait3A_422 = tpu.memref_slice %arg7[%mul3A_416] : memref<10240xf32, #tpu.memory_space<vmem_shared>> -> memref<128xf32, #tpu.memory_space<vmem_shared>>
    %dma_wait3A_423 = tpu.memref_slice %arg7[%mul3A_416] : memref<10240xf32, #tpu.memory_space<vmem_shared>> -> memref<128xf32, #tpu.memory_space<vmem_shared>>
    %dma_wait3A_424 = arith.constant 0 : i32
    %dma_wait3A_425 = tpu.memref_slice %arg9[%dma_wait3A_417, %dma_wait3A_418, %dma_wait3A_424] : memref<4x80x128xf32, #tpu.memory_space<vmem>> -> memref<1x1x128xf32, #tpu.memory_space<vmem>>
    %dma_wait3A_426 = tpu.memref_squeeze %dma_wait3A_425 : memref<1x1x128xf32, #tpu.memory_space<vmem>> -> memref<128xf32, #tpu.memory_space<vmem>>
    tpu.wait_dma2 semaphore(%arg15 : memref<!tpu.dma_semaphore, #tpu.memory_space<semaphore_mem>>) src(%dma_wait3A_426 : memref<128xf32, #tpu.memory_space<vmem>>) dst(%dma_wait3A_423 : memref<128xf32, #tpu.memory_space<vmem_shared>>)
    %mul3A_427 = arith.constant 640 : i32
    %mul3A_428 = arith.muli %arg1, %mul3A_427 : i32
    %dma_wait3A_429 = arith.constant 3 : i32
    %dma_wait3A_430 = arith.constant 0 : i32
    %dma_wait3A_431 = arith.constant 0 : i32
    %dma_wait3A_432 = tpu.memref_slice %arg9[%dma_wait3A_429, %dma_wait3A_430, %dma_wait3A_431] : memref<4x80x128xf32, #tpu.memory_space<vmem>> -> memref<1x1x128xf32, #tpu.memory_space<vmem>>
    %dma_wait3A_433 = tpu.memref_squeeze %dma_wait3A_432 : memref<1x1x128xf32, #tpu.memory_space<vmem>> -> memref<128xf32, #tpu.memory_space<vmem>>
    %dma_wait3A_434 = tpu.memref_slice %arg7[%mul3A_428] : memref<10240xf32, #tpu.memory_space<vmem_shared>> -> memref<128xf32, #tpu.memory_space<vmem_shared>>
    %dma_wait3A_435 = tpu.memref_slice %arg7[%mul3A_428] : memref<10240xf32, #tpu.memory_space<vmem_shared>> -> memref<128xf32, #tpu.memory_space<vmem_shared>>
    %dma_wait3A_436 = arith.constant 0 : i32
    %dma_wait3A_437 = tpu.memref_slice %arg9[%dma_wait3A_429, %dma_wait3A_430, %dma_wait3A_436] : memref<4x80x128xf32, #tpu.memory_space<vmem>> -> memref<1x1x128xf32, #tpu.memory_space<vmem>>
    %dma_wait3A_438 = tpu.memref_squeeze %dma_wait3A_437 : memref<1x1x128xf32, #tpu.memory_space<vmem>> -> memref<128xf32, #tpu.memory_space<vmem>>
    tpu.wait_dma2 semaphore(%arg15 : memref<!tpu.dma_semaphore, #tpu.memory_space<semaphore_mem>>) src(%dma_wait3A_438 : memref<128xf32, #tpu.memory_space<vmem>>) dst(%dma_wait3A_435 : memref<128xf32, #tpu.memory_space<vmem_shared>>)
    %mul3A_439 = arith.constant 640 : i32
    %mul3A_440 = arith.muli %arg1, %mul3A_439 : i32
    %dma_wait3A_441 = arith.constant 3 : i32
    %dma_wait3A_442 = arith.constant 0 : i32
    %dma_wait3A_443 = arith.constant 0 : i32
    %dma_wait3A_444 = tpu.memref_slice %arg9[%dma_wait3A_441, %dma_wait3A_442, %dma_wait3A_443] : memref<4x80x128xf32, #tpu.memory_space<vmem>> -> memref<1x1x128xf32, #tpu.memory_space<vmem>>
    %dma_wait3A_445 = tpu.memref_squeeze %dma_wait3A_444 : memref<1x1x128xf32, #tpu.memory_space<vmem>> -> memref<128xf32, #tpu.memory_space<vmem>>
    %dma_wait3A_446 = tpu.memref_slice %arg7[%mul3A_440] : memref<10240xf32, #tpu.memory_space<vmem_shared>> -> memref<128xf32, #tpu.memory_space<vmem_shared>>
    %dma_wait3A_447 = tpu.memref_slice %arg7[%mul3A_440] : memref<10240xf32, #tpu.memory_space<vmem_shared>> -> memref<128xf32, #tpu.memory_space<vmem_shared>>
    %dma_wait3A_448 = arith.constant 0 : i32
    %dma_wait3A_449 = tpu.memref_slice %arg9[%dma_wait3A_441, %dma_wait3A_442, %dma_wait3A_448] : memref<4x80x128xf32, #tpu.memory_space<vmem>> -> memref<1x1x128xf32, #tpu.memory_space<vmem>>
    %dma_wait3A_450 = tpu.memref_squeeze %dma_wait3A_449 : memref<1x1x128xf32, #tpu.memory_space<vmem>> -> memref<128xf32, #tpu.memory_space<vmem>>
    tpu.wait_dma2 semaphore(%arg15 : memref<!tpu.dma_semaphore, #tpu.memory_space<semaphore_mem>>) src(%dma_wait3A_450 : memref<128xf32, #tpu.memory_space<vmem>>) dst(%dma_wait3A_447 : memref<128xf32, #tpu.memory_space<vmem_shared>>)
    %mul3A_451 = arith.constant 640 : i32
    %mul3A_452 = arith.muli %arg1, %mul3A_451 : i32
    %dma_wait3A_453 = arith.constant 3 : i32
    %dma_wait3A_454 = arith.constant 0 : i32
    %dma_wait3A_455 = arith.constant 0 : i32
    %dma_wait3A_456 = tpu.memref_slice %arg9[%dma_wait3A_453, %dma_wait3A_454, %dma_wait3A_455] : memref<4x80x128xf32, #tpu.memory_space<vmem>> -> memref<1x1x128xf32, #tpu.memory_space<vmem>>
    %dma_wait3A_457 = tpu.memref_squeeze %dma_wait3A_456 : memref<1x1x128xf32, #tpu.memory_space<vmem>> -> memref<128xf32, #tpu.memory_space<vmem>>
    %dma_wait3A_458 = tpu.memref_slice %arg7[%mul3A_452] : memref<10240xf32, #tpu.memory_space<vmem_shared>> -> memref<128xf32, #tpu.memory_space<vmem_shared>>
    %dma_wait3A_459 = tpu.memref_slice %arg7[%mul3A_452] : memref<10240xf32, #tpu.memory_space<vmem_shared>> -> memref<128xf32, #tpu.memory_space<vmem_shared>>
    %dma_wait3A_460 = arith.constant 0 : i32
    %dma_wait3A_461 = tpu.memref_slice %arg9[%dma_wait3A_453, %dma_wait3A_454, %dma_wait3A_460] : memref<4x80x128xf32, #tpu.memory_space<vmem>> -> memref<1x1x128xf32, #tpu.memory_space<vmem>>
    %dma_wait3A_462 = tpu.memref_squeeze %dma_wait3A_461 : memref<1x1x128xf32, #tpu.memory_space<vmem>> -> memref<128xf32, #tpu.memory_space<vmem>>
    tpu.wait_dma2 semaphore(%arg15 : memref<!tpu.dma_semaphore, #tpu.memory_space<semaphore_mem>>) src(%dma_wait3A_462 : memref<128xf32, #tpu.memory_space<vmem>>) dst(%dma_wait3A_459 : memref<128xf32, #tpu.memory_space<vmem_shared>>)
    %barrier3A = arith.constant 0 : index
    tpu.barrier barrier_id(%barrier3A)
    %scan3A_463 = arith.constant 0 : i32
    %scan3A_464 = arith.constant 0 : i32
    %scan3A_465 = arith.constant 125 : i32
    %scan3A_466 = arith.addi %scan3A_464, %scan3A_465 : i32
    %scan3A_467 = arith.constant 1 : i32
    scf.for %scan3A_534 = %scan3A_464 to %scan3A_466 step %scan3A_467  : i32 {
      %rem3A_535 = arith.constant 4 : i32
      %rem3A_536 = arith.remsi %scan3A_534, %rem3A_535 : i32
      %div3A_537 = arith.constant 5 : i32
      %div3A_538 = arith.divsi %scan3A_534, %div3A_537 : i32
      %rem3A_539 = arith.constant 5 : i32
      %rem3A_540 = arith.remsi %scan3A_534, %rem3A_539 : i32
      %rem3A_541 = arith.constant 2 : i32
      %rem3A_542 = arith.remsi %div3A_538, %rem3A_541 : i32
      %add3A_543 = arith.constant 2 : i32
      %add3A_544 = arith.addi %scan3A_534, %add3A_543 : i32
      %rem3A_545 = arith.constant 4 : i32
      %rem3A_546 = arith.remsi %add3A_544, %rem3A_545 : i32
      %ge3A = arith.constant 2 : i32
      %ge3A_547 = arith.cmpi sge, %scan3A_534, %ge3A : i32
      %convert_element_type3A = arith.extui %ge3A_547 : i1 to i32
      %cond3A = arith.constant 0 : i32
      %cond3A_548 = arith.cmpi ne, %convert_element_type3A, %cond3A : i32
      scf.if %cond3A_548 {
        %dma_wait3A_613 = arith.constant 0 : i32
        %dma_wait3A_614 = arith.constant 0 : i32
        %dma_wait3A_615 = arith.constant 1 : i32
        %dma_wait3A_616 = arith.constant 0 : i32
        %dma_wait3A_617 = arith.constant 0 : i32
        %dma_wait3A_618 = arith.constant 0 : i32
        %dma_wait3A_619 = tpu.memref_slice %arg9[%dma_wait3A_613, %dma_wait3A_617, %dma_wait3A_618] : memref<4x80x128xf32, #tpu.memory_space<vmem>> -> memref<1x80x128xf32, #tpu.memory_space<vmem>>
        %dma_wait3A_620 = tpu.memref_squeeze %dma_wait3A_619 : memref<1x80x128xf32, #tpu.memory_space<vmem>> -> memref<80x128xf32, #tpu.memory_space<vmem>>
        %dma_wait3A_621 = arith.constant 0 : i32
        %dma_wait3A_622 = tpu.memref_slice %arg8[%dma_wait3A_614, %dma_wait3A_615, %dma_wait3A_616, %dma_wait3A_621] : memref<2x2x5x80xi32, #tpu.memory_space<vmem>> -> memref<1x1x1x80xi32, #tpu.memory_space<vmem>>
        %dma_wait3A_623 = tpu.memref_squeeze %dma_wait3A_622 : memref<1x1x1x80xi32, #tpu.memory_space<vmem>> -> memref<80xi32, #tpu.memory_space<vmem>>
        %dma_wait3A_624 = arith.constant 0 : i32
        %dma_wait3A_625 = arith.constant 0 : i32
        %dma_wait3A_626 = tpu.memref_slice %arg6[%dma_wait3A_624, %dma_wait3A_625] : memref<10240x128xf32, #tpu.memory_space<vmem_shared>> -> memref<10240x128xf32, #tpu.memory_space<vmem_shared>>
        %dma_wait3A_627 = tpu.memref_slice %arg12[%rem3A_546] : memref<4x!tpu.dma_semaphore, #tpu.memory_space<semaphore_mem>> -> memref<1x!tpu.dma_semaphore, #tpu.memory_space<semaphore_mem>>
        %dma_wait3A_628 = tpu.memref_squeeze %dma_wait3A_627 : memref<1x!tpu.dma_semaphore, #tpu.memory_space<semaphore_mem>> -> memref<!tpu.dma_semaphore, #tpu.memory_space<semaphore_mem>>
        tpu.wait_indirect_dma semaphore(%dma_wait3A_628 : memref<!tpu.dma_semaphore, #tpu.memory_space<semaphore_mem>>) src(%dma_wait3A_620 : memref<80x128xf32, #tpu.memory_space<vmem>>) dst(%dma_wait3A_626 : memref<10240x128xf32, #tpu.memory_space<vmem_shared>>)
        %dma_wait3A_629 = arith.constant 0 : i32
        %dma_wait3A_630 = arith.constant 1 : i32
        %dma_wait3A_631 = arith.constant 0 : i32
        %dma_wait3A_632 = arith.constant 0 : i32
        %dma_wait3A_633 = tpu.memref_slice %arg8[%dma_wait3A_629, %dma_wait3A_630, %dma_wait3A_631, %dma_wait3A_632] : memref<2x2x5x80xi32, #tpu.memory_space<vmem>> -> memref<1x1x1x80xi32, #tpu.memory_space<vmem>>
        %dma_wait3A_634 = tpu.memref_squeeze %dma_wait3A_633 : memref<1x1x1x80xi32, #tpu.memory_space<vmem>> -> memref<80xi32, #tpu.memory_space<vmem>>
        %dma_wait3A_635 = arith.constant 0 : i32
        %dma_wait3A_636 = tpu.memref_slice %arg7[%dma_wait3A_635] : memref<10240xf32, #tpu.memory_space<vmem_shared>> -> memref<10240xf32, #tpu.memory_space<vmem_shared>>
        %dma_wait3A_637 = tpu.memref_slice %arg13[%rem3A_546] : memref<4x!tpu.dma_semaphore, #tpu.memory_space<semaphore_mem>> -> memref<1x!tpu.dma_semaphore, #tpu.memory_space<semaphore_mem>>
        %dma_wait3A_638 = tpu.memref_squeeze %dma_wait3A_637 : memref<1x!tpu.dma_semaphore, #tpu.memory_space<semaphore_mem>> -> memref<!tpu.dma_semaphore, #tpu.memory_space<semaphore_mem>>
        tpu.wait_indirect_dma semaphore(%dma_wait3A_638 : memref<!tpu.dma_semaphore, #tpu.memory_space<semaphore_mem>>) src(%arg10 : memref<80xf32, #tpu.memory_space<vmem>>) dst(%dma_wait3A_636 : memref<10240xf32, #tpu.memory_space<vmem_shared>>)
      } else {
      }
      %eq3A = arith.constant 2 : i32
      %eq3A_549 = arith.cmpi eq, %rem3A_540, %eq3A : i32
      %add3A_550 = arith.constant 1 : i32
      %add3A_551 = arith.addi %div3A_538, %add3A_550 : i32
      %lt3A = arith.constant 25 : i32
      %lt3A_552 = arith.cmpi slt, %add3A_551, %lt3A : i32
      %and3A = arith.andi %eq3A_549, %lt3A_552 : i1
      %convert_element_type3A_553 = arith.extui %and3A : i1 to i32
      %cond3A_554 = arith.constant 0 : i32
      %cond3A_555 = arith.cmpi ne, %convert_element_type3A_553, %cond3A_554 : i32
      scf.if %cond3A_555 {
        %add3A_613 = arith.constant 1 : i32
        %add3A_614 = arith.addi %div3A_538, %add3A_613 : i32
        %sub3A = arith.constant 1 : i32
        %sub3A_615 = arith.subi %sub3A, %rem3A_542 : i32
        %dma_start3A_616 = arith.constant 0 : i32
        %dma_start3A_617 = arith.constant 0 : i32
        %dma_start3A_618 = arith.constant 0 : i32
        %dma_start3A_619 = arith.constant 0 : i32
        %dma_start3A_620 = arith.constant 0 : i32
        %dma_start3A_621 = tpu.memref_slice %arg8[%sub3A_615, %dma_start3A_617, %dma_start3A_619, %dma_start3A_620] : memref<2x2x5x80xi32, #tpu.memory_space<vmem>> -> memref<1x1x5x80xi32, #tpu.memory_space<vmem>>
        %dma_start3A_622 = tpu.memref_squeeze %dma_start3A_621 : memref<1x1x5x80xi32, #tpu.memory_space<vmem>> -> memref<5x80xi32, #tpu.memory_space<vmem>>
        %dma_start3A_623 = arith.constant 0 : i32
        %dma_start3A_624 = arith.constant 0 : i32
        %dma_start3A_625 = tpu.memref_slice %arg3[%dma_start3A_616, %add3A, %add3A_614, %dma_start3A_623, %dma_start3A_624] : memref<2x32x25x5x80xi32, #tpu.memory_space<hbm>> -> memref<1x1x1x5x80xi32, #tpu.memory_space<hbm>>
        %dma_start3A_626 = tpu.memref_squeeze %dma_start3A_625 : memref<1x1x1x5x80xi32, #tpu.memory_space<hbm>> -> memref<5x80xi32, #tpu.memory_space<hbm>>
        %dma_start3A_627 = tpu.memref_slice %arg14[%dma_start3A_618] : memref<2x!tpu.dma_semaphore, #tpu.memory_space<semaphore_mem>> -> memref<1x!tpu.dma_semaphore, #tpu.memory_space<semaphore_mem>>
        %dma_start3A_628 = tpu.memref_squeeze %dma_start3A_627 : memref<1x!tpu.dma_semaphore, #tpu.memory_space<semaphore_mem>> -> memref<!tpu.dma_semaphore, #tpu.memory_space<semaphore_mem>>
        %dma_start3A_629 = arith.constant 0 : i32
        %dma_start3A_630 = arith.constant 0 : i32
        %dma_start3A_631 = tpu.memref_slice %arg8[%sub3A_615, %dma_start3A_617, %dma_start3A_629, %dma_start3A_630] : memref<2x2x5x80xi32, #tpu.memory_space<vmem>> -> memref<1x1x5x80xi32, #tpu.memory_space<vmem>>
        %dma_start3A_632 = tpu.memref_squeeze %dma_start3A_631 : memref<1x1x5x80xi32, #tpu.memory_space<vmem>> -> memref<5x80xi32, #tpu.memory_space<vmem>>
        %dma_start3A_633 = arith.constant 0 : i32
        %dma_start3A_634 = arith.constant 0 : i32
        %dma_start3A_635 = tpu.memref_slice %arg3[%dma_start3A_616, %add3A, %add3A_614, %dma_start3A_633, %dma_start3A_634] : memref<2x32x25x5x80xi32, #tpu.memory_space<hbm>> -> memref<1x1x1x5x80xi32, #tpu.memory_space<hbm>>
        %dma_start3A_636 = tpu.memref_squeeze %dma_start3A_635 : memref<1x1x1x5x80xi32, #tpu.memory_space<hbm>> -> memref<5x80xi32, #tpu.memory_space<hbm>>
        tpu.enqueue_dma source(%dma_start3A_636 : memref<5x80xi32, #tpu.memory_space<hbm>>) target(%dma_start3A_632 : memref<5x80xi32, #tpu.memory_space<vmem>>) target_semaphore(%dma_start3A_628 : memref<!tpu.dma_semaphore, #tpu.memory_space<semaphore_mem>>)
        %add3A_637 = arith.constant 1 : i32
        %add3A_638 = arith.addi %div3A_538, %add3A_637 : i32
        %sub3A_639 = arith.constant 1 : i32
        %sub3A_640 = arith.subi %sub3A_639, %rem3A_542 : i32
        %dma_start3A_641 = arith.constant 1 : i32
        %dma_start3A_642 = arith.constant 1 : i32
        %dma_start3A_643 = arith.constant 1 : i32
        %dma_start3A_644 = arith.constant 0 : i32
        %dma_start3A_645 = arith.constant 0 : i32
        %dma_start3A_646 = tpu.memref_slice %arg8[%sub3A_640, %dma_start3A_642, %dma_start3A_644, %dma_start3A_645] : memref<2x2x5x80xi32, #tpu.memory_space<vmem>> -> memref<1x1x5x80xi32, #tpu.memory_space<vmem>>
        %dma_start3A_647 = tpu.memref_squeeze %dma_start3A_646 : memref<1x1x5x80xi32, #tpu.memory_space<vmem>> -> memref<5x80xi32, #tpu.memory_space<vmem>>
        %dma_start3A_648 = arith.constant 0 : i32
        %dma_start3A_649 = arith.constant 0 : i32
        %dma_start3A_650 = tpu.memref_slice %arg3[%dma_start3A_641, %add3A, %add3A_638, %dma_start3A_648, %dma_start3A_649] : memref<2x32x25x5x80xi32, #tpu.memory_space<hbm>> -> memref<1x1x1x5x80xi32, #tpu.memory_space<hbm>>
        %dma_start3A_651 = tpu.memref_squeeze %dma_start3A_650 : memref<1x1x1x5x80xi32, #tpu.memory_space<hbm>> -> memref<5x80xi32, #tpu.memory_space<hbm>>
        %dma_start3A_652 = tpu.memref_slice %arg14[%dma_start3A_643] : memref<2x!tpu.dma_semaphore, #tpu.memory_space<semaphore_mem>> -> memref<1x!tpu.dma_semaphore, #tpu.memory_space<semaphore_mem>>
        %dma_start3A_653 = tpu.memref_squeeze %dma_start3A_652 : memref<1x!tpu.dma_semaphore, #tpu.memory_space<semaphore_mem>> -> memref<!tpu.dma_semaphore, #tpu.memory_space<semaphore_mem>>
        %dma_start3A_654 = arith.constant 0 : i32
        %dma_start3A_655 = arith.constant 0 : i32
        %dma_start3A_656 = tpu.memref_slice %arg8[%sub3A_640, %dma_start3A_642, %dma_start3A_654, %dma_start3A_655] : memref<2x2x5x80xi32, #tpu.memory_space<vmem>> -> memref<1x1x5x80xi32, #tpu.memory_space<vmem>>
        %dma_start3A_657 = tpu.memref_squeeze %dma_start3A_656 : memref<1x1x5x80xi32, #tpu.memory_space<vmem>> -> memref<5x80xi32, #tpu.memory_space<vmem>>
        %dma_start3A_658 = arith.constant 0 : i32
        %dma_start3A_659 = arith.constant 0 : i32
        %dma_start3A_660 = tpu.memref_slice %arg3[%dma_start3A_641, %add3A, %add3A_638, %dma_start3A_658, %dma_start3A_659] : memref<2x32x25x5x80xi32, #tpu.memory_space<hbm>> -> memref<1x1x1x5x80xi32, #tpu.memory_space<hbm>>
        %dma_start3A_661 = tpu.memref_squeeze %dma_start3A_660 : memref<1x1x1x5x80xi32, #tpu.memory_space<hbm>> -> memref<5x80xi32, #tpu.memory_space<hbm>>
        tpu.enqueue_dma source(%dma_start3A_661 : memref<5x80xi32, #tpu.memory_space<hbm>>) target(%dma_start3A_657 : memref<5x80xi32, #tpu.memory_space<vmem>>) target_semaphore(%dma_start3A_653 : memref<!tpu.dma_semaphore, #tpu.memory_space<semaphore_mem>>)
      } else {
      }
      %eq3A_556 = arith.constant 3 : i32
      %eq3A_557 = arith.cmpi eq, %rem3A_540, %eq3A_556 : i32
      %add3A_558 = arith.constant 1 : i32
      %add3A_559 = arith.addi %div3A_538, %add3A_558 : i32
      %lt3A_560 = arith.constant 25 : i32
      %lt3A_561 = arith.cmpi slt, %add3A_559, %lt3A_560 : i32
      %and3A_562 = arith.andi %eq3A_557, %lt3A_561 : i1
      %convert_element_type3A_563 = arith.extui %and3A_562 : i1 to i32
      %cond3A_564 = arith.constant 0 : i32
      %cond3A_565 = arith.cmpi ne, %convert_element_type3A_563, %cond3A_564 : i32
      scf.if %cond3A_565 {
        %dma_wait3A_613 = arith.constant 0 : i32
        %dma_wait3A_614 = arith.constant 0 : i32
        %dma_wait3A_615 = arith.constant 0 : i32
        %dma_wait3A_616 = arith.constant 0 : i32
        %dma_wait3A_617 = arith.constant 0 : i32
        %dma_wait3A_618 = arith.constant 0 : i32
        %dma_wait3A_619 = arith.constant 0 : i32
        %dma_wait3A_620 = tpu.memref_slice %arg8[%dma_wait3A_615, %dma_wait3A_616, %dma_wait3A_618, %dma_wait3A_619] : memref<2x2x5x80xi32, #tpu.memory_space<vmem>> -> memref<1x1x5x80xi32, #tpu.memory_space<vmem>>
        %dma_wait3A_621 = tpu.memref_squeeze %dma_wait3A_620 : memref<1x1x5x80xi32, #tpu.memory_space<vmem>> -> memref<5x80xi32, #tpu.memory_space<vmem>>
        %dma_wait3A_622 = arith.constant 0 : i32
        %dma_wait3A_623 = arith.constant 0 : i32
        %dma_wait3A_624 = tpu.memref_slice %arg3[%dma_wait3A_613, %add3A, %dma_wait3A_614, %dma_wait3A_622, %dma_wait3A_623] : memref<2x32x25x5x80xi32, #tpu.memory_space<hbm>> -> memref<1x1x1x5x80xi32, #tpu.memory_space<hbm>>
        %dma_wait3A_625 = tpu.memref_squeeze %dma_wait3A_624 : memref<1x1x1x5x80xi32, #tpu.memory_space<hbm>> -> memref<5x80xi32, #tpu.memory_space<hbm>>
        %dma_wait3A_626 = tpu.memref_slice %arg14[%dma_wait3A_617] : memref<2x!tpu.dma_semaphore, #tpu.memory_space<semaphore_mem>> -> memref<1x!tpu.dma_semaphore, #tpu.memory_space<semaphore_mem>>
        %dma_wait3A_627 = tpu.memref_squeeze %dma_wait3A_626 : memref<1x!tpu.dma_semaphore, #tpu.memory_space<semaphore_mem>> -> memref<!tpu.dma_semaphore, #tpu.memory_space<semaphore_mem>>
        %dma_wait3A_628 = arith.constant 0 : i32
        %dma_wait3A_629 = arith.constant 0 : i32
        %dma_wait3A_630 = tpu.memref_slice %arg8[%dma_wait3A_615, %dma_wait3A_616, %dma_wait3A_628, %dma_wait3A_629] : memref<2x2x5x80xi32, #tpu.memory_space<vmem>> -> memref<1x1x5x80xi32, #tpu.memory_space<vmem>>
        %dma_wait3A_631 = tpu.memref_squeeze %dma_wait3A_630 : memref<1x1x5x80xi32, #tpu.memory_space<vmem>> -> memref<5x80xi32, #tpu.memory_space<vmem>>
        %dma_wait3A_632 = arith.constant 0 : i32
        %dma_wait3A_633 = arith.constant 0 : i32
        %dma_wait3A_634 = tpu.memref_slice %arg3[%dma_wait3A_613, %add3A, %dma_wait3A_614, %dma_wait3A_632, %dma_wait3A_633] : memref<2x32x25x5x80xi32, #tpu.memory_space<hbm>> -> memref<1x1x1x5x80xi32, #tpu.memory_space<hbm>>
        %dma_wait3A_635 = tpu.memref_squeeze %dma_wait3A_634 : memref<1x1x1x5x80xi32, #tpu.memory_space<hbm>> -> memref<5x80xi32, #tpu.memory_space<hbm>>
        tpu.wait_dma2 semaphore(%dma_wait3A_627 : memref<!tpu.dma_semaphore, #tpu.memory_space<semaphore_mem>>) src(%dma_wait3A_635 : memref<5x80xi32, #tpu.memory_space<hbm>>) dst(%dma_wait3A_631 : memref<5x80xi32, #tpu.memory_space<vmem>>)
        %dma_wait3A_636 = arith.constant 1 : i32
        %dma_wait3A_637 = arith.constant 0 : i32
        %dma_wait3A_638 = arith.constant 0 : i32
        %dma_wait3A_639 = arith.constant 1 : i32
        %dma_wait3A_640 = arith.constant 1 : i32
        %dma_wait3A_641 = arith.constant 0 : i32
        %dma_wait3A_642 = arith.constant 0 : i32
        %dma_wait3A_643 = tpu.memref_slice %arg8[%dma_wait3A_638, %dma_wait3A_639, %dma_wait3A_641, %dma_wait3A_642] : memref<2x2x5x80xi32, #tpu.memory_space<vmem>> -> memref<1x1x5x80xi32, #tpu.memory_space<vmem>>
        %dma_wait3A_644 = tpu.memref_squeeze %dma_wait3A_643 : memref<1x1x5x80xi32, #tpu.memory_space<vmem>> -> memref<5x80xi32, #tpu.memory_space<vmem>>
        %dma_wait3A_645 = arith.constant 0 : i32
        %dma_wait3A_646 = arith.constant 0 : i32
        %dma_wait3A_647 = tpu.memref_slice %arg3[%dma_wait3A_636, %add3A, %dma_wait3A_637, %dma_wait3A_645, %dma_wait3A_646] : memref<2x32x25x5x80xi32, #tpu.memory_space<hbm>> -> memref<1x1x1x5x80xi32, #tpu.memory_space<hbm>>
        %dma_wait3A_648 = tpu.memref_squeeze %dma_wait3A_647 : memref<1x1x1x5x80xi32, #tpu.memory_space<hbm>> -> memref<5x80xi32, #tpu.memory_space<hbm>>
        %dma_wait3A_649 = tpu.memref_slice %arg14[%dma_wait3A_640] : memref<2x!tpu.dma_semaphore, #tpu.memory_space<semaphore_mem>> -> memref<1x!tpu.dma_semaphore, #tpu.memory_space<semaphore_mem>>
        %dma_wait3A_650 = tpu.memref_squeeze %dma_wait3A_649 : memref<1x!tpu.dma_semaphore, #tpu.memory_space<semaphore_mem>> -> memref<!tpu.dma_semaphore, #tpu.memory_space<semaphore_mem>>
        %dma_wait3A_651 = arith.constant 0 : i32
        %dma_wait3A_652 = arith.constant 0 : i32
        %dma_wait3A_653 = tpu.memref_slice %arg8[%dma_wait3A_638, %dma_wait3A_639, %dma_wait3A_651, %dma_wait3A_652] : memref<2x2x5x80xi32, #tpu.memory_space<vmem>> -> memref<1x1x5x80xi32, #tpu.memory_space<vmem>>
        %dma_wait3A_654 = tpu.memref_squeeze %dma_wait3A_653 : memref<1x1x5x80xi32, #tpu.memory_space<vmem>> -> memref<5x80xi32, #tpu.memory_space<vmem>>
        %dma_wait3A_655 = arith.constant 0 : i32
        %dma_wait3A_656 = arith.constant 0 : i32
        %dma_wait3A_657 = tpu.memref_slice %arg3[%dma_wait3A_636, %add3A, %dma_wait3A_637, %dma_wait3A_655, %dma_wait3A_656] : memref<2x32x25x5x80xi32, #tpu.memory_space<hbm>> -> memref<1x1x1x5x80xi32, #tpu.memory_space<hbm>>
        %dma_wait3A_658 = tpu.memref_squeeze %dma_wait3A_657 : memref<1x1x1x5x80xi32, #tpu.memory_space<hbm>> -> memref<5x80xi32, #tpu.memory_space<hbm>>
        tpu.wait_dma2 semaphore(%dma_wait3A_650 : memref<!tpu.dma_semaphore, #tpu.memory_space<semaphore_mem>>) src(%dma_wait3A_658 : memref<5x80xi32, #tpu.memory_space<hbm>>) dst(%dma_wait3A_654 : memref<5x80xi32, #tpu.memory_space<vmem>>)
      } else {
      }
      %add3A_566 = arith.constant 2 : i32
      %add3A_567 = arith.addi %scan3A_534, %add3A_566 : i32
      %lt3A_568 = arith.constant 125 : i32
      %lt3A_569 = arith.cmpi slt, %add3A_567, %lt3A_568 : i32
      %convert_element_type3A_570 = arith.extui %lt3A_569 : i1 to i32
      %cond3A_571 = arith.constant 0 : i32
      %cond3A_572 = arith.cmpi ne, %convert_element_type3A_570, %cond3A_571 : i32
      scf.if %cond3A_572 {
        %add3A_613 = arith.constant 2 : i32
        %add3A_614 = arith.addi %scan3A_534, %add3A_613 : i32
        %div3A_615 = arith.constant 5 : i32
        %div3A_616 = arith.divsi %add3A_614, %div3A_615 : i32
        %rem3A_617 = arith.constant 2 : i32
        %rem3A_618 = arith.remsi %div3A_616, %rem3A_617 : i32
        %rem3A_619 = arith.constant 5 : i32
        %rem3A_620 = arith.remsi %add3A_614, %rem3A_619 : i32
        %dma_start3A_621 = arith.constant 0 : i32
        %dma_start3A_622 = arith.constant 0 : i32
        %dma_start3A_623 = arith.constant 0 : i32
        %dma_start3A_624 = tpu.memref_slice %arg9[%rem3A_546, %dma_start3A_622, %dma_start3A_623] : memref<4x80x128xf32, #tpu.memory_space<vmem>> -> memref<1x80x128xf32, #tpu.memory_space<vmem>>
        %dma_start3A_625 = tpu.memref_squeeze %dma_start3A_624 : memref<1x80x128xf32, #tpu.memory_space<vmem>> -> memref<80x128xf32, #tpu.memory_space<vmem>>
        %dma_start3A_626 = arith.constant 0 : i32
        %dma_start3A_627 = tpu.memref_slice %arg8[%rem3A_618, %dma_start3A_621, %rem3A_620, %dma_start3A_626] : memref<2x2x5x80xi32, #tpu.memory_space<vmem>> -> memref<1x1x1x80xi32, #tpu.memory_space<vmem>>
        %dma_start3A_628 = tpu.memref_squeeze %dma_start3A_627 : memref<1x1x1x80xi32, #tpu.memory_space<vmem>> -> memref<80xi32, #tpu.memory_space<vmem>>
        %dma_start3A_629 = arith.constant 0 : i32
        %dma_start3A_630 = arith.constant 0 : i32
        %dma_start3A_631 = tpu.memref_slice %arg2[%dma_start3A_629, %dma_start3A_630] : memref<10000x128xf32, #tpu.memory_space<hbm>> -> memref<10000x128xf32, #tpu.memory_space<hbm>>
        %dma_start3A_632 = tpu.memref_slice %arg11[%rem3A_546] : memref<4x!tpu.dma_semaphore, #tpu.memory_space<semaphore_mem>> -> memref<1x!tpu.dma_semaphore, #tpu.memory_space<semaphore_mem>>
        %dma_start3A_633 = tpu.memref_squeeze %dma_start3A_632 : memref<1x!tpu.dma_semaphore, #tpu.memory_space<semaphore_mem>> -> memref<!tpu.dma_semaphore, #tpu.memory_space<semaphore_mem>>
        tpu.enqueue_indirect_dma source(%dma_start3A_631 : memref<10000x128xf32, #tpu.memory_space<hbm>>) target(%dma_start3A_625 : memref<80x128xf32, #tpu.memory_space<vmem>>) offsets(%dma_start3A_628 : memref<80xi32, #tpu.memory_space<vmem>>) semaphore(%dma_start3A_633 : memref<!tpu.dma_semaphore, #tpu.memory_space<semaphore_mem>>)
      } else {
      }
      %div3A_573 = arith.constant 5 : i32
      %div3A_574 = arith.divsi %scan3A_534, %div3A_573 : i32
      %rem3A_575 = arith.constant 2 : i32
      %rem3A_576 = arith.remsi %div3A_574, %rem3A_575 : i32
      %rem3A_577 = arith.constant 5 : i32
      %rem3A_578 = arith.remsi %scan3A_534, %rem3A_577 : i32
      %dma_wait3A_579 = arith.constant 0 : i32
      %dma_wait3A_580 = arith.constant 0 : i32
      %dma_wait3A_581 = arith.constant 0 : i32
      %dma_wait3A_582 = tpu.memref_slice %arg9[%rem3A_536, %dma_wait3A_580, %dma_wait3A_581] : memref<4x80x128xf32, #tpu.memory_space<vmem>> -> memref<1x80x128xf32, #tpu.memory_space<vmem>>
      %dma_wait3A_583 = tpu.memref_squeeze %dma_wait3A_582 : memref<1x80x128xf32, #tpu.memory_space<vmem>> -> memref<80x128xf32, #tpu.memory_space<vmem>>
      %dma_wait3A_584 = arith.constant 0 : i32
      %dma_wait3A_585 = tpu.memref_slice %arg8[%rem3A_576, %dma_wait3A_579, %rem3A_578, %dma_wait3A_584] : memref<2x2x5x80xi32, #tpu.memory_space<vmem>> -> memref<1x1x1x80xi32, #tpu.memory_space<vmem>>
      %dma_wait3A_586 = tpu.memref_squeeze %dma_wait3A_585 : memref<1x1x1x80xi32, #tpu.memory_space<vmem>> -> memref<80xi32, #tpu.memory_space<vmem>>
      %dma_wait3A_587 = arith.constant 0 : i32
      %dma_wait3A_588 = arith.constant 0 : i32
      %dma_wait3A_589 = tpu.memref_slice %arg2[%dma_wait3A_587, %dma_wait3A_588] : memref<10000x128xf32, #tpu.memory_space<hbm>> -> memref<10000x128xf32, #tpu.memory_space<hbm>>
      %dma_wait3A_590 = tpu.memref_slice %arg11[%rem3A_536] : memref<4x!tpu.dma_semaphore, #tpu.memory_space<semaphore_mem>> -> memref<1x!tpu.dma_semaphore, #tpu.memory_space<semaphore_mem>>
      %dma_wait3A_591 = tpu.memref_squeeze %dma_wait3A_590 : memref<1x!tpu.dma_semaphore, #tpu.memory_space<semaphore_mem>> -> memref<!tpu.dma_semaphore, #tpu.memory_space<semaphore_mem>>
      tpu.wait_indirect_dma semaphore(%dma_wait3A_591 : memref<!tpu.dma_semaphore, #tpu.memory_space<semaphore_mem>>) src(%dma_wait3A_589 : memref<10000x128xf32, #tpu.memory_space<hbm>>) dst(%dma_wait3A_583 : memref<80x128xf32, #tpu.memory_space<vmem>>)
      %dma_start3A_592 = arith.constant 1 : i32
      %dma_start3A_593 = arith.constant 0 : i32
      %dma_start3A_594 = arith.constant 0 : i32
      %dma_start3A_595 = tpu.memref_slice %arg9[%rem3A_536, %dma_start3A_593, %dma_start3A_594] : memref<4x80x128xf32, #tpu.memory_space<vmem>> -> memref<1x80x128xf32, #tpu.memory_space<vmem>>
      %dma_start3A_596 = tpu.memref_squeeze %dma_start3A_595 : memref<1x80x128xf32, #tpu.memory_space<vmem>> -> memref<80x128xf32, #tpu.memory_space<vmem>>
      %dma_start3A_597 = arith.constant 0 : i32
      %dma_start3A_598 = tpu.memref_slice %arg8[%rem3A_542, %dma_start3A_592, %rem3A_540, %dma_start3A_597] : memref<2x2x5x80xi32, #tpu.memory_space<vmem>> -> memref<1x1x1x80xi32, #tpu.memory_space<vmem>>
      %dma_start3A_599 = tpu.memref_squeeze %dma_start3A_598 : memref<1x1x1x80xi32, #tpu.memory_space<vmem>> -> memref<80xi32, #tpu.memory_space<vmem>>
      %dma_start3A_600 = arith.constant 0 : i32
      %dma_start3A_601 = arith.constant 0 : i32
      %dma_start3A_602 = tpu.memref_slice %arg6[%dma_start3A_600, %dma_start3A_601] : memref<10240x128xf32, #tpu.memory_space<vmem_shared>> -> memref<10240x128xf32, #tpu.memory_space<vmem_shared>>
      %dma_start3A_603 = tpu.memref_slice %arg12[%rem3A_536] : memref<4x!tpu.dma_semaphore, #tpu.memory_space<semaphore_mem>> -> memref<1x!tpu.dma_semaphore, #tpu.memory_space<semaphore_mem>>
      %dma_start3A_604 = tpu.memref_squeeze %dma_start3A_603 : memref<1x!tpu.dma_semaphore, #tpu.memory_space<semaphore_mem>> -> memref<!tpu.dma_semaphore, #tpu.memory_space<semaphore_mem>>
      tpu.enqueue_indirect_dma source(%dma_start3A_596 : memref<80x128xf32, #tpu.memory_space<vmem>>) target(%dma_start3A_602 : memref<10240x128xf32, #tpu.memory_space<vmem_shared>>) offsets(%dma_start3A_599 : memref<80xi32, #tpu.memory_space<vmem>>) semaphore(%dma_start3A_604 : memref<!tpu.dma_semaphore, #tpu.memory_space<semaphore_mem>>) {add = true}
      %dma_start3A_605 = arith.constant 1 : i32
      %dma_start3A_606 = arith.constant 0 : i32
      %dma_start3A_607 = tpu.memref_slice %arg8[%rem3A_542, %dma_start3A_605, %rem3A_540, %dma_start3A_606] : memref<2x2x5x80xi32, #tpu.memory_space<vmem>> -> memref<1x1x1x80xi32, #tpu.memory_space<vmem>>
      %dma_start3A_608 = tpu.memref_squeeze %dma_start3A_607 : memref<1x1x1x80xi32, #tpu.memory_space<vmem>> -> memref<80xi32, #tpu.memory_space<vmem>>
      %dma_start3A_609 = arith.constant 0 : i32
      %dma_start3A_610 = tpu.memref_slice %arg7[%dma_start3A_609] : memref<10240xf32, #tpu.memory_space<vmem_shared>> -> memref<10240xf32, #tpu.memory_space<vmem_shared>>
      %dma_start3A_611 = tpu.memref_slice %arg13[%rem3A_536] : memref<4x!tpu.dma_semaphore, #tpu.memory_space<semaphore_mem>> -> memref<1x!tpu.dma_semaphore, #tpu.memory_space<semaphore_mem>>
      %dma_start3A_612 = tpu.memref_squeeze %dma_start3A_611 : memref<1x!tpu.dma_semaphore, #tpu.memory_space<semaphore_mem>> -> memref<!tpu.dma_semaphore, #tpu.memory_space<semaphore_mem>>
      tpu.enqueue_indirect_dma source(%arg10 : memref<80xf32, #tpu.memory_space<vmem>>) target(%dma_start3A_610 : memref<10240xf32, #tpu.memory_space<vmem_shared>>) offsets(%dma_start3A_608 : memref<80xi32, #tpu.memory_space<vmem>>) semaphore(%dma_start3A_612 : memref<!tpu.dma_semaphore, #tpu.memory_space<semaphore_mem>>) {add = true}
    }
    %scan3A_468 = arith.constant 125 : i32
    %dma_wait3A_469 = arith.constant 0 : i32
    %dma_wait3A_470 = arith.constant 0 : i32
    %dma_wait3A_471 = arith.constant 1 : i32
    %dma_wait3A_472 = arith.constant 0 : i32
    %dma_wait3A_473 = arith.constant 3 : i32
    %dma_wait3A_474 = arith.constant 0 : i32
    %dma_wait3A_475 = arith.constant 0 : i32
    %dma_wait3A_476 = tpu.memref_slice %arg9[%dma_wait3A_469, %dma_wait3A_474, %dma_wait3A_475] : memref<4x80x128xf32, #tpu.memory_space<vmem>> -> memref<1x80x128xf32, #tpu.memory_space<vmem>>
    %dma_wait3A_477 = tpu.memref_squeeze %dma_wait3A_476 : memref<1x80x128xf32, #tpu.memory_space<vmem>> -> memref<80x128xf32, #tpu.memory_space<vmem>>
    %dma_wait3A_478 = arith.constant 0 : i32
    %dma_wait3A_479 = tpu.memref_slice %arg8[%dma_wait3A_470, %dma_wait3A_471, %dma_wait3A_472, %dma_wait3A_478] : memref<2x2x5x80xi32, #tpu.memory_space<vmem>> -> memref<1x1x1x80xi32, #tpu.memory_space<vmem>>
    %dma_wait3A_480 = tpu.memref_squeeze %dma_wait3A_479 : memref<1x1x1x80xi32, #tpu.memory_space<vmem>> -> memref<80xi32, #tpu.memory_space<vmem>>
    %dma_wait3A_481 = arith.constant 0 : i32
    %dma_wait3A_482 = arith.constant 0 : i32
    %dma_wait3A_483 = tpu.memref_slice %arg6[%dma_wait3A_481, %dma_wait3A_482] : memref<10240x128xf32, #tpu.memory_space<vmem_shared>> -> memref<10240x128xf32, #tpu.memory_space<vmem_shared>>
    %dma_wait3A_484 = tpu.memref_slice %arg12[%dma_wait3A_473] : memref<4x!tpu.dma_semaphore, #tpu.memory_space<semaphore_mem>> -> memref<1x!tpu.dma_semaphore, #tpu.memory_space<semaphore_mem>>
    %dma_wait3A_485 = tpu.memref_squeeze %dma_wait3A_484 : memref<1x!tpu.dma_semaphore, #tpu.memory_space<semaphore_mem>> -> memref<!tpu.dma_semaphore, #tpu.memory_space<semaphore_mem>>
    tpu.wait_indirect_dma semaphore(%dma_wait3A_485 : memref<!tpu.dma_semaphore, #tpu.memory_space<semaphore_mem>>) src(%dma_wait3A_477 : memref<80x128xf32, #tpu.memory_space<vmem>>) dst(%dma_wait3A_483 : memref<10240x128xf32, #tpu.memory_space<vmem_shared>>)
    %dma_wait3A_486 = arith.constant 0 : i32
    %dma_wait3A_487 = arith.constant 1 : i32
    %dma_wait3A_488 = arith.constant 0 : i32
    %dma_wait3A_489 = arith.constant 3 : i32
    %dma_wait3A_490 = arith.constant 0 : i32
    %dma_wait3A_491 = tpu.memref_slice %arg8[%dma_wait3A_486, %dma_wait3A_487, %dma_wait3A_488, %dma_wait3A_490] : memref<2x2x5x80xi32, #tpu.memory_space<vmem>> -> memref<1x1x1x80xi32, #tpu.memory_space<vmem>>
    %dma_wait3A_492 = tpu.memref_squeeze %dma_wait3A_491 : memref<1x1x1x80xi32, #tpu.memory_space<vmem>> -> memref<80xi32, #tpu.memory_space<vmem>>
    %dma_wait3A_493 = arith.constant 0 : i32
    %dma_wait3A_494 = tpu.memref_slice %arg7[%dma_wait3A_493] : memref<10240xf32, #tpu.memory_space<vmem_shared>> -> memref<10240xf32, #tpu.memory_space<vmem_shared>>
    %dma_wait3A_495 = tpu.memref_slice %arg13[%dma_wait3A_489] : memref<4x!tpu.dma_semaphore, #tpu.memory_space<semaphore_mem>> -> memref<1x!tpu.dma_semaphore, #tpu.memory_space<semaphore_mem>>
    %dma_wait3A_496 = tpu.memref_squeeze %dma_wait3A_495 : memref<1x!tpu.dma_semaphore, #tpu.memory_space<semaphore_mem>> -> memref<!tpu.dma_semaphore, #tpu.memory_space<semaphore_mem>>
    tpu.wait_indirect_dma semaphore(%dma_wait3A_496 : memref<!tpu.dma_semaphore, #tpu.memory_space<semaphore_mem>>) src(%arg10 : memref<80xf32, #tpu.memory_space<vmem>>) dst(%dma_wait3A_494 : memref<10240xf32, #tpu.memory_space<vmem_shared>>)
    %dma_wait3A_497 = arith.constant 0 : i32
    %dma_wait3A_498 = arith.constant 0 : i32
    %dma_wait3A_499 = arith.constant 1 : i32
    %dma_wait3A_500 = arith.constant 0 : i32
    %dma_wait3A_501 = arith.constant 0 : i32
    %dma_wait3A_502 = arith.constant 0 : i32
    %dma_wait3A_503 = arith.constant 0 : i32
    %dma_wait3A_504 = tpu.memref_slice %arg9[%dma_wait3A_497, %dma_wait3A_502, %dma_wait3A_503] : memref<4x80x128xf32, #tpu.memory_space<vmem>> -> memref<1x80x128xf32, #tpu.memory_space<vmem>>
    %dma_wait3A_505 = tpu.memref_squeeze %dma_wait3A_504 : memref<1x80x128xf32, #tpu.memory_space<vmem>> -> memref<80x128xf32, #tpu.memory_space<vmem>>
    %dma_wait3A_506 = arith.constant 0 : i32
    %dma_wait3A_507 = tpu.memref_slice %arg8[%dma_wait3A_498, %dma_wait3A_499, %dma_wait3A_500, %dma_wait3A_506] : memref<2x2x5x80xi32, #tpu.memory_space<vmem>> -> memref<1x1x1x80xi32, #tpu.memory_space<vmem>>
    %dma_wait3A_508 = tpu.memref_squeeze %dma_wait3A_507 : memref<1x1x1x80xi32, #tpu.memory_space<vmem>> -> memref<80xi32, #tpu.memory_space<vmem>>
    %dma_wait3A_509 = arith.constant 0 : i32
    %dma_wait3A_510 = arith.constant 0 : i32
    %dma_wait3A_511 = tpu.memref_slice %arg6[%dma_wait3A_509, %dma_wait3A_510] : memref<10240x128xf32, #tpu.memory_space<vmem_shared>> -> memref<10240x128xf32, #tpu.memory_space<vmem_shared>>
    %dma_wait3A_512 = tpu.memref_slice %arg12[%dma_wait3A_501] : memref<4x!tpu.dma_semaphore, #tpu.memory_space<semaphore_mem>> -> memref<1x!tpu.dma_semaphore, #tpu.memory_space<semaphore_mem>>
    %dma_wait3A_513 = tpu.memref_squeeze %dma_wait3A_512 : memref<1x!tpu.dma_semaphore, #tpu.memory_space<semaphore_mem>> -> memref<!tpu.dma_semaphore, #tpu.memory_space<semaphore_mem>>
    tpu.wait_indirect_dma semaphore(%dma_wait3A_513 : memref<!tpu.dma_semaphore, #tpu.memory_space<semaphore_mem>>) src(%dma_wait3A_505 : memref<80x128xf32, #tpu.memory_space<vmem>>) dst(%dma_wait3A_511 : memref<10240x128xf32, #tpu.memory_space<vmem_shared>>)
    %dma_wait3A_514 = arith.constant 0 : i32
    %dma_wait3A_515 = arith.constant 1 : i32
    %dma_wait3A_516 = arith.constant 0 : i32
    %dma_wait3A_517 = arith.constant 0 : i32
    %dma_wait3A_518 = arith.constant 0 : i32
    %dma_wait3A_519 = tpu.memref_slice %arg8[%dma_wait3A_514, %dma_wait3A_515, %dma_wait3A_516, %dma_wait3A_518] : memref<2x2x5x80xi32, #tpu.memory_space<vmem>> -> memref<1x1x1x80xi32, #tpu.memory_space<vmem>>
    %dma_wait3A_520 = tpu.memref_squeeze %dma_wait3A_519 : memref<1x1x1x80xi32, #tpu.memory_space<vmem>> -> memref<80xi32, #tpu.memory_space<vmem>>
    %dma_wait3A_521 = arith.constant 0 : i32
    %dma_wait3A_522 = tpu.memref_slice %arg7[%dma_wait3A_521] : memref<10240xf32, #tpu.memory_space<vmem_shared>> -> memref<10240xf32, #tpu.memory_space<vmem_shared>>
    %dma_wait3A_523 = tpu.memref_slice %arg13[%dma_wait3A_517] : memref<4x!tpu.dma_semaphore, #tpu.memory_space<semaphore_mem>> -> memref<1x!tpu.dma_semaphore, #tpu.memory_space<semaphore_mem>>
    %dma_wait3A_524 = tpu.memref_squeeze %dma_wait3A_523 : memref<1x!tpu.dma_semaphore, #tpu.memory_space<semaphore_mem>> -> memref<!tpu.dma_semaphore, #tpu.memory_space<semaphore_mem>>
    tpu.wait_indirect_dma semaphore(%dma_wait3A_524 : memref<!tpu.dma_semaphore, #tpu.memory_space<semaphore_mem>>) src(%arg10 : memref<80xf32, #tpu.memory_space<vmem>>) dst(%dma_wait3A_522 : memref<10240xf32, #tpu.memory_space<vmem_shared>>)
    %barrier3A_525 = arith.constant 0 : index
    tpu.barrier barrier_id(%barrier3A_525)
    %mul3A_526 = arith.constant 640 : i32
    %mul3A_527 = arith.muli %arg1, %mul3A_526 : i32
    %mul3A_528 = arith.constant 640 : i32
    %mul3A_529 = arith.muli %arg1, %mul3A_528 : i32
    "tpu.region"() ({
      %run_scoped3A_534 = tpu.sem_alloc : memref<!tpu.dma_semaphore, #tpu.memory_space<semaphore_mem>>
      %dma_start3A_535 = arith.constant 0 : i32
      %dma_start3A_536 = tpu.memref_slice %arg4[%arg0, %mul3A_529, %dma_start3A_535] : memref<2x10240x128xf32, #tpu.memory_space<hbm>> -> memref<1x640x128xf32, #tpu.memory_space<hbm>>
      %dma_start3A_537 = tpu.memref_squeeze %dma_start3A_536 : memref<1x640x128xf32, #tpu.memory_space<hbm>> -> memref<640x128xf32, #tpu.memory_space<hbm>>
      %dma_start3A_538 = arith.constant 0 : i32
      %dma_start3A_539 = tpu.memref_slice %arg6[%mul3A_527, %dma_start3A_538] : memref<10240x128xf32, #tpu.memory_space<vmem_shared>> -> memref<640x128xf32, #tpu.memory_space<vmem_shared>>
      tpu.enqueue_dma source(%dma_start3A_539 : memref<640x128xf32, #tpu.memory_space<vmem_shared>>) target(%dma_start3A_537 : memref<640x128xf32, #tpu.memory_space<hbm>>) target_semaphore(%run_scoped3A_534 : memref<!tpu.dma_semaphore, #tpu.memory_space<semaphore_mem>>)
      %dma_wait3A_540 = arith.constant 0 : i32
      %dma_wait3A_541 = tpu.memref_slice %arg4[%arg0, %mul3A_529, %dma_wait3A_540] : memref<2x10240x128xf32, #tpu.memory_space<hbm>> -> memref<1x640x128xf32, #tpu.memory_space<hbm>>
      %dma_wait3A_542 = tpu.memref_squeeze %dma_wait3A_541 : memref<1x640x128xf32, #tpu.memory_space<hbm>> -> memref<640x128xf32, #tpu.memory_space<hbm>>
      %dma_wait3A_543 = arith.constant 0 : i32
      %dma_wait3A_544 = tpu.memref_slice %arg6[%mul3A_527, %dma_wait3A_543] : memref<10240x128xf32, #tpu.memory_space<vmem_shared>> -> memref<640x128xf32, #tpu.memory_space<vmem_shared>>
      tpu.wait_dma2 semaphore(%run_scoped3A_534 : memref<!tpu.dma_semaphore, #tpu.memory_space<semaphore_mem>>) src(%dma_wait3A_544 : memref<640x128xf32, #tpu.memory_space<vmem_shared>>) dst(%dma_wait3A_542 : memref<640x128xf32, #tpu.memory_space<hbm>>)
      tpu.yield
    }) : () -> ()
    %mul3A_530 = arith.constant 640 : i32
    %mul3A_531 = arith.muli %arg1, %mul3A_530 : i32
    %mul3A_532 = arith.constant 640 : i32
    %mul3A_533 = arith.muli %arg1, %mul3A_532 : i32
    "tpu.region"() ({
      %run_scoped3A_534 = tpu.sem_alloc : memref<!tpu.dma_semaphore, #tpu.memory_space<semaphore_mem>>
      %dma_start3A_535 = tpu.memref_slice %arg5[%arg0, %mul3A_533] : memref<2x10240xf32, #tpu.memory_space<hbm>> -> memref<1x640xf32, #tpu.memory_space<hbm>>
      %dma_start3A_536 = tpu.memref_squeeze %dma_start3A_535 : memref<1x640xf32, #tpu.memory_space<hbm>> -> memref<640xf32, #tpu.memory_space<hbm>>
      %dma_start3A_537 = tpu.memref_slice %arg7[%mul3A_531] : memref<10240xf32, #tpu.memory_space<vmem_shared>> -> memref<640xf32, #tpu.memory_space<vmem_shared>>
      tpu.enqueue_dma source(%dma_start3A_537 : memref<640xf32, #tpu.memory_space<vmem_shared>>) target(%dma_start3A_536 : memref<640xf32, #tpu.memory_space<hbm>>) target_semaphore(%run_scoped3A_534 : memref<!tpu.dma_semaphore, #tpu.memory_space<semaphore_mem>>)
      %dma_wait3A_538 = tpu.memref_slice %arg5[%arg0, %mul3A_533] : memref<2x10240xf32, #tpu.memory_space<hbm>> -> memref<1x640xf32, #tpu.memory_space<hbm>>
      %dma_wait3A_539 = tpu.memref_squeeze %dma_wait3A_538 : memref<1x640xf32, #tpu.memory_space<hbm>> -> memref<640xf32, #tpu.memory_space<hbm>>
      %dma_wait3A_540 = tpu.memref_slice %arg7[%mul3A_531] : memref<10240xf32, #tpu.memory_space<vmem_shared>> -> memref<640xf32, #tpu.memory_space<vmem_shared>>
      tpu.wait_dma2 semaphore(%run_scoped3A_534 : memref<!tpu.dma_semaphore, #tpu.memory_space<semaphore_mem>>) src(%dma_wait3A_540 : memref<640xf32, #tpu.memory_space<vmem_shared>>) dst(%dma_wait3A_539 : memref<640xf32, #tpu.memory_space<hbm>>)
      tpu.yield
    }) : () -> ()
    return
  }
}

module attributes {stable_mosaic.version = 14 : i64} {
  func.func @_combine_body(%arg0: i32, %arg1: memref<2x2048x128xf32, #tpu.memory_space<vmem>>, %arg2: memref<2x10240xf32, #tpu.memory_space<vmem>>, %arg3: memref<2048x128xf32, #tpu.memory_space<vmem>>) attributes {dimension_semantics = [#tpu.dimension_semantics<arbitrary>], iteration_bounds = array<i64: 5>, scalar_prefetch = 0 : i64, scratch_operands = 0 : i64, tpu.core_type = #tpu.core_type<tc>, window_params = [{transform_indices = @transform_0, window_bounds = array<i64: 2, 2048, 128>}, {pipeline_mode = #tpu.pipeline_mode<synchronous>, transform_indices = @transform_1, window_bounds = array<i64: 2, 10240>}, {transform_indices = @transform_2, window_bounds = array<i64: 2048, 128>}]} {
    %mul3A = arith.constant 2048 : i32
    %mul3A_0 = arith.muli %arg0, %mul3A : i32
    %get3A = arith.constant 0 : index
    %get3A_1 = arith.index_cast %mul3A_0 : i32 to index
    %get3A_2 = vector.load %arg2[%get3A, %get3A_1] : memref<2x10240xf32, #tpu.memory_space<vmem>>, vector<1x2048xf32>
    %get3A_3 = vector.shape_cast %get3A_2 : vector<1x2048xf32> to vector<2048xf32>
    %mul3A_4 = arith.constant 2048 : i32
    %mul3A_5 = arith.muli %arg0, %mul3A_4 : i32
    %get3A_6 = arith.constant 1 : index
    %get3A_7 = arith.index_cast %mul3A_5 : i32 to index
    %get3A_8 = vector.load %arg2[%get3A_6, %get3A_7] : memref<2x10240xf32, #tpu.memory_space<vmem>>, vector<1x2048xf32>
    %get3A_9 = vector.shape_cast %get3A_8 : vector<1x2048xf32> to vector<2048xf32>
    %add3A = arith.addf %get3A_3, %get3A_9 : vector<2048xf32>
    %max3A = arith.constant 1.000000e+00 : f32
    %max3A_10 = vector.broadcast %max3A : f32 to vector<2048xf32>
    %max3A_11 = arith.maximumf %add3A, %max3A_10 : vector<2048xf32>
    %div3A = arith.constant 1.000000e+00 : f32
    %div3A_12 = vector.broadcast %div3A : f32 to vector<2048xf32>
    %div3A_13 = arith.divf %div3A_12, %max3A_11 : vector<2048xf32>
    %get3A_14 = arith.constant 0 : index
    %get3A_15 = arith.constant 0 : index
    %get3A_16 = arith.constant 0 : index
    %get3A_17 = vector.load %arg1[%get3A_14, %get3A_15, %get3A_16] : memref<2x2048x128xf32, #tpu.memory_space<vmem>>, vector<1x2048x128xf32>
    %get3A_18 = vector.shape_cast %get3A_17 : vector<1x2048x128xf32> to vector<2048x128xf32>
    %get3A_19 = arith.constant 1 : index
    %get3A_20 = arith.constant 0 : index
    %get3A_21 = arith.constant 0 : index
    %get3A_22 = vector.load %arg1[%get3A_19, %get3A_20, %get3A_21] : memref<2x2048x128xf32, #tpu.memory_space<vmem>>, vector<1x2048x128xf32>
    %get3A_23 = vector.shape_cast %get3A_22 : vector<1x2048x128xf32> to vector<2048x128xf32>
    %add3A_24 = arith.addf %get3A_18, %get3A_23 : vector<2048x128xf32>
    %broadcast_in_dim3A = vector.shape_cast %div3A_13 : vector<2048xf32> to vector<2048x1xf32>
    %mul3A_25 = vector.broadcast %broadcast_in_dim3A : vector<2048x1xf32> to vector<2048x128xf32>
    %mul3A_26 = arith.mulf %add3A_24, %mul3A_25 : vector<2048x128xf32>
    %swap3A = arith.constant 0 : index
    %swap3A_27 = arith.constant 0 : index
    %swap3A_28 = vector.load %arg3[%swap3A, %swap3A_27] : memref<2048x128xf32, #tpu.memory_space<vmem>>, vector<2048x128xf32>
    tpu.vector_store %arg3[%swap3A, %swap3A_27], %mul3A_26 {strides = array<i32>} : memref<2048x128xf32, #tpu.memory_space<vmem>>, vector<2048x128xf32>,
    return
  }
  func.func @transform_0(%arg0: i32) -> (i32, i32, i32) {
    %c0_i32 = arith.constant 0 : i32
    %c0_i32_0 = arith.constant 0 : i32
    %c0_i32_1 = arith.constant 0 : i32
    return %c0_i32, %arg0, %c0_i32_0 : i32, i32, i32
  }
  func.func @transform_1(%arg0: i32) -> (i32, i32) {
    %c0_i32 = arith.constant 0 : i32
    %c0_i32_0 = arith.constant 0 : i32
    %c0_i32_1 = arith.constant 0 : i32
    return %c0_i32, %c0_i32_0 : i32, i32
  }
  func.func @transform_2(%arg0: i32) -> (i32, i32) {
    %c0_i32 = arith.constant 0 : i32
    %c0_i32_0 = arith.constant 0 : i32
    return %arg0, %c0_i32 : i32, i32
  }
}

module attributes {stable_mosaic.version = 14 : i64} {
  func.func @_final_body(%arg0: i32, %arg1: memref<2x2048x128xf32, #tpu.memory_space<vmem>>, %arg2: memref<2x10240xf32, #tpu.memory_space<vmem>>, %arg3: memref<2048x128xf32, #tpu.memory_space<vmem>>, %arg4: memref<2048x128xf32, #tpu.memory_space<vmem>>) attributes {dimension_semantics = [#tpu.dimension_semantics<arbitrary>], iteration_bounds = array<i64: 5>, scalar_prefetch = 0 : i64, scratch_operands = 0 : i64, tpu.core_type = #tpu.core_type<tc>, window_params = [{transform_indices = @transform_0, window_bounds = array<i64: 2, 2048, 128>}, {pipeline_mode = #tpu.pipeline_mode<synchronous>, transform_indices = @transform_1, window_bounds = array<i64: 2, 10240>}, {transform_indices = @transform_2, window_bounds = array<i64: 2048, 128>}, {transform_indices = @transform_3, window_bounds = array<i64: 2048, 128>}]} {
    %mul3A = arith.constant 2048 : i32
    %mul3A_0 = arith.muli %arg0, %mul3A : i32
    %get3A = arith.constant 0 : index
    %get3A_1 = arith.index_cast %mul3A_0 : i32 to index
    %get3A_2 = vector.load %arg2[%get3A, %get3A_1] : memref<2x10240xf32, #tpu.memory_space<vmem>>, vector<1x2048xf32>
    %get3A_3 = vector.shape_cast %get3A_2 : vector<1x2048xf32> to vector<2048xf32>
    %mul3A_4 = arith.constant 2048 : i32
    %mul3A_5 = arith.muli %arg0, %mul3A_4 : i32
    %get3A_6 = arith.constant 1 : index
    %get3A_7 = arith.index_cast %mul3A_5 : i32 to index
    %get3A_8 = vector.load %arg2[%get3A_6, %get3A_7] : memref<2x10240xf32, #tpu.memory_space<vmem>>, vector<1x2048xf32>
    %get3A_9 = vector.shape_cast %get3A_8 : vector<1x2048xf32> to vector<2048xf32>
    %add3A = arith.addf %get3A_3, %get3A_9 : vector<2048xf32>
    %max3A = arith.constant 1.000000e+00 : f32
    %max3A_10 = vector.broadcast %max3A : f32 to vector<2048xf32>
    %max3A_11 = arith.maximumf %add3A, %max3A_10 : vector<2048xf32>
    %div3A = arith.constant 1.000000e+00 : f32
    %div3A_12 = vector.broadcast %div3A : f32 to vector<2048xf32>
    %div3A_13 = arith.divf %div3A_12, %max3A_11 : vector<2048xf32>
    %get3A_14 = arith.constant 0 : index
    %get3A_15 = arith.constant 0 : index
    %get3A_16 = arith.constant 0 : index
    %get3A_17 = vector.load %arg1[%get3A_14, %get3A_15, %get3A_16] : memref<2x2048x128xf32, #tpu.memory_space<vmem>>, vector<1x2048x128xf32>
    %get3A_18 = vector.shape_cast %get3A_17 : vector<1x2048x128xf32> to vector<2048x128xf32>
    %get3A_19 = arith.constant 1 : index
    %get3A_20 = arith.constant 0 : index
    %get3A_21 = arith.constant 0 : index
    %get3A_22 = vector.load %arg1[%get3A_19, %get3A_20, %get3A_21] : memref<2x2048x128xf32, #tpu.memory_space<vmem>>, vector<1x2048x128xf32>
    %get3A_23 = vector.shape_cast %get3A_22 : vector<1x2048x128xf32> to vector<2048x128xf32>
    %add3A_24 = arith.addf %get3A_18, %get3A_23 : vector<2048x128xf32>
    %broadcast_in_dim3A = vector.shape_cast %div3A_13 : vector<2048xf32> to vector<2048x1xf32>
    %mul3A_25 = vector.broadcast %broadcast_in_dim3A : vector<2048x1xf32> to vector<2048x128xf32>
    %mul3A_26 = arith.mulf %add3A_24, %mul3A_25 : vector<2048x128xf32>
    %get3A_27 = arith.constant 0 : index
    %get3A_28 = arith.constant 0 : index
    %get3A_29 = vector.load %arg3[%get3A_27, %get3A_28] : memref<2048x128xf32, #tpu.memory_space<vmem>>, vector<2048x128xf32>
    %mul3A_30 = arith.mulf %get3A_29, %mul3A_26 : vector<2048x128xf32>
    %reduce_sum3A = arith.constant dense<0.000000e+00> : vector<2048xf32>
    %reduce_sum3A_31 = vector.multi_reduction <add>, %mul3A_30, %reduce_sum3A [1] : vector<2048x128xf32> to vector<2048xf32>
    %broadcast_in_dim3A_32 = vector.shape_cast %reduce_sum3A_31 : vector<2048xf32> to vector<2048x1xf32>
    %mul3A_33 = arith.mulf %get3A_29, %get3A_29 : vector<2048x128xf32>
    %reduce_sum3A_34 = arith.constant dense<0.000000e+00> : vector<2048xf32>
    %reduce_sum3A_35 = vector.multi_reduction <add>, %mul3A_33, %reduce_sum3A_34 [1] : vector<2048x128xf32> to vector<2048xf32>
    %broadcast_in_dim3A_36 = vector.shape_cast %reduce_sum3A_35 : vector<2048xf32> to vector<2048x1xf32>
    %sqrt3A = math.sqrt %broadcast_in_dim3A_36 : vector<2048x1xf32>
    %mul3A_37 = arith.mulf %mul3A_26, %mul3A_26 : vector<2048x128xf32>
    %reduce_sum3A_38 = arith.constant dense<0.000000e+00> : vector<2048xf32>
    %reduce_sum3A_39 = vector.multi_reduction <add>, %mul3A_37, %reduce_sum3A_38 [1] : vector<2048x128xf32> to vector<2048xf32>
    %broadcast_in_dim3A_40 = vector.shape_cast %reduce_sum3A_39 : vector<2048xf32> to vector<2048x1xf32>
    %sqrt3A_41 = math.sqrt %broadcast_in_dim3A_40 : vector<2048x1xf32>
    %max3A_42 = arith.constant 9.99999993E-9 : f32
    %max3A_43 = vector.broadcast %max3A_42 : f32 to vector<2048x1xf32>
    %max3A_44 = arith.maximumf %sqrt3A, %max3A_43 : vector<2048x1xf32>
    %max3A_45 = arith.constant 9.99999993E-9 : f32
    %max3A_46 = vector.broadcast %max3A_45 : f32 to vector<2048x1xf32>
    %max3A_47 = arith.maximumf %sqrt3A_41, %max3A_46 : vector<2048x1xf32>
    %mul3A_48 = arith.mulf %max3A_44, %max3A_47 : vector<2048x1xf32>
    %div3A_49 = arith.divf %broadcast_in_dim3A_32, %mul3A_48 : vector<2048x1xf32>
    %mul3A_50 = vector.broadcast %div3A_49 : vector<2048x1xf32> to vector<2048x128xf32>
    %mul3A_51 = arith.mulf %mul3A_50, %mul3A_26 : vector<2048x128xf32>
    %sub3A = arith.constant 1.000000e+00 : f32
    %sub3A_52 = vector.broadcast %sub3A : f32 to vector<2048x1xf32>
    %sub3A_53 = arith.subf %sub3A_52, %div3A_49 : vector<2048x1xf32>
    %mul3A_54 = vector.broadcast %sub3A_53 : vector<2048x1xf32> to vector<2048x128xf32>
    %mul3A_55 = arith.mulf %mul3A_54, %get3A_29 : vector<2048x128xf32>
    %add3A_56 = arith.addf %mul3A_51, %mul3A_55 : vector<2048x128xf32>
    %swap3A = arith.constant 0 : index
    %swap3A_57 = arith.constant 0 : index
    %swap3A_58 = vector.load %arg4[%swap3A, %swap3A_57] : memref<2048x128xf32, #tpu.memory_space<vmem>>, vector<2048x128xf32>
    tpu.vector_store %arg4[%swap3A, %swap3A_57], %add3A_56 {strides = array<i32>} : memref<2048x128xf32, #tpu.memory_space<vmem>>, vector<2048x128xf32>,
    return
  }
  func.func @transform_0(%arg0: i32) -> (i32, i32, i32) {
    %c0_i32 = arith.constant 0 : i32
    %c0_i32_0 = arith.constant 0 : i32
    %c0_i32_1 = arith.constant 0 : i32
    return %c0_i32, %arg0, %c0_i32_0 : i32, i32, i32
  }
  func.func @transform_1(%arg0: i32) -> (i32, i32) {
    %c0_i32 = arith.constant 0 : i32
    %c0_i32_0 = arith.constant 0 : i32
    %c0_i32_1 = arith.constant 0 : i32
    return %c0_i32, %c0_i32_0 : i32, i32
  }
  func.func @transform_2(%arg0: i32) -> (i32, i32) {
    %c0_i32 = arith.constant 0 : i32
    %c0_i32_0 = arith.constant 0 : i32
    return %arg0, %c0_i32 : i32, i32
  }
  func.func @transform_3(%arg0: i32) -> (i32, i32) {
    %c0_i32 = arith.constant 0 : i32
    %c0_i32_0 = arith.constant 0 : i32
    return %arg0, %c0_i32 : i32, i32
  }
}

</mosaic_0001>

<sc_bundles>
// kernel: kernel.6.cloned.1.call-start
scs
__scs_entry_jumppad:
0x0: {  	(pc) =	sbr.rel $0x88, $3  }
0x1: {  	(tag) =	ssettag $0x0;
	lr =	simm.s32 $0x1  }
0x2: {  	[smem:$0x3F9F] =	sst lr;
	_ =	strace $0xD0000000  }
0x3: {  	_ = 	snop  }
0x4: {  	_ = 	snop  }
0x5: {  	_ = 	snop  }
0x6: {  	_ = 	snop  }
0x7: {  	_ = 	snop  }
__scs_overlays_trampoline_lowered:
0x8: {  	[smem:$0x3FAE] =	sst s0  }
0x9: {  	[smem:$0x3FAF] =	sst s1  }
0xa: {  	[smem:$0x3FB0] =	sst s2  }
0xb: {  	[smem:$0x3FB1] =	sst s3  }
0xc: {  	[smem:$0x3FB2] =	sst s4  }
0xd: {  	[smem:$0x3FB3] =	sst s5  }
0xe: {  	[smem:$0x3FB4] =	sst s6  }
0xf: {  	[smem:$0x3FB5] =	sst s7  }
0x10: {  	[smem:$0x3FB6] =	sst s8  }
0x11: {  	[smem:$0x3FB7] =	sst s9;
	s0 =	simm.s32 @!p0 $0x0  }
0x12: {  	s1 =	sld [smem:$0x3F9D];
	s0 =	simm.s32 @p0 $0x1  }
0x13: {  	[smem:$0x3FB8] =	sst s0;
	s0 =	simm.s32 @!p1 $0x0  }
0x14: {  	s2 =	sld [smem:$0x3F9C];
	s0 =	simm.s32 @p1 $0x1  }
0x15: {  	[smem:$0x3FB9] =	sst s0;
	s0 =	simm.s32 @!p2 $0x0  }
0x16: {  	s3 =	sld [smem:$0x3FDB];
	s0 =	simm.s32 @p2 $0x1  }
0x17: {  	s4 =	simm.s32 $0x1BF5;
	[smem:$0x3FBB] =	sst s0  }
0x18: {  	s0 =	sld [smem:$0x3F9E];
	_ =	swait.ge [sflag:s4], $0x0  }
0x19: {  	s7 =	sld [smem:$0x3F9F]  }
0x1a: {  	s8 =	sadd.s32 $0xFFFFE003, lr  }
0x1b: {  	s9 =	sadd.s32 $0xFFFFFEF7, lr;
	s5 =	simm.s32 $0xFFFFFFFF;
	p2 =	slt.u32 s8, $0xFFFFF086  }
0x1c: {  	p1 =	slt.u32 s9, $0xF7A;
	s5 =	simm.s32 @!p2 $0x0  }
0x1d: {  	s5 =	simm.s32 @p1 $0x1;
	p0 =	seq.s32 s7, s2  }
0x1e: {  	s7 =	smul.u32 @!p0 $0xF7A, s2;
	p2 =	seq.s32 @!p0 s5, $0x0  }
0x1f: {  	s9 =	smul.u32 $0xF7A, s1;
	s8 =	simm.s32 @!p0 $0x1BF5;
	p2 =	por !p2, p0  }
0x20: {  	[sflag:s8] =	ssyncset.s32 @!p0 $0xFFFFF086;
	s6 =	sadd.s32 @!p0 s3, s7;
	s7 =	simm.s32 @!p0 $0x108  }
0x21: {  	s3 =	sadd.s32 s3, s9;
	s6 =	sadd.s32 @!p0 $0x88, s6;
	s7 =	simm.s32 @p2 $0x1082  }
0x22: {  	[simem:s7], [sflag:s8] =	dma.local @!p0 [hbm:s6], $0xF7A  }
0x23: {  	s9 =	sor.u32 $0xD0000000, s2;
	s6 =	simm.s32 $0x108;
	_ =	swait.ge @!p0 [sflag:s8], $0x0  }
0x24: {  	s3 =	sadd.s32 $0x88, s3;
	s6 =	simm.s32 @!p1 $0x1082;
	[sflag:s4] =	ssyncset.s32 $0xFFFFF086  }
0x25: {  	[simem:s6], [sflag:s4] =	dma.local [hbm:s3], $0xF7A  }
0x26: {  	[smem:$0x3F9F] =	sst s1;
	(tag) =	ssettag s2;
	_ =	strace s9  }
0x27: {  	s1 =	sld [smem:$0x3FAF]  }
0x28: {  	s2 =	sld [smem:$0x3FB0]  }
0x29: {  	s4 =	sld [smem:$0x3FB2]  }
0x2a: {  	p0 =	seq.s32 s5, $0x0;
	s5 =	sld [smem:$0x3FB3]  }
0x2b: {  	s6 =	sld [smem:$0x3FB4]  }
0x2c: {  	s7 =	sld [smem:$0x3FB5]  }
0x2d: {  	s3 =	simm.s32 $0x108;
	s8 =	sld [smem:$0x3FB6]  }
0x2e: {  	s3 =	simm.s32 @!p0 $0x1082;
	s9 =	sld [smem:$0x3FB7]  }
0x2f: {  	lr =	sadd.s32 s0, s3;
	s0 =	sld [smem:$0x3FAE]  }
0x30: {  	s3 =	sld [smem:$0x3FB1]  }
0x31: {  	[smem:$0x3FBA] =	sst s10  }
0x32: {  	s10 =	sld [smem:$0x3FB8];
	_ =	sdelay $0x3  }
0x33: {  	p0 =	seq.s32 s10, $0x1;
	s10 =	sld [smem:$0x3FBA];
	_ =	sdelay $0x3  }
0x34: {  	[smem:$0x3FBA] =	sst s10  }
0x35: {  	s10 =	sld [smem:$0x3FB9];
	_ =	sdelay $0x3  }
0x36: {  	p1 =	seq.s32 s10, $0x1;
	s10 =	sld [smem:$0x3FBA];
	_ =	sdelay $0x3  }
0x37: {  	[smem:$0x3FBA] =	sst s10  }
0x38: {  	s10 =	sld [smem:$0x3FBB]  }
0x39: {  	_ = 	snop;
	(pc) =	sbr.ind lr, $3  }
0x3a: {  	_ = 	snop  }
0x3b: {  	_ = 	snop  }
0x3c: {  	p2 =	seq.s32 s10, $0x1;
	s10 =	sld [smem:$0x3FBA]  }
0x3d: {  	_ =	shalt  }
0x3e: {  	_ =	shalt  }
0x3f: {  	_ =	shalt  }
0x40: {  	_ =	shalt  }
0x41: {  	_ =	shalt  }
0x42: {  	_ =	shalt  }
0x43: {  	_ =	shalt  }
0x44: {  	_ =	shalt  }
0x45: {  	_ =	shalt  }
0x46: {  	_ =	shalt  }
0x47: {  	_ =	shalt  }
0x48: {  	_ =	shalt  }
0x49: {  	_ =	shalt  }
0x4a: {  	_ =	shalt  }
0x4b: {  	_ =	shalt  }
0x4c: {  	_ =	shalt  }
0x4d: {  	_ =	shalt  }
0x4e: {  	_ =	shalt  }
0x4f: {  	_ =	shalt  }
0x50: {  	_ =	shalt  }
0x51: {  	_ =	shalt  }
0x52: {  	_ =	shalt  }
0x53: {  	_ =	shalt  }
0x54: {  	_ =	shalt  }
0x55: {  	_ =	shalt  }
0x56: {  	_ =	shalt  }
0x57: {  	_ =	shalt  }
0x58: {  	_ =	shalt  }
0x59: {  	_ =	shalt  }
0x5a: {  	_ =	shalt  }
0x5b: {  	_ =	shalt  }
0x5c: {  	_ =	shalt  }
0x5d: {  	_ =	shalt  }
0x5e: {  	_ =	shalt  }
0x5f: {  	_ =	shalt  }
0x60: {  	_ =	shalt  }
0x61: {  	_ =	shalt  }
0x62: {  	_ =	shalt  }
0x63: {  	_ =	shalt  }
0x64: {  	_ =	shalt  }
0x65: {  	_ =	shalt  }
0x66: {  	_ =	shalt  }
0x67: {  	_ =	shalt  }
0x68: {  	_ =	shalt  }
0x69: {  	_ =	shalt  }
0x6a: {  	_ =	shalt  }
0x6b: {  	_ =	shalt  }
0x6c: {  	_ =	shalt  }
0x6d: {  	_ =	shalt  }
0x6e: {  	_ =	shalt  }
0x6f: {  	_ =	shalt  }
0x70: {  	_ =	shalt  }
0x71: {  	_ =	shalt  }
0x72: {  	_ =	shalt  }
0x73: {  	_ =	shalt  }
0x74: {  	_ =	shalt  }
0x75: {  	_ =	shalt  }
0x76: {  	_ =	shalt  }
0x77: {  	_ =	shalt  }
0x78: {  	_ =	shalt  }
0x79: {  	_ =	shalt  }
0x7a: {  	_ =	shalt  }
0x7b: {  	_ =	shalt  }
0x7c: {  	_ =	shalt  }
0x7d: {  	_ =	shalt  }
0x7e: {  	_ =	shalt  }
0x7f: {  	_ =	shalt  }
0x80: {  	_ =	shalt  }
0x81: {  	_ =	shalt  }
0x82: {  	_ =	shalt  }
0x83: {  	_ =	shalt  }
0x84: {  	_ =	shalt  }
0x85: {  	_ =	shalt  }
0x86: {  	_ =	shalt  }
0x87: {  	_ =	shalt  }
.Lfunc_end0:
.L_simem_size_0:
called_computation_lowered:
.L_overlay_start_0:
0x88: {  	s2 =	sld [smem:$0x3FD9]  }
0x89: {  	s3 =	sld [smem:$0x3FFE];
	_ =	sdelay $0x1  }
0x8a: {  	s1 =	srdreg.scid  }
0x8b: {  	s0 =	sand.u32 $0x1, s1  }
0x8c: {  	s17 =	sshll.u32 s0, $0xA;
	s2 =	sadd.s32 s3, s2  }
0x8d: {  	s2 =	sadd.s32 s2, s17  }
0x8e: {  	[smem:$0x3FC6] =	sst s2  }
0x8f: {  	_ = 	snop  }
0x90: {  	s2 =	sld [smem:$0x3FC9]  }
0x91: {  	s18 =	sld [smem:$0x3FD0];
	(tm) =	ssettm $0x1  }
0x92: {  	s4 =	sld [smem:$0x3FFB];
	_ =	sdelay $0x3  }
0x93: {  	_ =	strace s4  }
0x94: {  	s4 =	sld [smem:$0x3FFC];
	_ =	sdelay $0x3  }
0x95: {  	_ =	strace s4  }
0x96: {  	s4 =	sld [smem:$0x3FFD];
	_ =	sdelay $0x3  }
0x97: {  	_ =	strace s4  }
0x98: {  	_ =	strace $0x8FFFFFFF  }
0x99: {  	s19 =	sld [smem:$0x3FDB];
	_ =	sdelay $0x1  }
0x9a: {  	s5 =	simm.s32 $_scs_section_size  }
0x9b: {  	s6 =	simm.s32 $_size__tile_overlayer_lowered;
	s7 =	simm.s32 $_tile_overlayer_lowered  }
0x9c: {  	s22 =	simm.s32 $0x1BFF;
	s21 =	sshll.u32 s7, $0x1;
	s4 =	sadd.s32 s5, s19  }
0x9d: {  	s8 =	simm.s32 $0x0;
	s20 =	sshll.u32 s6, $0x1;
	s6 =	sadd.s32 s21, s4  }
0x9e: {  	[timem:s8], [sflag:s22] =	dma.local [hbm:s6], s20  }
0x9f: {  	_ =	swait.ge [sflag:s22], s20  }
0xa0: {  	s5 =	ssub.s32 $0x0, s20;
	[sflag:s22] =	ssyncset.done $0x0  }
0xa1: {  	[sflag:s22] =	ssyncadd.s32 s5;
	_ =	sdelay $0x1  }
0xa2: {  	s23 =	simm.s32 $0x1B8B  }
0xa3: {  	_ =	swait.ge [sflag:s23], $0x1  }
0xa4: {  	[sflag:s23] =	ssyncset.done $0x0  }
0xa5: {  	s25 =	simm.s32 $0x1B8E;
	s24 =	sld [smem:$0x3FFE];
	[sflag:s23] =	ssyncadd.s32 $0xFFFFFFFF  }
0xa6: {  	s26 =	simm.s32 $execute0_lowered;
	[smem:$0x3FD2] =	sst s25  }
0xa7: {  	s6 =	sshll.u32 s26, $0x1;
	_ =	strace $0x80000046;
	[dreg:$0x1] =	wrdreg $0xFFFFFFFF  }
0xa8: {  	s28 =	simm.s32 $_size_execute0_lowered;
	s4 =	sadd.s32 s4, s6;
	[dreg:$0x0] =	wrdreg $0x0  }
0xa9: {  	s6 =	sshll.u32 s28, $0x1;
	[dreg:$0x2] =	wrdreg s4  }
0xaa: {  	[dreg:$0x3] =	wrdreg s6  }
0xab: {  	[dreg:$0x4] =	wrdreg $0xC0  }
0xac: {  	_ =	task [dreg:s8], $0x5FFFF  }
0xad: {  	[dreg:$0x1] =	wrdreg $0xFFFFFFFF  }
0xae: {  	[dreg:$0x0] =	wrdreg $0x60  }
0xaf: {  	[dreg:$0x2] =	wrdreg s2  }
0xb0: {  	[dreg:$0x3] =	wrdreg s24  }
0xb1: {  	[dreg:$0x4] =	wrdreg s18  }
0xb2: {  	[dreg:$0x5] =	wrdreg $0x0  }
0xb3: {  	[dreg:$0x6] =	wrdreg $0x140000  }
0xb4: {  	[dreg:$0x7] =	wrdreg $0x9  }
0xb5: {  	_ =	task.clear_ibuf [dreg:s8], $0x8FFFF;
	_ =	strace $0x90000046  }
0xb6: {  	s29 =	simm.s32 $0x9;
	_ =	strace $0x80000048  }
0xb7: {  	_ =	swait.ge [sflag:s29], $0x1  }
0xb8: {  	[sflag:s29] =	ssyncadd.s32 $0xFFFFFFFF  }
0xb9: {  	_ =	strace $0x90000048  }
0xba: {  	_ =	sfence  }
0xbb: {  	s30 =	sld [smem:$0x0];
	_ =	sdelay $0x2  }
0xbc: {  	s31 =	sshll.u32 s1, $0xD;
	s1 =	sshrl.u32 s1, $0x2  }
0xbd: {  	s3 =	sand.u32 $0x4000, s31;
	s1 =	sadd.s32 s1, s30  }
0xbe: {  	s0 =	sor.u32 s3, s0;
	s1 =	sshll.u32 s1, $0x11  }
0xbf: {  	s0 =	sor.u32 s1, s0  }
0xc0: {  	s0 =	sadd.s32 $0x8F2B, s0  }
0xc1: {  	[sflag:s0] =	ssyncadd.remote.s32 $0x1  }
0xc2: {  	_ =	sfence.sel $0xFFFF  }
0xc3: {  	[dreg:$0x0] =	wrdreg $0xFFFFFFFF;
	(pc) =	sbr.abs _section_cstart, $3  }
0xc4: {  	[dreg:$0x1] =	wrdreg $0xFFFFFFFF  }
0xc5: {  	_ =	task.clear_ibuf [dreg:s8], $0x2FFFF;
	_ =	strace $0x9FFFFFFF  }
0xc6: {  	(tm) =	ssettm $0x7FFFFFFF  }
0xc7: {  	_ =	shalt  }
tec
execute0_lowered:
.L_overlay_start_1:
0x0: {  	(tag) =	ssettag $0x1  }
0x1: {  	s0 =	rddreg [dreg:$0x0]  }
0x2: {  	s1 =	rddreg [dreg:$0x1]  }
0x3: {  	s3 =	rddreg [dreg:$0x2]  }
0x4: {  	s4 =	srdreg.scid;
	s2 =	rddreg [dreg:$0x3]  }
0x5: {  	s13 =	stileid.u32;
	s5 =	simm.s32 $0x0;
	s28 =	simm.s32 $0x10  }
0x6: {  	s30 =	simm.s32 $0x50;
	s29 =	simm.s32 $0x1CA80;
	s8 =	smul.u32 $0x14000, s13  }
0x7: {  	s31 =	simm.s32 $0xF;
	s7 =	sand.u32 $0x1, s4;
	s10 =	smul.u32 $0x50000, s13  }
0x8: {  	s4 =	rddreg [dreg:$0x4];
	s9 =	sshll.u32 s13, $0x1;
	s21 =	smul.u32 $0x500, s13  }
0x9: {  	[smem:$0x7FF] =	sst s5;
	s6 =	smul.u32 $0x140000, s7;
	s9 =	sor.u32 s7, s9  }
0xa: {  	_ =	strace $0x80000047;
	s26 =	ssub.s32 $0x2, s7;
	s7 =	sshll.u32 s7, $0x7  }
0xb: {  	s9 =	smul.u32 $0x6400, s9;
	s7 =	sor.u32 s7, s21;
	s6 =	sadd.s32 s8, s6  }
0xc: {  	s10 =	sshrl.u32 s10, $0x2;
	s7 =	sshrl.u32 s7, $0x3;
	s8 =	sshrl.u32 s6, $0x3  }
0xd: {  	s6 =	sadd.s32 $0x1800, s1;
	s12 =	sshrl.u32 s9, $0x3;
	s3 =	sadd.s32 s3, s7  }
0xe: {  	s1 =	sadd.s32 s8, s1;
	s12 =	sadd.s32 s6, s12;
	[dreg:$0x12] =	wrdreg s3  }
0xf: {  	s8 =	sadd.s32 s10, s2;
	[dreg:$0x6] =	wrdreg s12;
	s14 =	sadd.s32 $0x19000, s12  }
0x10: {  	s16 =	smul.u32 $0xA00, s13;
	s15 =	sadd.s32 $0x2800, s8;
	[dreg:$0x7] =	wrdreg s14  }
0x11: {  	s13 =	simm.s32 $0xE;
	s17 =	sadd.s32 $0x5000, s8;
	[dreg:$0x8] =	wrdreg s15  }
0x12: {  	s11 =	sshrl.u32 s26, $0x1;
	s18 =	sadd.s32 $0x7800, s8;
	[dreg:$0x9] =	wrdreg s17  }
0x13: {  	s11 =	ssub.s32 s26, s11;
	s19 =	sadd.s32 $0xA000, s8;
	[dreg:$0xa] =	wrdreg s18  }
0x14: {  	s10 =	sshrl.u32 s16, $0x2;
	s20 =	sadd.s32 $0xC800, s8;
	[dreg:$0xb] =	wrdreg s19  }
0x15: {  	s3 =	simm.s32 $0x1F280;
	s22 =	sadd.s32 $0xF000, s8;
	[dreg:$0xc] =	wrdreg s20  }
0x16: {  	s16 =	sadd.s32 s10, s4;
	s23 =	sadd.s32 $0x11800, s8;
	[dreg:$0xd] =	wrdreg s22  }
0x17: {  	s10 =	simm.s32 $0x5;
	s12 =	simm.s32 $0xD;
	[dreg:$0xe] =	wrdreg s23  }
.Ltmp0:
0x18: {  	s24 =	sadd.s32 $0x80, s16;
	s25 =	sadd.s32 $0x100, s16;
	(pc) =	sbr.rel .LBB2_1-.Ltmp0, $4  }
0x19: {  	s26 =	sadd.s32 $0x180, s16;
	s22 =	sadd.s32 $0x200, s16;
	[dreg:$0xf] =	wrdreg s24  }
0x1a: {  	s23 =	sadd.s32 $0x400, s9;
	s9 =	simm.s32 $0xC;
	[dreg:$0x10] =	wrdreg s25  }
0x1b: {  	s14 =	simm.s32 $0x0;
	[dreg:$0x11] =	wrdreg s26;
	s24 =	sadd.s32 $0x33800, s1  }
0x1c: {  	v0 =	vimm.f32 $0.0e+00;
	v1 =	vimm.f32 $1.000000000e+00;
	s25 =	smax.u32 s11, $0x1;
	s1 =	simm.s32 $0x8;
	s11 =	simm.s32 $0x9  }
.LBB2_11:
0x1d: {  	_ =	swait.ge [sflag:s1], $0x2800  }
0x1e: {  	[sflag:s1] =	ssyncset.done $0x0  }
0x1f: {  	[sflag:s1] =	ssyncadd.s32 $0xFFFFD800  }
0x20: {  	_ =	swait.ge [sflag:s9], $0x50  }
0x21: {  	[sflag:s9] =	ssyncset.done $0x0  }
0x22: {  	[sflag:s9] =	ssyncadd.s32 $0xFFFFFFB0  }
0x23: {  	_ =	swait.ge [sflag:s10], $0x2800  }
0x24: {  	[sflag:s10] =	ssyncset.done $0x0  }
0x25: {  	[sflag:s10] =	ssyncadd.s32 $0xFFFFD800  }
0x26: {  	_ =	swait.ge [sflag:s11], $0x50  }
0x27: {  	s7 =	stileid.u32;
	[sflag:s11] =	ssyncset.done $0x0  }
0x28: {  	s15 =	sshrl.u32 s8, $0x3;
	s7 =	sshll.u32 s7, $0x6;
	[sflag:s11] =	ssyncadd.s32 $0xFFFFFFB0  }
0x29: {  	s26 =	sshrl.u32 s16, $0x3;
	s7 =	sor.u32 $0x1C10, s7;
	[bflag:$0x0] =	sbarrier.arrive $0xFFFF  }
0x2a: {  	[hbm:s24], [sflag:s7] =	dma.local [spmem:s15], $0x2800  }
0x2b: {  	s18 =	simm.s32 $0x1;
	s14 =	sadd.s32 $0x1, s14;
	_ =	swait.ge [sflag:s28], $0x2800  }
0x2c: {  	s19 =	simm.s32 $0x20;
	p0 =	sne.s32 s14, s25;
	[sflag:s28] =	ssyncset.done $0x0  }
.Ltmp1:
0x2d: {  	s17 =	rddreg [dreg:$0x12];
	[sflag:s28] =	ssyncadd.s32 $0xFFFFD800;
	(pc) =	sbr.rel @!p0 .LBB2_12-.Ltmp1, $4  }
0x2e: {  	[hbm:s17@s19], [sflag:s7] =	dma.strided [spmem:s26@s28], $0x50, s18, $0x10   }
0x2f: {  	_ =	swait.ge [sflag:s28], $0x50  }
0x30: {  	[sflag:s28] =	ssyncset.done $0x0  }
0x31: {  	[sflag:s28] =	ssyncadd.s32 $0xFFFFFFB0  }
.LBB2_1:
0x32: {  	s7 =	rddreg [dreg:$0x6];
	s15 =	simm.s32 $0x14280  }
0x33: {  	[tilespmem:s15], [sflag:$0x10] =	stream.linear.gather [hbm4b:s7+s5], $0x280, $0x38;
	[tilespmem:$0x1F300] =	vst v63  }
0x34: {  	_ =	swait.ge [sflag:s28], $0x280  }
0x35: {  	[sflag:s28] =	ssyncset.done $0x0  }
0x36: {  	s17 =	simm.s32 $0x14680;
	s19 =	rddreg [dreg:$0x7];
	[sflag:s28] =	ssyncadd.s32 $0xFFFFFD80  }
0x37: {  	[tilespmem:s17], [sflag:$0x10] =	stream.linear.gather [hbm4b:s19+s5], $0x280, $0x38;
	[tilespmem:$0x1F300] =	vst v63  }
0x38: {  	_ =	swait.ge [sflag:s28], $0x280  }
0x39: {  	[sflag:s28] =	ssyncset.done $0x0  }
0x3a: {  	s20 =	simm.s32 $0x15280;
	s21 =	simm.s32 $0x14300;
	[sflag:s28] =	ssyncadd.s32 $0xFFFFFD80  }
0x3b: {  	[tilespmem:s20], [sflag:$0x1] =	stream.indirect.gather [hbm4b:s0+s30], $0x80, s15, s30, $0xb8;
	[tilespmem:$0x1F300] =	vst v63  }
0x3c: {  	s26 =	simm.s32 $0x17A80;
	s7 =	simm.s32 $0x0;
	s15 =	simm.s32 $0x200  }
0x3d: {  	[tilespmem:s26], [sflag:$0x2] =	stream.indirect.gather [hbm4b:s0+s30], $0x80, s21, s30, $0xb8;
	[tilespmem:$0x1F300] =	vst v63  }
.LBB2_2:
0x3e: {  	p0 =	sne.s32 s15, $0x9E00;
	[tilespmem:s7+$0x1CAF0] =	vst v0  }
0x3f: {  	[tilespmem:s7+$0x1CA80] =	vst v0  }
0x40: {  	[tilespmem:s7+$0x1CA90] =	vst v0  }
.Ltmp2:
0x41: {  	[tilespmem:s7+$0x1CAA0] =	vst v0;
	(pc) =	sbr.rel @p0 .LBB2_2-.Ltmp2, $4  }
0x42: {  	[tilespmem:s7+$0x1CAB0] =	vst v0  }
0x43: {  	[tilespmem:s7+$0x1CAC0] =	vst v0  }
0x44: {  	[tilespmem:s7+$0x1CAD0] =	vst v0  }
0x45: {  	[tilespmem:s7+$0x1CAE0] =	vst v0;
	s7 =	sshra.s32 s15, $0x2;
	s15 =	sadd.s32 $0x200, s15  }
0x46: {  	[tilespmem:s7+$0x1CAF0] =	vst v0  }
0x47: {  	[tilespmem:s7+$0x1CA80] =	vst v0  }
0x48: {  	[tilespmem:s7+$0x1CA90] =	vst v0  }
0x49: {  	[tilespmem:s7+$0x1CAA0] =	vst v0  }
0x4a: {  	[tilespmem:s7+$0x1CAB0] =	vst v0  }
0x4b: {  	[tilespmem:s7+$0x1CAC0] =	vst v0  }
0x4c: {  	[tilespmem:s7+$0x1CAD0] =	vst v0  }
0x4d: {  	[tilespmem:s7+$0x1CAE0] =	vst v0  }
0x4e: {  	[tilespmem:$0x1F280] =	vst v1  }
0x4f: {  	[tilespmem:$0x1F290] =	vst v1  }
0x50: {  	[tilespmem:$0x1F2A0] =	vst v1  }
0x51: {  	[tilespmem:$0x1F2B0] =	vst v1  }
0x52: {  	[tilespmem:$0x1F2C0] =	vst v1  }
0x53: {  	[spmem:s8] =	stream.linear.scatter [tilespmem:s29], [sflag:$0xF], $0x2800, $0x38;
	[tilespmem:$0x1F300] =	vst v63  }
0x54: {  	s20 =	rddreg [dreg:$0x8]  }
0x55: {  	[spmem:s20] =	stream.linear.scatter [tilespmem:s29], [sflag:$0xF], $0x2800, $0x38;
	[tilespmem:$0x1F300] =	vst v63  }
0x56: {  	s21 =	rddreg [dreg:$0x9]  }
0x57: {  	[spmem:s21] =	stream.linear.scatter [tilespmem:s29], [sflag:$0xF], $0x2800, $0x38;
	[tilespmem:$0x1F300] =	vst v63  }
0x58: {  	s26 =	rddreg [dreg:$0xa]  }
0x59: {  	[spmem:s26] =	stream.linear.scatter [tilespmem:s29], [sflag:$0xF], $0x2800, $0x38;
	[tilespmem:$0x1F300] =	vst v63  }
0x5a: {  	s15 =	rddreg [dreg:$0xb]  }
0x5b: {  	[spmem:s15] =	stream.linear.scatter [tilespmem:s29], [sflag:$0xF], $0x2800, $0x38;
	[tilespmem:$0x1F300] =	vst v63  }
0x5c: {  	s17 =	rddreg [dreg:$0xc]  }
0x5d: {  	[spmem:s17] =	stream.linear.scatter [tilespmem:s29], [sflag:$0xF], $0x2800, $0x38;
	[tilespmem:$0x1F300] =	vst v63  }
0x5e: {  	s18 =	rddreg [dreg:$0xd]  }
0x5f: {  	[spmem:s18] =	stream.linear.scatter [tilespmem:s29], [sflag:$0xF], $0x2800, $0x38;
	[tilespmem:$0x1F300] =	vst v63  }
0x60: {  	s19 =	rddreg [dreg:$0xe]  }
0x61: {  	[spmem:s19] =	stream.linear.scatter [tilespmem:s29], [sflag:$0xF], $0x2800, $0x38;
	[tilespmem:$0x1F300] =	vst v63  }
0x62: {  	_ = 	snop  }
0x63: {  	[spmem:s16] =	stream.linear.scatter [tilespmem:s29], [sflag:$0xF], $0x80, $0x38;
	[tilespmem:$0x1F300] =	vst v63  }
0x64: {  	s20 =	rddreg [dreg:$0xf]  }
0x65: {  	[spmem:s20] =	stream.linear.scatter [tilespmem:s29], [sflag:$0xF], $0x80, $0x38;
	[tilespmem:$0x1F300] =	vst v63  }
0x66: {  	s21 =	rddreg [dreg:$0x10]  }
0x67: {  	[spmem:s21] =	stream.linear.scatter [tilespmem:s29], [sflag:$0xF], $0x80, $0x38;
	[tilespmem:$0x1F300] =	vst v63  }
0x68: {  	s26 =	rddreg [dreg:$0x11]  }
0x69: {  	[spmem:s26] =	stream.linear.scatter [tilespmem:s29], [sflag:$0xF], $0x80, $0x38;
	[tilespmem:$0x1F300] =	vst v63  }
0x6a: {  	_ = 	snop  }
0x6b: {  	[spmem:s22] =	stream.linear.scatter [tilespmem:s29], [sflag:$0xF], $0x80, $0x38;
	[tilespmem:$0x1F300] =	vst v63  }
0x6c: {  	_ =	swait.ge [sflag:s31], $0x2800  }
0x6d: {  	[sflag:s31] =	ssyncset.done $0x0  }
0x6e: {  	[sflag:s31] =	ssyncadd.s32 $0xFFFFD800  }
0x6f: {  	_ =	swait.ge [sflag:s31], $0x2800  }
0x70: {  	[sflag:s31] =	ssyncset.done $0x0  }
0x71: {  	[sflag:s31] =	ssyncadd.s32 $0xFFFFD800  }
0x72: {  	_ =	swait.ge [sflag:s31], $0x2800  }
0x73: {  	[sflag:s31] =	ssyncset.done $0x0  }
0x74: {  	[sflag:s31] =	ssyncadd.s32 $0xFFFFD800  }
0x75: {  	_ =	swait.ge [sflag:s31], $0x2800  }
0x76: {  	[sflag:s31] =	ssyncset.done $0x0  }
0x77: {  	[sflag:s31] =	ssyncadd.s32 $0xFFFFD800  }
0x78: {  	_ =	swait.ge [sflag:s31], $0x2800  }
0x79: {  	[sflag:s31] =	ssyncset.done $0x0  }
0x7a: {  	[sflag:s31] =	ssyncadd.s32 $0xFFFFD800  }
0x7b: {  	_ =	swait.ge [sflag:s31], $0x2800  }
0x7c: {  	[sflag:s31] =	ssyncset.done $0x0  }
0x7d: {  	[sflag:s31] =	ssyncadd.s32 $0xFFFFD800  }
0x7e: {  	_ =	swait.ge [sflag:s31], $0x2800  }
0x7f: {  	[sflag:s31] =	ssyncset.done $0x0  }
0x80: {  	[sflag:s31] =	ssyncadd.s32 $0xFFFFD800  }
0x81: {  	_ =	swait.ge [sflag:s31], $0x2800  }
0x82: {  	[sflag:s31] =	ssyncset.done $0x0  }
0x83: {  	[sflag:s31] =	ssyncadd.s32 $0xFFFFD800  }
0x84: {  	_ =	swait.ge [sflag:s31], $0x80  }
0x85: {  	[sflag:s31] =	ssyncset.done $0x0  }
0x86: {  	[sflag:s31] =	ssyncadd.s32 $0xFFFFFF80  }
0x87: {  	_ =	swait.ge [sflag:s31], $0x80  }
0x88: {  	[sflag:s31] =	ssyncset.done $0x0  }
0x89: {  	[sflag:s31] =	ssyncadd.s32 $0xFFFFFF80  }
0x8a: {  	_ =	swait.ge [sflag:s31], $0x80  }
0x8b: {  	[sflag:s31] =	ssyncset.done $0x0  }
0x8c: {  	[sflag:s31] =	ssyncadd.s32 $0xFFFFFF80  }
0x8d: {  	_ =	swait.ge [sflag:s31], $0x80  }
0x8e: {  	[sflag:s31] =	ssyncset.done $0x0  }
0x8f: {  	[sflag:s31] =	ssyncadd.s32 $0xFFFFFF80  }
0x90: {  	_ =	swait.ge [sflag:s31], $0x80  }
0x91: {  	[sflag:s31] =	ssyncset.done $0x0  }
0x92: {  	[sflag:s31] =	ssyncadd.s32 $0xFFFFFF80  }
0x93: {  	s7 =	simm.s32 $0x2;
	[bflag:$0x0] =	sbarrier.arrive $0xFFFF  }
.LBB2_4:
0x94: {  	s15 =	sadd.s32 $0xFFFFFFFE, s7  }
0x95: {  	s17 =	smul.u32 $0xCD, s15;
	_ =	sdelay $0x1  }
0x96: {  	s19 =	sshrl.u32 s17, $0xA  }
0x97: {  	s18 =	sand.u32 $0x3, s7;
	p0 =	slt.u32 s15, $0x2;
	s20 =	sand.u32 $0x3F, s19  }
0x98: {  	s21 =	sadd.s32 @!p0 $0x5, s18;
	s26 =	smul.u32 $0x5, s20  }
0x99: {  	_ =	swait.ge @!p0 [sflag:s21], $0x2800  }
0x9a: {  	p1 =	sgt.u32 s15, $0x77;
	[sflag:s21] =	ssyncset.done @!p0 $0x0;
	s17 =	ssub.s32 s15, s26  }
0x9b: {  	[sflag:s21] =	ssyncadd.s32 @!p0 $0xFFFFD800;
	s21 =	sand.u32 @!p1 $0xFF, s17  }
0x9c: {  	p2 =	sne.s32 @!p1 s21, $0x2  }
0x9d: {  	p2 =	por p1, p2  }
.Ltmp3:
0x9e: {  	_ = 	snop;
	(pc) =	sbr.rel @p2 .LBB2_6-.Ltmp3, $4  }
0x9f: {  	s26 =	sadd.s32 @!p0 $0x9, s18  }
0xa0: {  	_ =	swait.ge @!p0 [sflag:s26], $0x50  }
0xa1: {  	s19 =	sand.u32 $0x1, s19;
	[sflag:s26] =	ssyncset.done @!p0 $0x0  }
0xa2: {  	s19 =	sshll.u32 s19, $0xB;
	[sflag:s26] =	ssyncadd.s32 @!p0 $0xFFFFFFB0  }
0xa3: {  	s20 =	sshll.u32 s20, $0xA  }
0xa4: {  	s20 =	sadd.s32 s20, s23  }
.Ltmp4:
0xa5: {  	s20 =	sshrl.u32 s20, $0x3;
	(pc) =	sbr.rel .LBB2_9-.Ltmp4, $4  }
0xa6: {  	s21 =	sxor.u32 $0x14A80, s19;
	s20 =	sadd.s32 s6, s20  }
0xa7: {  	[tilespmem:s21], [sflag:$0xD] =	stream.linear.gather [hbm4b:s20+s5], $0x280, $0x38;
	[tilespmem:$0x1F300] =	vst v63  }
0xa8: {  	s26 =	sxor.u32 $0x14E80, s19;
	s20 =	sadd.s32 $0x19000, s20  }
0xa9: {  	[tilespmem:s26], [sflag:$0xE] =	stream.linear.gather [hbm4b:s20+s5], $0x280, $0x38;
	[tilespmem:$0x1F300] =	vst v63  }
.LBB2_6:
0xaa: {  	p0 =	sne.s32 @!p1 s21, $0x3  }
0xab: {  	p0 =	por p1, p0  }
.Ltmp5:
0xac: {  	_ = 	snop;
	(pc) =	sbr.rel @p0 .LBB2_8-.Ltmp5, $1  }
0xad: {  	_ =	sdelay $0x3  }
0xae: {  	_ =	swait.ge [sflag:s12], $0x280  }
0xaf: {  	[sflag:s12] =	ssyncset.done $0x0  }
0xb0: {  	[sflag:s12] =	ssyncadd.s32 $0xFFFFFD80  }
0xb1: {  	_ =	swait.ge [sflag:s13], $0x280  }
0xb2: {  	[sflag:s13] =	ssyncset.done $0x0  }
0xb3: {  	[sflag:s13] =	ssyncadd.s32 $0xFFFFFD80  }
.LBB2_9:
0xb4: {  	s20 =	smul.u32 $0xCD, s7;
	_ =	sdelay $0x1  }
0xb5: {  	s21 =	sshrl.u32 s20, $0xA  }
0xb6: {  	s21 =	sand.u32 $0x3F, s21  }
0xb7: {  	s21 =	smul.u32 $0x5, s21;
	_ =	sdelay $0x1  }
0xb8: {  	s21 =	ssub.s32 s7, s21  }
0xb9: {  	s26 =	smul.u32 $0xA000, s18;
	s20 =	sshll.u32 s20, $0x1;
	s21 =	sand.u32 $0xFF, s21  }
0xba: {  	s20 =	sand.u32 $0x800, s20;
	s21 =	sshll.u32 s21, $0x7  }
0xbb: {  	s26 =	sshrl.u32 s26, $0x2;
	s20 =	sor.u32 s21, s20  }
0xbc: {  	s21 =	sadd.s32 $0x15280, s26;
	s26 =	sadd.s32 $0x1, s18;
	s20 =	sadd.s32 $0x14280, s20  }
0xbd: {  	[tilespmem:s21], [sflag:s26] =	stream.indirect.gather [hbm4b:s0+s30], $0x80, s20, s30, $0xb8;
	[tilespmem:$0x1F300] =	vst v63  }
.LBB2_10:
0xbe: {  	s15 =	sand.u32 $0x3, s15;
	s17 =	sand.u32 $0xFF, s17  }
0xbf: {  	s7 =	sadd.s32 $0x1, s7;
	s18 =	smul.u32 $0xA000, s15;
	s20 =	sadd.s32 $0x1, s15  }
0xc0: {  	s17 =	sshll.u32 s17, $0x7;
	s26 =	sadd.s32 $0x5, s15;
	p0 =	sne.s32 s7, $0x7F  }
0xc1: {  	_ =	swait.ge [sflag:s20], $0x2800;
	s17 =	sadd.s32 s17, s19;
	s18 =	sshrl.u32 s18, $0x2  }
.Ltmp6:
0xc2: {  	[sflag:s20] =	ssyncset.done $0x0;
	s17 =	sadd.s32 $0x14680, s17;
	(pc) =	sbr.rel @p0 .LBB2_4-.Ltmp6, $4  }
.Ltmp7:
0xc3: {  	s18 =	sadd.s32 $0x15280, s18;
	[sflag:s20] =	ssyncadd.s32 $0xFFFFD800;
	(pc) =	sbr.rel @!p0 .LBB2_11-.Ltmp7, $4  }
0xc4: {  	[spmem:s2] =	stream.indirect.scatter.add.f32 [tilespmem:s18], [sflag:s26], $0x80, s17, s30, $0xb8;
	[tilespmem:$0x1F300] =	vst v63  }
0xc5: {  	s15 =	sadd.s32 $0x9, s15  }
0xc6: {  	[spmem:s4] =	stream.indirect.scatter.add.f32 [tilespmem:s3], [sflag:s15], $0x1, s17, s30, $0xb8;
	[tilespmem:$0x1F300] =	vst v63  }
0xc7: {  	_ = 	snop  }
.LBB2_8:
0xc8: {  	p0 =	sgt.u32 s15, $0x7A  }
.Ltmp8:
0xc9: {  	_ = 	snop;
	(pc) =	sbr.rel @p0 .LBB2_10-.Ltmp8, $4  }
.Ltmp9:
0xca: {  	_ = 	snop;
	(pc) =	sbr.rel @!p0 .LBB2_9-.Ltmp9, $4  }
0xcb: {  	_ = 	snop  }
0xcc: {  	_ = 	snop  }
0xcd: {  	_ = 	snop  }
0xce: {  	_ = 	snop  }
.LBB2_12:
0xcf: {  	_ =	sfence.sel $0x180000  }
0xd0: {  	[bflag:$0x0] =	sbarrier.arrive $0xFFFF  }
0xd1: {  	_ =	strace $0x90000047  }
0xd2: {  	s0 =	stileid.u32;
	[bflag:$0x2] =	sbarrier.arrive $0xFFFF  }
0xd3: {  	p0 =	sne.s32 s0, $0x0;
	s0 =	rddreg [dreg:$0x5]  }
0xd4: {  	s0 =	sadd.s32 @!p0 $0x100000, s0  }
0xd5: {  	[sflag:s0] =	ssyncadd.tile.s32 @!p0 $0x1;
	_ =	shalt  }
.Lfunc_end2:
_tile_overlayer_lowered:
.L_overlay_start_2:
0xd6: {  	(tag) =	ssettag $0x2  }
0xd7: {  	s0 =	rddreg [dreg:$0x0];
	s2 =	stileid.u32  }
0xd8: {  	s1 =	rddreg [dreg:$0x1];
	p0 =	sne.s32 s2, $0x0  }
0xd9: {  	s3 =	rddreg [dreg:$0x2];
	[bflag:$0x3] =	sbarrier.arrive $0xFFFF;
	s2 =	simm.s32 @!p0 $0x1C10  }
0xda: {  	[timem:s3], [sflag:s2] =	dma.local @!p0 [hbm:s0], s1  }
0xdb: {  	s0 =	simm.s32 @!p0 $0x10  }
0xdc: {  	_ =	swait.ge @!p0 [sflag:s0], s1  }
0xdd: {  	s1 =	ssub.s32 @!p0 $0x0, s1;
	[sflag:s0] =	ssyncset.done @!p0 $0x0  }
0xde: {  	[sflag:s0] =	ssyncadd.s32 @!p0 s1  }
0xdf: {  	[bflag:$0x3] =	sbarrier.arrive $0xFFFF  }
0xe0: {  	_ =	shalt  }

// kernel: kernel.9.cloned.1.call-start
scs
__scs_entry_jumppad:
0x0: {  	(pc) =	sbr.rel $0x88, $3  }
0x1: {  	(tag) =	ssettag $0x0;
	lr =	simm.s32 $0x1  }
0x2: {  	[smem:$0x3F9F] =	sst lr;
	_ =	strace $0xD0000000  }
0x3: {  	_ = 	snop  }
0x4: {  	_ = 	snop  }
0x5: {  	_ = 	snop  }
0x6: {  	_ = 	snop  }
0x7: {  	_ = 	snop  }
__scs_overlays_trampoline_lowered:
0x8: {  	[smem:$0x3FAE] =	sst s0  }
0x9: {  	[smem:$0x3FAF] =	sst s1  }
0xa: {  	[smem:$0x3FB0] =	sst s2  }
0xb: {  	[smem:$0x3FB1] =	sst s3  }
0xc: {  	[smem:$0x3FB2] =	sst s4  }
0xd: {  	[smem:$0x3FB3] =	sst s5  }
0xe: {  	[smem:$0x3FB4] =	sst s6  }
0xf: {  	[smem:$0x3FB5] =	sst s7  }
0x10: {  	[smem:$0x3FB6] =	sst s8  }
0x11: {  	[smem:$0x3FB7] =	sst s9;
	s0 =	simm.s32 @!p0 $0x0  }
0x12: {  	s1 =	sld [smem:$0x3F9D];
	s0 =	simm.s32 @p0 $0x1  }
0x13: {  	[smem:$0x3FB8] =	sst s0;
	s0 =	simm.s32 @!p1 $0x0  }
0x14: {  	s2 =	sld [smem:$0x3F9C];
	s0 =	simm.s32 @p1 $0x1  }
0x15: {  	[smem:$0x3FB9] =	sst s0;
	s0 =	simm.s32 @!p2 $0x0  }
0x16: {  	s3 =	sld [smem:$0x3FDB];
	s0 =	simm.s32 @p2 $0x1  }
0x17: {  	s4 =	simm.s32 $0x1BF5;
	[smem:$0x3FBB] =	sst s0  }
0x18: {  	s0 =	sld [smem:$0x3F9E];
	_ =	swait.ge [sflag:s4], $0x0  }
0x19: {  	s7 =	sld [smem:$0x3F9F]  }
0x1a: {  	s8 =	sadd.s32 $0xFFFFE003, lr  }
0x1b: {  	s9 =	sadd.s32 $0xFFFFFEF7, lr;
	s5 =	simm.s32 $0xFFFFFFFF;
	p2 =	slt.u32 s8, $0xFFFFF086  }
0x1c: {  	p1 =	slt.u32 s9, $0xF7A;
	s5 =	simm.s32 @!p2 $0x0  }
0x1d: {  	s5 =	simm.s32 @p1 $0x1;
	p0 =	seq.s32 s7, s2  }
0x1e: {  	s7 =	smul.u32 @!p0 $0xF7A, s2;
	p2 =	seq.s32 @!p0 s5, $0x0  }
0x1f: {  	s9 =	smul.u32 $0xF7A, s1;
	s8 =	simm.s32 @!p0 $0x1BF5;
	p2 =	por !p2, p0  }
0x20: {  	[sflag:s8] =	ssyncset.s32 @!p0 $0xFFFFF086;
	s6 =	sadd.s32 @!p0 s3, s7;
	s7 =	simm.s32 @!p0 $0x108  }
0x21: {  	s3 =	sadd.s32 s3, s9;
	s6 =	sadd.s32 @!p0 $0x88, s6;
	s7 =	simm.s32 @p2 $0x1082  }
0x22: {  	[simem:s7], [sflag:s8] =	dma.local @!p0 [hbm:s6], $0xF7A  }
0x23: {  	s9 =	sor.u32 $0xD0000000, s2;
	s6 =	simm.s32 $0x108;
	_ =	swait.ge @!p0 [sflag:s8], $0x0  }
0x24: {  	s3 =	sadd.s32 $0x88, s3;
	s6 =	simm.s32 @!p1 $0x1082;
	[sflag:s4] =	ssyncset.s32 $0xFFFFF086  }
0x25: {  	[simem:s6], [sflag:s4] =	dma.local [hbm:s3], $0xF7A  }
0x26: {  	[smem:$0x3F9F] =	sst s1;
	(tag) =	ssettag s2;
	_ =	strace s9  }
0x27: {  	s1 =	sld [smem:$0x3FAF]  }
0x28: {  	s2 =	sld [smem:$0x3FB0]  }
0x29: {  	s4 =	sld [smem:$0x3FB2]  }
0x2a: {  	p0 =	seq.s32 s5, $0x0;
	s5 =	sld [smem:$0x3FB3]  }
0x2b: {  	s6 =	sld [smem:$0x3FB4]  }
0x2c: {  	s7 =	sld [smem:$0x3FB5]  }
0x2d: {  	s3 =	simm.s32 $0x108;
	s8 =	sld [smem:$0x3FB6]  }
0x2e: {  	s3 =	simm.s32 @!p0 $0x1082;
	s9 =	sld [smem:$0x3FB7]  }
0x2f: {  	lr =	sadd.s32 s0, s3;
	s0 =	sld [smem:$0x3FAE]  }
0x30: {  	s3 =	sld [smem:$0x3FB1]  }
0x31: {  	[smem:$0x3FBA] =	sst s10  }
0x32: {  	s10 =	sld [smem:$0x3FB8];
	_ =	sdelay $0x3  }
0x33: {  	p0 =	seq.s32 s10, $0x1;
	s10 =	sld [smem:$0x3FBA];
	_ =	sdelay $0x3  }
0x34: {  	[smem:$0x3FBA] =	sst s10  }
0x35: {  	s10 =	sld [smem:$0x3FB9];
	_ =	sdelay $0x3  }
0x36: {  	p1 =	seq.s32 s10, $0x1;
	s10 =	sld [smem:$0x3FBA];
	_ =	sdelay $0x3  }
0x37: {  	[smem:$0x3FBA] =	sst s10  }
0x38: {  	s10 =	sld [smem:$0x3FBB]  }
0x39: {  	_ = 	snop;
	(pc) =	sbr.ind lr, $3  }
0x3a: {  	_ = 	snop  }
0x3b: {  	_ = 	snop  }
0x3c: {  	p2 =	seq.s32 s10, $0x1;
	s10 =	sld [smem:$0x3FBA]  }
0x3d: {  	_ =	shalt  }
0x3e: {  	_ =	shalt  }
0x3f: {  	_ =	shalt  }
0x40: {  	_ =	shalt  }
0x41: {  	_ =	shalt  }
0x42: {  	_ =	shalt  }
0x43: {  	_ =	shalt  }
0x44: {  	_ =	shalt  }
0x45: {  	_ =	shalt  }
0x46: {  	_ =	shalt  }
0x47: {  	_ =	shalt  }
0x48: {  	_ =	shalt  }
0x49: {  	_ =	shalt  }
0x4a: {  	_ =	shalt  }
0x4b: {  	_ =	shalt  }
0x4c: {  	_ =	shalt  }
0x4d: {  	_ =	shalt  }
0x4e: {  	_ =	shalt  }
0x4f: {  	_ =	shalt  }
0x50: {  	_ =	shalt  }
0x51: {  	_ =	shalt  }
0x52: {  	_ =	shalt  }
0x53: {  	_ =	shalt  }
0x54: {  	_ =	shalt  }
0x55: {  	_ =	shalt  }
0x56: {  	_ =	shalt  }
0x57: {  	_ =	shalt  }
0x58: {  	_ =	shalt  }
0x59: {  	_ =	shalt  }
0x5a: {  	_ =	shalt  }
0x5b: {  	_ =	shalt  }
0x5c: {  	_ =	shalt  }
0x5d: {  	_ =	shalt  }
0x5e: {  	_ =	shalt  }
0x5f: {  	_ =	shalt  }
0x60: {  	_ =	shalt  }
0x61: {  	_ =	shalt  }
0x62: {  	_ =	shalt  }
0x63: {  	_ =	shalt  }
0x64: {  	_ =	shalt  }
0x65: {  	_ =	shalt  }
0x66: {  	_ =	shalt  }
0x67: {  	_ =	shalt  }
0x68: {  	_ =	shalt  }
0x69: {  	_ =	shalt  }
0x6a: {  	_ =	shalt  }
0x6b: {  	_ =	shalt  }
0x6c: {  	_ =	shalt  }
0x6d: {  	_ =	shalt  }
0x6e: {  	_ =	shalt  }
0x6f: {  	_ =	shalt  }
0x70: {  	_ =	shalt  }
0x71: {  	_ =	shalt  }
0x72: {  	_ =	shalt  }
0x73: {  	_ =	shalt  }
0x74: {  	_ =	shalt  }
0x75: {  	_ =	shalt  }
0x76: {  	_ =	shalt  }
0x77: {  	_ =	shalt  }
0x78: {  	_ =	shalt  }
0x79: {  	_ =	shalt  }
0x7a: {  	_ =	shalt  }
0x7b: {  	_ =	shalt  }
0x7c: {  	_ =	shalt  }
0x7d: {  	_ =	shalt  }
0x7e: {  	_ =	shalt  }
0x7f: {  	_ =	shalt  }
0x80: {  	_ =	shalt  }
0x81: {  	_ =	shalt  }
0x82: {  	_ =	shalt  }
0x83: {  	_ =	shalt  }
0x84: {  	_ =	shalt  }
0x85: {  	_ =	shalt  }
0x86: {  	_ =	shalt  }
0x87: {  	_ =	shalt  }
.Lfunc_end0:
.L_simem_size_0:
called_computation.1_lowered:
.L_overlay_start_0:
0x88: {  	s2 =	sld [smem:$0x3FD9]  }
0x89: {  	s3 =	sld [smem:$0x3FFE];
	_ =	sdelay $0x1  }
0x8a: {  	s1 =	srdreg.scid  }
0x8b: {  	s0 =	sand.u32 $0x1, s1  }
0x8c: {  	s16 =	sshll.u32 s0, $0xA;
	s2 =	sadd.s32 s3, s2  }
0x8d: {  	s2 =	sadd.s32 s2, s16  }
0x8e: {  	[smem:$0x3FC6] =	sst s2  }
0x8f: {  	_ = 	snop  }
0x90: {  	(tm) =	ssettm $0x1  }
0x91: {  	s17 =	sld [smem:$0x3FFB];
	_ =	sdelay $0x3  }
0x92: {  	_ =	strace s17  }
0x93: {  	s2 =	sld [smem:$0x3FFC];
	_ =	sdelay $0x3  }
0x94: {  	_ =	strace s2  }
0x95: {  	s2 =	sld [smem:$0x3FFD];
	_ =	sdelay $0x3  }
0x96: {  	_ =	strace s2  }
0x97: {  	_ =	strace $0x8FFFFFFF  }
0x98: {  	s18 =	sld [smem:$0x3FDB];
	_ =	sdelay $0x1  }
0x99: {  	s19 =	simm.s32 $_scs_section_size  }
0x9a: {  	s4 =	simm.s32 $_size__tile_overlayer_lowered;
	s5 =	simm.s32 $_tile_overlayer_lowered  }
0x9b: {  	s22 =	simm.s32 $0x1BFF;
	s21 =	sshll.u32 s5, $0x1;
	s2 =	sadd.s32 s19, s18  }
0x9c: {  	s6 =	simm.s32 $0x0;
	s20 =	sshll.u32 s4, $0x1;
	s4 =	sadd.s32 s21, s2  }
0x9d: {  	[timem:s6], [sflag:s22] =	dma.local [hbm:s4], s20  }
0x9e: {  	_ =	swait.ge [sflag:s22], s20  }
0x9f: {  	s3 =	ssub.s32 $0x0, s20;
	[sflag:s22] =	ssyncset.done $0x0  }
0xa0: {  	[sflag:s22] =	ssyncadd.s32 s3;
	_ =	sdelay $0x1  }
0xa1: {  	s23 =	simm.s32 $0x1B8B  }
0xa2: {  	_ =	swait.ge [sflag:s23], $0x1  }
0xa3: {  	[sflag:s23] =	ssyncset.done $0x0  }
0xa4: {  	s25 =	simm.s32 $0x1B8E;
	s24 =	sld [smem:$0x3FFE];
	[sflag:s23] =	ssyncadd.s32 $0xFFFFFFFF  }
0xa5: {  	s26 =	simm.s32 $execute0_lowered;
	[smem:$0x3FD2] =	sst s25  }
0xa6: {  	s4 =	sshll.u32 s26, $0x1;
	_ =	strace $0x80000049;
	[dreg:$0x1] =	wrdreg $0xFFFFFFFF  }
0xa7: {  	s28 =	simm.s32 $_size_execute0_lowered;
	s2 =	sadd.s32 s2, s4;
	[dreg:$0x0] =	wrdreg $0x0  }
0xa8: {  	s4 =	sshll.u32 s28, $0x1;
	[dreg:$0x2] =	wrdreg s2  }
0xa9: {  	[dreg:$0x3] =	wrdreg s4  }
0xaa: {  	[dreg:$0x4] =	wrdreg $0xC0  }
0xab: {  	_ =	task [dreg:s6], $0x5FFFF  }
0xac: {  	[dreg:$0x1] =	wrdreg $0xFFFFFFFF  }
0xad: {  	[dreg:$0x0] =	wrdreg $0x60  }
0xae: {  	[dreg:$0x2] =	wrdreg s24  }
0xaf: {  	[dreg:$0x3] =	wrdreg $0x0  }
0xb0: {  	[dreg:$0x4] =	wrdreg $0x9  }
0xb1: {  	_ =	task.clear_ibuf [dreg:s6], $0x5FFFF;
	_ =	strace $0x90000049  }
0xb2: {  	s29 =	simm.s32 $0x9;
	_ =	strace $0x8000004B  }
0xb3: {  	_ =	swait.ge [sflag:s29], $0x1  }
0xb4: {  	[sflag:s29] =	ssyncadd.s32 $0xFFFFFFFF  }
0xb5: {  	_ =	strace $0x9000004B  }
0xb6: {  	_ =	sfence  }
0xb7: {  	s30 =	sld [smem:$0x0];
	_ =	sdelay $0x2  }
0xb8: {  	s31 =	sshll.u32 s1, $0xD;
	s1 =	sshrl.u32 s1, $0x2  }
0xb9: {  	s3 =	sand.u32 $0x4000, s31;
	s1 =	sadd.s32 s1, s30  }
0xba: {  	s0 =	sor.u32 s3, s0;
	s1 =	sshll.u32 s1, $0x11  }
0xbb: {  	s0 =	sor.u32 s1, s0  }
0xbc: {  	s0 =	sadd.s32 $0x8F2B, s0  }
0xbd: {  	[sflag:s0] =	ssyncadd.remote.s32 $0x1  }
0xbe: {  	_ =	sfence.sel $0xFFFF  }
0xbf: {  	[dreg:$0x0] =	wrdreg $0xFFFFFFFF;
	(pc) =	sbr.abs _section_cstart, $3  }
0xc0: {  	[dreg:$0x1] =	wrdreg $0xFFFFFFFF  }
0xc1: {  	_ =	task.clear_ibuf [dreg:s6], $0x2FFFF;
	_ =	strace $0x9FFFFFFF  }
0xc2: {  	(tm) =	ssettm $0x7FFFFFFF  }
0xc3: {  	_ =	shalt  }
tec
execute0_lowered:
.L_overlay_start_1:
0x0: {  	(tag) =	ssettag $0x1  }
0x1: {  	s0 =	rddreg [dreg:$0x0]  }
0x2: {  	s1 =	rddreg [dreg:$0x1];
	s2 =	srdreg.scid;
	s3 =	simm.s32 $0x0  }
0x3: {  	s8 =	stileid.u32;
	s19 =	simm.s32 $0x14000;
	s20 =	simm.s32 $0xC  }
0x4: {  	s22 =	simm.s32 $0x50;
	s28 =	simm.s32 $0xB;
	s29 =	simm.s32 $0x8  }
0x5: {  	s30 =	simm.s32 $0x5;
	s2 =	sand.u32 $0x1, s2;
	s6 =	smul.u32 $0x14000, s8  }
0x6: {  	[smem:$0x7FF] =	sst s3;
	s4 =	sshll.u32 s8, $0x1;
	s8 =	smul.u32 $0x50000, s8  }
0x7: {  	s31 =	simm.s32 $0x9;
	s5 =	smul.u32 $0x140000, s2;
	_ =	strace $0x8000004A  }
0x8: {  	s7 =	sor.u32 s2, s4;
	s4 =	sadd.s32 $0x33800, s0;
	s2 =	ssub.s32 $0x2, s2  }
0x9: {  	s7 =	smul.u32 $0x6400, s7;
	s9 =	sshrl.u32 s2, $0x1;
	s8 =	sshrl.u32 s8, $0x2  }
0xa: {  	s6 =	sadd.s32 s6, s5;
	s5 =	sadd.s32 $0x1800, s0;
	s2 =	ssub.s32 s2, s9  }
0xb: {  	s8 =	sadd.s32 s8, s1;
	s6 =	sshrl.u32 s6, $0x3;
	s24 =	sshrl.u32 s7, $0x3  }
0xc: {  	s25 =	sadd.s32 $0x2800, s8;
	s26 =	sadd.s32 $0x5000, s8;
	s11 =	sadd.s32 $0x7800, s8  }
0xd: {  	s12 =	sadd.s32 $0xA000, s8;
	s13 =	sadd.s32 $0xC800, s8;
	s14 =	sadd.s32 $0xF000, s8  }
.Ltmp0:
0xe: {  	s15 =	sadd.s32 $0x11800, s8;
	s16 =	sadd.s32 $0x400, s7;
	(pc) =	sbr.rel .LBB2_1-.Ltmp0, $4  }
0xf: {  	s18 =	smax.u32 s2, $0x1;
	s2 =	simm.s32 $0x0;
	[dreg:$0x5] =	wrdreg s25  }
0x10: {  	s0 =	sadd.s32 s6, s0;
	s6 =	sadd.s32 s5, s24;
	[dreg:$0x6] =	wrdreg s26  }
0x11: {  	s26 =	simm.s32 $0x1C800;
	[dreg:$0x3] =	wrdreg s6;
	s6 =	sadd.s32 $0x19000, s6  }
0x12: {  	v0 =	vimm.f32 $0.0e+00;
	s17 =	sadd.s32 $0x5B800, s0;
	s0 =	simm.s32 $0xA;
	[dreg:$0x4] =	wrdreg s6  }
.LBB2_11:
0x13: {  	_ =	swait.ge [sflag:s29], $0x2800  }
0x14: {  	[sflag:s29] =	ssyncset.done $0x0  }
0x15: {  	[sflag:s29] =	ssyncadd.s32 $0xFFFFD800  }
0x16: {  	s6 =	stileid.u32;
	_ =	swait.ge [sflag:s30], $0x2800  }
0x17: {  	s7 =	sshrl.u32 s8, $0x3;
	s2 =	sadd.s32 $0x1, s2;
	[sflag:s30] =	ssyncset.done $0x0  }
0x18: {  	s6 =	sshll.u32 s6, $0x6;
	p0 =	sne.s32 s2, s18;
	[sflag:s30] =	ssyncadd.s32 $0xFFFFD800  }
.Ltmp1:
0x19: {  	s6 =	sor.u32 $0x1C0C, s6;
	[bflag:$0x0] =	sbarrier.arrive $0xFFFF;
	(pc) =	sbr.rel @!p0 .LBB2_12-.Ltmp1, $4  }
0x1a: {  	[hbm:s17], [sflag:s6] =	dma.local [spmem:s7], $0x2800  }
0x1b: {  	_ =	swait.ge [sflag:s20], $0x2800  }
0x1c: {  	[sflag:s20] =	ssyncset.done $0x0  }
0x1d: {  	[sflag:s20] =	ssyncadd.s32 $0xFFFFD800  }
.LBB2_1:
0x1e: {  	s6 =	rddreg [dreg:$0x3]  }
0x1f: {  	[tilespmem:s19], [sflag:$0xC] =	stream.linear.gather [hbm4b:s6+s3], $0x280, $0x38;
	[tilespmem:$0x1F000] =	vst v63  }
0x20: {  	_ =	swait.ge [sflag:s20], $0x280  }
0x21: {  	[sflag:s20] =	ssyncset.done $0x0  }
0x22: {  	s7 =	simm.s32 $0x14400;
	s21 =	rddreg [dreg:$0x4];
	[sflag:s20] =	ssyncadd.s32 $0xFFFFFD80  }
0x23: {  	[tilespmem:s7], [sflag:$0xC] =	stream.linear.gather [hbm4b:s21+s3], $0x280, $0x38;
	[tilespmem:$0x1F000] =	vst v63  }
0x24: {  	_ =	swait.ge [sflag:s20], $0x280  }
0x25: {  	[sflag:s20] =	ssyncset.done $0x0  }
0x26: {  	s23 =	simm.s32 $0x15000;
	s24 =	simm.s32 $0x14080;
	[sflag:s20] =	ssyncadd.s32 $0xFFFFFD80  }
0x27: {  	[tilespmem:s23], [sflag:$0x1] =	stream.indirect.gather [hbm4b:s4+s22], $0x80, s19, s22, $0xb8;
	[tilespmem:$0x1F000] =	vst v63  }
0x28: {  	s25 =	simm.s32 $0x17800;
	s7 =	simm.s32 $0x0;
	s21 =	simm.s32 $0x200  }
0x29: {  	[tilespmem:s25], [sflag:$0x2] =	stream.indirect.gather [hbm4b:s4+s22], $0x80, s24, s22, $0xb8;
	[tilespmem:$0x1F000] =	vst v63  }
.LBB2_2:
0x2a: {  	p0 =	sne.s32 s21, $0x9E00;
	[tilespmem:s7+$0x1C870] =	vst v0  }
0x2b: {  	[tilespmem:s7+$0x1C800] =	vst v0  }
0x2c: {  	[tilespmem:s7+$0x1C810] =	vst v0  }
.Ltmp2:
0x2d: {  	[tilespmem:s7+$0x1C820] =	vst v0;
	(pc) =	sbr.rel @p0 .LBB2_2-.Ltmp2, $4  }
0x2e: {  	[tilespmem:s7+$0x1C830] =	vst v0  }
0x2f: {  	[tilespmem:s7+$0x1C840] =	vst v0  }
0x30: {  	[tilespmem:s7+$0x1C850] =	vst v0  }
0x31: {  	[tilespmem:s7+$0x1C860] =	vst v0;
	s7 =	sshra.s32 s21, $0x2;
	s21 =	sadd.s32 $0x200, s21  }
0x32: {  	[tilespmem:s7+$0x1C870] =	vst v0  }
0x33: {  	[tilespmem:s7+$0x1C800] =	vst v0  }
0x34: {  	[tilespmem:s7+$0x1C810] =	vst v0  }
0x35: {  	[tilespmem:s7+$0x1C820] =	vst v0  }
0x36: {  	[tilespmem:s7+$0x1C830] =	vst v0  }
0x37: {  	[tilespmem:s7+$0x1C840] =	vst v0  }
0x38: {  	[tilespmem:s7+$0x1C850] =	vst v0  }
0x39: {  	[tilespmem:s7+$0x1C860] =	vst v0  }
0x3a: {  	[spmem:s8] =	stream.linear.scatter [tilespmem:s26], [sflag:$0xB], $0x2800, $0x38;
	[tilespmem:$0x1F000] =	vst v63  }
0x3b: {  	s6 =	rddreg [dreg:$0x5]  }
0x3c: {  	[spmem:s6] =	stream.linear.scatter [tilespmem:s26], [sflag:$0xB], $0x2800, $0x38;
	[tilespmem:$0x1F000] =	vst v63  }
0x3d: {  	s25 =	rddreg [dreg:$0x6]  }
0x3e: {  	[spmem:s25] =	stream.linear.scatter [tilespmem:s26], [sflag:$0xB], $0x2800, $0x38;
	[tilespmem:$0x1F000] =	vst v63  }
0x3f: {  	_ = 	snop  }
0x40: {  	[spmem:s11] =	stream.linear.scatter [tilespmem:s26], [sflag:$0xB], $0x2800, $0x38;
	[tilespmem:$0x1F000] =	vst v63  }
0x41: {  	_ = 	snop  }
0x42: {  	[spmem:s12] =	stream.linear.scatter [tilespmem:s26], [sflag:$0xB], $0x2800, $0x38;
	[tilespmem:$0x1F000] =	vst v63  }
0x43: {  	_ = 	snop  }
0x44: {  	[spmem:s13] =	stream.linear.scatter [tilespmem:s26], [sflag:$0xB], $0x2800, $0x38;
	[tilespmem:$0x1F000] =	vst v63  }
0x45: {  	_ = 	snop  }
0x46: {  	[spmem:s14] =	stream.linear.scatter [tilespmem:s26], [sflag:$0xB], $0x2800, $0x38;
	[tilespmem:$0x1F000] =	vst v63  }
0x47: {  	_ = 	snop  }
0x48: {  	[spmem:s15] =	stream.linear.scatter [tilespmem:s26], [sflag:$0xB], $0x2800, $0x38;
	[tilespmem:$0x1F000] =	vst v63  }
0x49: {  	_ =	swait.ge [sflag:s28], $0x2800  }
0x4a: {  	[sflag:s28] =	ssyncset.done $0x0  }
0x4b: {  	[sflag:s28] =	ssyncadd.s32 $0xFFFFD800  }
0x4c: {  	_ =	swait.ge [sflag:s28], $0x2800  }
0x4d: {  	[sflag:s28] =	ssyncset.done $0x0  }
0x4e: {  	[sflag:s28] =	ssyncadd.s32 $0xFFFFD800  }
0x4f: {  	_ =	swait.ge [sflag:s28], $0x2800  }
0x50: {  	[sflag:s28] =	ssyncset.done $0x0  }
0x51: {  	[sflag:s28] =	ssyncadd.s32 $0xFFFFD800  }
0x52: {  	_ =	swait.ge [sflag:s28], $0x2800  }
0x53: {  	[sflag:s28] =	ssyncset.done $0x0  }
0x54: {  	[sflag:s28] =	ssyncadd.s32 $0xFFFFD800  }
0x55: {  	_ =	swait.ge [sflag:s28], $0x2800  }
0x56: {  	[sflag:s28] =	ssyncset.done $0x0  }
0x57: {  	[sflag:s28] =	ssyncadd.s32 $0xFFFFD800  }
0x58: {  	_ =	swait.ge [sflag:s28], $0x2800  }
0x59: {  	[sflag:s28] =	ssyncset.done $0x0  }
0x5a: {  	[sflag:s28] =	ssyncadd.s32 $0xFFFFD800  }
0x5b: {  	_ =	swait.ge [sflag:s28], $0x2800  }
0x5c: {  	[sflag:s28] =	ssyncset.done $0x0  }
0x5d: {  	[sflag:s28] =	ssyncadd.s32 $0xFFFFD800  }
0x5e: {  	_ =	swait.ge [sflag:s28], $0x2800  }
0x5f: {  	[sflag:s28] =	ssyncset.done $0x0  }
0x60: {  	[sflag:s28] =	ssyncadd.s32 $0xFFFFD800  }
0x61: {  	s21 =	simm.s32 $0x2;
	[bflag:$0x0] =	sbarrier.arrive $0xFFFF  }
.LBB2_4:
0x62: {  	s23 =	sadd.s32 $0xFFFFFFFE, s21  }
0x63: {  	s7 =	smul.u32 $0xCD, s23;
	_ =	sdelay $0x1  }
0x64: {  	s25 =	sshrl.u32 s7, $0xA  }
0x65: {  	s9 =	sand.u32 $0x3F, s25  }
0x66: {  	s24 =	smul.u32 $0x5, s9;
	_ =	sdelay $0x1  }
0x67: {  	p0 =	sgt.u32 s23, $0x77;
	s24 =	ssub.s32 s23, s24  }
0x68: {  	s10 =	sand.u32 @!p0 $0xFF, s24  }
0x69: {  	p2 =	sne.s32 @!p0 s10, $0x2  }
0x6a: {  	p2 =	por p0, p2  }
.Ltmp3:
0x6b: {  	p1 =	slt.u32 s23, $0x2;
	s7 =	sand.u32 $0x3, s21;
	(pc) =	sbr.rel @p2 .LBB2_6-.Ltmp3, $4  }
0x6c: {  	s6 =	sadd.s32 @!p1 $0x5, s7  }
0x6d: {  	_ =	swait.ge @!p1 [sflag:s6], $0x2800  }
0x6e: {  	s25 =	sand.u32 $0x1, s25;
	[sflag:s6] =	ssyncset.done @!p1 $0x0  }
0x6f: {  	s25 =	sshll.u32 s25, $0xB;
	[sflag:s6] =	ssyncadd.s32 @!p1 $0xFFFFD800  }
0x70: {  	s6 =	sshll.u32 s9, $0xA  }
0x71: {  	s6 =	sadd.s32 s6, s16  }
.Ltmp4:
0x72: {  	s6 =	sshrl.u32 s6, $0x3;
	(pc) =	sbr.rel .LBB2_9-.Ltmp4, $4  }
0x73: {  	s10 =	sxor.u32 $0x14800, s25;
	s6 =	sadd.s32 s5, s6  }
0x74: {  	[tilespmem:s10], [sflag:$0x9] =	stream.linear.gather [hbm4b:s6+s3], $0x280, $0x38;
	[tilespmem:$0x1F000] =	vst v63  }
0x75: {  	s10 =	sxor.u32 $0x14C00, s25;
	s6 =	sadd.s32 $0x19000, s6  }
0x76: {  	[tilespmem:s10], [sflag:$0xA] =	stream.linear.gather [hbm4b:s6+s3], $0x280, $0x38;
	[tilespmem:$0x1F000] =	vst v63  }
.LBB2_6:
0x77: {  	p1 =	sne.s32 @!p0 s10, $0x3  }
0x78: {  	p0 =	por p0, p1  }
.Ltmp5:
0x79: {  	_ = 	snop;
	(pc) =	sbr.rel @p0 .LBB2_8-.Ltmp5, $1  }
0x7a: {  	_ =	sdelay $0x3  }
0x7b: {  	_ =	swait.ge [sflag:s31], $0x280  }
0x7c: {  	[sflag:s31] =	ssyncset.done $0x0  }
0x7d: {  	[sflag:s31] =	ssyncadd.s32 $0xFFFFFD80  }
0x7e: {  	_ =	swait.ge [sflag:s0], $0x280  }
0x7f: {  	[sflag:s0] =	ssyncset.done $0x0  }
0x80: {  	[sflag:s0] =	ssyncadd.s32 $0xFFFFFD80  }
.LBB2_9:
0x81: {  	s6 =	smul.u32 $0xCD, s21;
	_ =	sdelay $0x1  }
0x82: {  	s9 =	sshrl.u32 s6, $0xA  }
0x83: {  	s9 =	sand.u32 $0x3F, s9  }
0x84: {  	s9 =	smul.u32 $0x5, s9;
	_ =	sdelay $0x1  }
0x85: {  	s9 =	ssub.s32 s21, s9  }
0x86: {  	s10 =	smul.u32 $0xA000, s7;
	s6 =	sshll.u32 s6, $0x1;
	s9 =	sand.u32 $0x7F, s9  }
0x87: {  	s6 =	sand.u32 $0x800, s6;
	s9 =	sshll.u32 s9, $0x7  }
0x88: {  	s10 =	sshrl.u32 s10, $0x2;
	s6 =	sor.u32 s9, s6  }
0x89: {  	s9 =	sadd.s32 $0x15000, s10;
	s10 =	sadd.s32 $0x1, s7;
	s6 =	sor.u32 $0x14000, s6  }
0x8a: {  	[tilespmem:s9], [sflag:s10] =	stream.indirect.gather [hbm4b:s4+s22], $0x80, s6, s22, $0xb8;
	[tilespmem:$0x1F000] =	vst v63  }
.LBB2_10:
0x8b: {  	s6 =	sand.u32 $0x3, s23;
	s21 =	sadd.s32 $0x1, s21  }
0x8c: {  	s9 =	sand.u32 $0xFF, s24;
	s7 =	smul.u32 $0xA000, s6;
	p0 =	sne.s32 s21, $0x7F  }
.Ltmp6:
0x8d: {  	s10 =	sadd.s32 $0x1, s6;
	s9 =	sshll.u32 s9, $0x7;
	(pc) =	sbr.rel @p0 .LBB2_4-.Ltmp6, $4  }
.Ltmp7:
0x8e: {  	s6 =	sadd.s32 $0x5, s6;
	_ =	swait.ge [sflag:s10], $0x2800;
	(pc) =	sbr.rel @!p0 .LBB2_11-.Ltmp7, $4  }
0x8f: {  	s9 =	sadd.s32 s9, s25;
	s7 =	sshrl.u32 s7, $0x2;
	[sflag:s10] =	ssyncset.done $0x0  }
0x90: {  	s9 =	sadd.s32 $0x14400, s9;
	s7 =	sadd.s32 $0x15000, s7;
	[sflag:s10] =	ssyncadd.s32 $0xFFFFD800  }
0x91: {  	[spmem:s1] =	stream.indirect.scatter.add.f32 [tilespmem:s7], [sflag:s6], $0x80, s9, s22, $0xb8;
	[tilespmem:$0x1F000] =	vst v63  }
0x92: {  	_ = 	snop  }
.LBB2_8:
0x93: {  	p0 =	sgt.u32 s23, $0x7A  }
.Ltmp8:
0x94: {  	_ = 	snop;
	(pc) =	sbr.rel @p0 .LBB2_10-.Ltmp8, $4  }
.Ltmp9:
0x95: {  	_ = 	snop;
	(pc) =	sbr.rel @!p0 .LBB2_9-.Ltmp9, $4  }
0x96: {  	_ = 	snop  }
0x97: {  	_ = 	snop  }
0x98: {  	_ = 	snop  }
0x99: {  	_ = 	snop  }
.LBB2_12:
0x9a: {  	_ =	sfence.sel $0x180000  }
0x9b: {  	[bflag:$0x0] =	sbarrier.arrive $0xFFFF  }
0x9c: {  	_ =	strace $0x9000004A  }
0x9d: {  	s0 =	stileid.u32;
	[bflag:$0x2] =	sbarrier.arrive $0xFFFF  }
0x9e: {  	p0 =	sne.s32 s0, $0x0;
	s0 =	rddreg [dreg:$0x2]  }
0x9f: {  	s0 =	sadd.s32 @!p0 $0x100000, s0  }
0xa0: {  	[sflag:s0] =	ssyncadd.tile.s32 @!p0 $0x1;
	_ =	shalt  }
.Lfunc_end2:
_tile_overlayer_lowered:
.L_overlay_start_2:
0xa1: {  	(tag) =	ssettag $0x2  }
0xa2: {  	s0 =	rddreg [dreg:$0x0];
	s2 =	stileid.u32  }
0xa3: {  	s1 =	rddreg [dreg:$0x1];
	p0 =	sne.s32 s2, $0x0  }
0xa4: {  	s3 =	rddreg [dreg:$0x2];
	[bflag:$0x3] =	sbarrier.arrive $0xFFFF;
	s2 =	simm.s32 @!p0 $0x1C0C  }
0xa5: {  	[timem:s3], [sflag:s2] =	dma.local @!p0 [hbm:s0], s1  }
0xa6: {  	s0 =	simm.s32 @!p0 $0xC  }
0xa7: {  	_ =	swait.ge @!p0 [sflag:s0], s1  }
0xa8: {  	s1 =	ssub.s32 @!p0 $0x0, s1;
	[sflag:s0] =	ssyncset.done @!p0 $0x0  }
0xa9: {  	[sflag:s0] =	ssyncadd.s32 @!p0 s1  }
0xaa: {  	[bflag:$0x3] =	sbarrier.arrive $0xFFFF  }
0xab: {  	_ =	shalt  }

</sc_bundles>
